<compile_context>
chip_gen: v7x
topology: tpu7x:2x2x1
jax: 0.10.2.dev20260603
libtpu: 0.0.44.dev20260713+nightly
codegen_flags: <defaults>
</compile_context>

<pallas_src>
import functools

import jax
import jax.numpy as jnp
from jax import lax
from jax.experimental import pallas as pl
from jax.experimental.pallas import tpu as pltpu
from jax.experimental.pallas import tpu_sc as plsc

B, C, H, W = 8, 96, 224, 224
OH, OW = H // 2, W // 2
N_IMG = B * C
N_WORKERS = 32
IMG_PER_W = N_IMG // N_WORKERS
LANES = 16


def _pool_image(in_v, out_v, xor1, even_mask, last_cols):
    @plsc.parallel_loop(0, OH, unroll=2)
    def _row(r):
        row_vec = jnp.full((LANES,), r, jnp.int32)
        for j in range(W // LANES):
            a = in_v[2 * r, pl.ds(j * LANES, LANES)]
            b = in_v[2 * r + 1, pl.ds(j * LANES, LANES)]
            m = jnp.maximum(a, b)
            h = jnp.maximum(m, m.at[xor1].get(mode="promise_in_bounds"))
            if j < W // LANES - 1:
                plsc.store_compressed(out_v.at[r, pl.ds(j * 8, LANES)], h,
                                      mask=even_mask)
            else:
                plsc.store_scatter(out_v, [row_vec, last_cols], h,
                                   mask=even_mask)


def _pool_kernel(x_hbm, out_hbm, in0, in1, out_v,
                 sem_in0, sem_in1, sem_out):
    c = lax.axis_index("c")
    s = lax.axis_index("s")
    wid = s * 2 + c
    first = wid * IMG_PER_W

    xor1 = lax.iota(jnp.int32, LANES) ^ 1
    even_mask = (lax.iota(jnp.int32, LANES) & 1) == 0
    last_cols = (W // LANES - 1) * 8 + (lax.iota(jnp.int32, LANES) >> 1)

    pltpu.async_copy(x_hbm.at[first], in0, sem_in0)
    pltpu.async_copy(x_hbm.at[first + 1], in1, sem_in1)

    n_pairs = IMG_PER_W // 2

    def pair_body(k, carry):
        img0 = first + 2 * k

        for in_v, sem_in, img, is_first in (
            (in0, sem_in0, img0, True),
            (in1, sem_in1, img0 + 1, False),
        ):
            pltpu.make_async_copy(x_hbm.at[first], in_v, sem_in).wait()

            @pl.when((k > 0) | (not is_first))
            def _():
                pltpu.make_async_copy(out_v, out_hbm.at[first],
                                      sem_out).wait()

            _pool_image(in_v, out_v, xor1, even_mask, last_cols)
            pltpu.async_copy(out_v, out_hbm.at[img], sem_out)

            @pl.when(k < n_pairs - 1)
            def _():
                pltpu.async_copy(x_hbm.at[img + 2], in_v, sem_in)

        return carry

    lax.fori_loop(0, n_pairs, pair_body, 0)

    pltpu.make_async_copy(out_v, out_hbm.at[first], sem_out).wait()


def kernel(u):
    x = u.reshape(N_IMG, H, W)
    mesh = plsc.VectorSubcoreMesh(core_axis_name="c", subcore_axis_name="s")
    run = functools.partial(
        pl.kernel,
        mesh=mesh,
        out_type=jax.ShapeDtypeStruct((N_IMG, OH, OW), jnp.float32),
        scratch_types=[
            pltpu.VMEM((H, W), jnp.float32),
            pltpu.VMEM((H, W), jnp.float32),
            pltpu.VMEM((OH, OW), jnp.float32),
            pltpu.SemaphoreType.DMA,
            pltpu.SemaphoreType.DMA,
            pltpu.SemaphoreType.DMA,
        ],
        compiler_params=pltpu.CompilerParams(needs_layout_passes=False),
    )(_pool_kernel)
    out = run(x)
    return out.reshape(B, C, OH, OW)

# --- scband reference (transcript-rebuilt; emitter-appended) ---
"""Pipeline reference for scband-pool-51041391346036 (READ-ONLY COPY).

The authoritative reference and input builder live on the scoring server;
editing this copy changes nothing except your own understanding.
"""

import jax, jax.numpy as jnp
import numpy as np

KERNEL = (2, 2)
STRIDE = (2, 2)


def setup_inputs(seed: int = 0) -> dict:
    key = jax.random.key(seed)
    u = jax.random.normal(key, (8, 96, 224, 224), dtype=jnp.float32)
    return {"u": u}


def reference(u):
    # Pool module with pool_fn='max_pool', kernel_size=(2,2), stride=(2,2),
    # rfs=None (no receptive-field masking), retain_shape=False, apply_mask=False.
    # Equivalent to non-overlapping 2x2 max pooling over (h, w) of a
    # (batch, ch, h, w) input -> (batch, ch, h//2, w//2).
    out = jax.lax.reduce_window(
        u,
        -jnp.inf,
        jax.lax.max,
        window_dimensions=(1, 1, KERNEL[0], KERNEL[1]),
        window_strides=(1, 1, STRIDE[0], STRIDE[1]),
        padding="VALID",
    )
    return out

if __name__ == "__main__":
    import jax
    _d = setup_inputs()
    print(jax.jit(kernel)(*tuple(_d.values())))

</pallas_src>

<mosaic_0001>
#map = affine_map<(d0, d1) -> (0, 0, 0)>
module attributes {stable_mosaic.version = 14 : i64} {
  func.func @_pool_kernel(%arg0: i32, %arg1: i32, %arg2: memref<768x224x224xf32, #tpu.memory_space<hbm>>, %arg3: memref<768x112x112xf32, #tpu.memory_space<hbm>>, %arg4: memref<224x224xf32, #tpu.memory_space<vmem>>, %arg5: memref<224x224xf32, #tpu.memory_space<vmem>>, %arg6: memref<112x112xf32, #tpu.memory_space<vmem>>, %arg7: memref<!tpu.dma_semaphore, #tpu.memory_space<semaphore_mem>>, %arg8: memref<!tpu.dma_semaphore, #tpu.memory_space<semaphore_mem>>, %arg9: memref<!tpu.dma_semaphore, #tpu.memory_space<semaphore_mem>>) attributes {dimension_semantics = [#tpu.dimension_semantics<core_parallel>, #tpu.dimension_semantics<subcore_parallel>], iteration_bounds = array<i64: 2, 16>, scalar_prefetch = 0 : i64, scratch_operands = 6 : i64, tpu.core_type = #tpu.core_type<sc_vector_subcore>, window_params = [{transform_indices = #map}, {transform_indices = #map}]} {
    %mul3A = arith.constant 2 : i32
    %mul3A_0 = arith.muli %arg1, %mul3A : i32
    %add3A = arith.addi %mul3A_0, %arg0 : i32
    %mul3A_1 = arith.constant 24 : i32
    %mul3A_2 = arith.muli %add3A, %mul3A_1 : i32
    %iota3A = tpu.iota {dimensions = array<i32: 0>} : vector<16xi32>
    %xor3A = arith.constant 1 : i32
    %xor3A_3 = vector.broadcast %xor3A : i32 to vector<16xi32>
    %xor3A_4 = arith.xori %iota3A, %xor3A_3 : vector<16xi32>
    %iota3A_5 = tpu.iota {dimensions = array<i32: 0>} : vector<16xi32>
    %and3A = arith.constant 1 : i32
    %and3A_6 = vector.broadcast %and3A : i32 to vector<16xi32>
    %and3A_7 = arith.andi %iota3A_5, %and3A_6 : vector<16xi32>
    %eq3A = arith.constant 0 : i32
    %eq3A_8 = vector.broadcast %eq3A : i32 to vector<16xi32>
    %eq3A_9 = arith.cmpi eq, %and3A_7, %eq3A_8 : vector<16xi32>
    %iota3A_10 = tpu.iota {dimensions = array<i32: 0>} : vector<16xi32>
    %shift_right_arithmetic3A = arith.constant 1 : i32
    %shift_right_arithmetic3A_11 = vector.broadcast %shift_right_arithmetic3A : i32 to vector<16xi32>
    %shift_right_arithmetic3A_12 = arith.shrsi %iota3A_10, %shift_right_arithmetic3A_11 : vector<16xi32>
    %add3A_13 = arith.constant 104 : i32
    %add3A_14 = vector.broadcast %add3A_13 : i32 to vector<16xi32>
    %add3A_15 = arith.addi %add3A_14, %shift_right_arithmetic3A_12 : vector<16xi32>
    %dma_start3A = arith.constant 0 : i32
    %dma_start3A_16 = arith.constant 0 : i32
    %dma_start3A_17 = tpu.memref_slice %arg2[%mul3A_2, %dma_start3A, %dma_start3A_16] : memref<768x224x224xf32, #tpu.memory_space<hbm>> -> memref<1x224x224xf32, #tpu.memory_space<hbm>>
    %dma_start3A_18 = tpu.memref_squeeze %dma_start3A_17 : memref<1x224x224xf32, #tpu.memory_space<hbm>> -> memref<224x224xf32, #tpu.memory_space<hbm>>
    %dma_start3A_19 = arith.constant 0 : i32
    %dma_start3A_20 = arith.constant 0 : i32
    %dma_start3A_21 = tpu.memref_slice %arg2[%mul3A_2, %dma_start3A_19, %dma_start3A_20] : memref<768x224x224xf32, #tpu.memory_space<hbm>> -> memref<1x224x224xf32, #tpu.memory_space<hbm>>
    %dma_start3A_22 = tpu.memref_squeeze %dma_start3A_21 : memref<1x224x224xf32, #tpu.memory_space<hbm>> -> memref<224x224xf32, #tpu.memory_space<hbm>>
    tpu.enqueue_dma source(%dma_start3A_22 : memref<224x224xf32, #tpu.memory_space<hbm>>) target(%arg4 : memref<224x224xf32, #tpu.memory_space<vmem>>) target_semaphore(%arg7 : memref<!tpu.dma_semaphore, #tpu.memory_space<semaphore_mem>>)
    %add3A_23 = arith.constant 1 : i32
    %add3A_24 = arith.addi %mul3A_2, %add3A_23 : i32
    %dma_start3A_25 = arith.constant 0 : i32
    %dma_start3A_26 = arith.constant 0 : i32
    %dma_start3A_27 = tpu.memref_slice %arg2[%add3A_24, %dma_start3A_25, %dma_start3A_26] : memref<768x224x224xf32, #tpu.memory_space<hbm>> -> memref<1x224x224xf32, #tpu.memory_space<hbm>>
    %dma_start3A_28 = tpu.memref_squeeze %dma_start3A_27 : memref<1x224x224xf32, #tpu.memory_space<hbm>> -> memref<224x224xf32, #tpu.memory_space<hbm>>
    %dma_start3A_29 = arith.constant 0 : i32
    %dma_start3A_30 = arith.constant 0 : i32
    %dma_start3A_31 = tpu.memref_slice %arg2[%add3A_24, %dma_start3A_29, %dma_start3A_30] : memref<768x224x224xf32, #tpu.memory_space<hbm>> -> memref<1x224x224xf32, #tpu.memory_space<hbm>>
    %dma_start3A_32 = tpu.memref_squeeze %dma_start3A_31 : memref<1x224x224xf32, #tpu.memory_space<hbm>> -> memref<224x224xf32, #tpu.memory_space<hbm>>
    tpu.enqueue_dma source(%dma_start3A_32 : memref<224x224xf32, #tpu.memory_space<hbm>>) target(%arg5 : memref<224x224xf32, #tpu.memory_space<vmem>>) target_semaphore(%arg8 : memref<!tpu.dma_semaphore, #tpu.memory_space<semaphore_mem>>)
    %scan3A = arith.constant 0 : i32
    %scan3A_33 = arith.constant 0 : i32
    %scan3A_34 = arith.constant 12 : i32
    %scan3A_35 = arith.addi %scan3A_33, %scan3A_34 : i32
    %scan3A_36 = arith.constant 1 : i32
    scf.for %scan3A_45 = %scan3A_33 to %scan3A_35 step %scan3A_36  : i32 {
      %mul3A_46 = arith.constant 2 : i32
      %mul3A_47 = arith.muli %mul3A_46, %scan3A_45 : i32
      %add3A_48 = arith.addi %mul3A_2, %mul3A_47 : i32
      %add3A_49 = arith.constant 1 : i32
      %add3A_50 = arith.addi %add3A_48, %add3A_49 : i32
      %dma_wait3A_51 = arith.constant 0 : i32
      %dma_wait3A_52 = arith.constant 0 : i32
      %dma_wait3A_53 = tpu.memref_slice %arg2[%mul3A_2, %dma_wait3A_51, %dma_wait3A_52] : memref<768x224x224xf32, #tpu.memory_space<hbm>> -> memref<1x224x224xf32, #tpu.memory_space<hbm>>
      %dma_wait3A_54 = tpu.memref_squeeze %dma_wait3A_53 : memref<1x224x224xf32, #tpu.memory_space<hbm>> -> memref<224x224xf32, #tpu.memory_space<hbm>>
      %dma_wait3A_55 = arith.constant 0 : i32
      %dma_wait3A_56 = arith.constant 0 : i32
      %dma_wait3A_57 = tpu.memref_slice %arg2[%mul3A_2, %dma_wait3A_55, %dma_wait3A_56] : memref<768x224x224xf32, #tpu.memory_space<hbm>> -> memref<1x224x224xf32, #tpu.memory_space<hbm>>
      %dma_wait3A_58 = tpu.memref_squeeze %dma_wait3A_57 : memref<1x224x224xf32, #tpu.memory_space<hbm>> -> memref<224x224xf32, #tpu.memory_space<hbm>>
      tpu.wait_dma2 semaphore(%arg7 : memref<!tpu.dma_semaphore, #tpu.memory_space<semaphore_mem>>) src(%dma_wait3A_58 : memref<224x224xf32, #tpu.memory_space<hbm>>) dst(%arg4 : memref<224x224xf32, #tpu.memory_space<vmem>>)
      %gt3A = arith.constant 0 : i32
      %gt3A_59 = arith.cmpi sgt, %scan3A_45, %gt3A : i32
      %or3A = arith.constant false
      %or3A_60 = arith.ori %gt3A_59, %or3A : i1
      %convert_element_type3A = arith.extui %or3A_60 : i1 to i32
      %cond3A = arith.constant 0 : i32
      %cond3A_61 = arith.cmpi ne, %convert_element_type3A, %cond3A : i32
      scf.if %cond3A_61 {
        %dma_wait3A_107 = arith.constant 0 : i32
        %dma_wait3A_108 = arith.constant 0 : i32
        %dma_wait3A_109 = tpu.memref_slice %arg3[%mul3A_2, %dma_wait3A_107, %dma_wait3A_108] : memref<768x112x112xf32, #tpu.memory_space<hbm>> -> memref<1x112x112xf32, #tpu.memory_space<hbm>>
        %dma_wait3A_110 = tpu.memref_squeeze %dma_wait3A_109 : memref<1x112x112xf32, #tpu.memory_space<hbm>> -> memref<112x112xf32, #tpu.memory_space<hbm>>
        %dma_wait3A_111 = arith.constant 0 : i32
        %dma_wait3A_112 = arith.constant 0 : i32
        %dma_wait3A_113 = tpu.memref_slice %arg3[%mul3A_2, %dma_wait3A_111, %dma_wait3A_112] : memref<768x112x112xf32, #tpu.memory_space<hbm>> -> memref<1x112x112xf32, #tpu.memory_space<hbm>>
        %dma_wait3A_114 = tpu.memref_squeeze %dma_wait3A_113 : memref<1x112x112xf32, #tpu.memory_space<hbm>> -> memref<112x112xf32, #tpu.memory_space<hbm>>
        tpu.wait_dma2 semaphore(%arg9 : memref<!tpu.dma_semaphore, #tpu.memory_space<semaphore_mem>>) src(%arg6 : memref<112x112xf32, #tpu.memory_space<vmem>>) dst(%dma_wait3A_114 : memref<112x112xf32, #tpu.memory_space<hbm>>)
      } else {
      }
      %parallel_loop3A = arith.constant 0 : i32
      %parallel_loop3A_62 = arith.constant 112 : i32
      %parallel_loop3A_63 = arith.constant 1 : i32
      scf.for %parallel_loop3A_107 = %parallel_loop3A to %parallel_loop3A_62 step %parallel_loop3A_63  : i32 {
        %parallel_loop3A_108 = vector.broadcast %parallel_loop3A_107 : i32 to vector<16xi32>
        %parallel_loop3A_109 = arith.constant 2 : i32
        %parallel_loop3A_110 = arith.muli %parallel_loop3A_109, %parallel_loop3A_107 : i32
        %parallel_loop3A_111 = arith.index_cast %parallel_loop3A_110 : i32 to index
        %parallel_loop3A_112 = arith.constant 0 : index
        %parallel_loop3A_113 = tpu.vector_load %arg4[%parallel_loop3A_111, %parallel_loop3A_112] {strides = array<i32>} : memref<224x224xf32, #tpu.memory_space<vmem>>, vector<16xf32>,
        %parallel_loop3A_114 = arith.constant 2 : i32
        %parallel_loop3A_115 = arith.muli %parallel_loop3A_114, %parallel_loop3A_107 : i32
        %parallel_loop3A_116 = arith.constant 1 : i32
        %parallel_loop3A_117 = arith.addi %parallel_loop3A_115, %parallel_loop3A_116 : i32
        %parallel_loop3A_118 = arith.index_cast %parallel_loop3A_117 : i32 to index
        %parallel_loop3A_119 = arith.constant 0 : index
        %parallel_loop3A_120 = tpu.vector_load %arg4[%parallel_loop3A_118, %parallel_loop3A_119] {strides = array<i32>} : memref<224x224xf32, #tpu.memory_space<vmem>>, vector<16xf32>,
        %parallel_loop3A_121 = arith.maximumf %parallel_loop3A_113, %parallel_loop3A_120 : vector<16xf32>
        %parallel_loop3A_122 = arith.constant 0 : i32
        %parallel_loop3A_123 = vector.broadcast %parallel_loop3A_122 : i32 to vector<16xi32>
        %parallel_loop3A_124 = arith.cmpi slt, %xor3A_4, %parallel_loop3A_123 : vector<16xi32>
        %parallel_loop3A_125 = arith.constant 16 : i32
        %parallel_loop3A_126 = vector.broadcast %parallel_loop3A_125 : i32 to vector<16xi32>
        %parallel_loop3A_127 = arith.addi %xor3A_4, %parallel_loop3A_126 : vector<16xi32>
        %parallel_loop3A_128 = arith.select %parallel_loop3A_124, %parallel_loop3A_127, %xor3A_4 : vector<16xi1>, vector<16xi32>
        %parallel_loop3A_129 = vector.shape_cast %parallel_loop3A_128 : vector<16xi32> to vector<16x1xi32>
        %parallel_loop3A_130 = vector.shape_cast %parallel_loop3A_129 : vector<16x1xi32> to vector<16xi32>
        %parallel_loop3A_131 = tpu.dynamic_gather %parallel_loop3A_121[%parallel_loop3A_130] in [0] : vector<16xf32>, vector<16xi32> -> vector<16xf32>
        %parallel_loop3A_132 = arith.maximumf %parallel_loop3A_121, %parallel_loop3A_131 : vector<16xf32>
        %parallel_loop3A_133 = arith.index_cast %parallel_loop3A_107 : i32 to index
        %parallel_loop3A_134 = arith.constant 0 : index
        %parallel_loop3A_135 = tpu.vector_load %arg6[%parallel_loop3A_133, %parallel_loop3A_134] masked %eq3A_9 {strides = array<i32>} : memref<112x112xf32, #tpu.memory_space<vmem>>, vector<16xf32>, vector<16xi1>
        tpu.vector_store %arg6[%parallel_loop3A_133, %parallel_loop3A_134], %parallel_loop3A_132 masked %eq3A_9 {strides = array<i32>} : memref<112x112xf32, #tpu.memory_space<vmem>>, vector<16xf32>, vector<16xi1>
        %parallel_loop3A_136 = arith.constant 2 : i32
        %parallel_loop3A_137 = arith.muli %parallel_loop3A_136, %parallel_loop3A_107 : i32
        %parallel_loop3A_138 = arith.index_cast %parallel_loop3A_137 : i32 to index
        %parallel_loop3A_139 = arith.constant 16 : index
        %parallel_loop3A_140 = tpu.vector_load %arg4[%parallel_loop3A_138, %parallel_loop3A_139] {strides = array<i32>} : memref<224x224xf32, #tpu.memory_space<vmem>>, vector<16xf32>,
        %parallel_loop3A_141 = arith.constant 2 : i32
        %parallel_loop3A_142 = arith.muli %parallel_loop3A_141, %parallel_loop3A_107 : i32
        %parallel_loop3A_143 = arith.constant 1 : i32
        %parallel_loop3A_144 = arith.addi %parallel_loop3A_142, %parallel_loop3A_143 : i32
        %parallel_loop3A_145 = arith.index_cast %parallel_loop3A_144 : i32 to index
        %parallel_loop3A_146 = arith.constant 16 : index
        %parallel_loop3A_147 = tpu.vector_load %arg4[%parallel_loop3A_145, %parallel_loop3A_146] {strides = array<i32>} : memref<224x224xf32, #tpu.memory_space<vmem>>, vector<16xf32>,
        %parallel_loop3A_148 = arith.maximumf %parallel_loop3A_140, %parallel_loop3A_147 : vector<16xf32>
        %parallel_loop3A_149 = arith.constant 0 : i32
        %parallel_loop3A_150 = vector.broadcast %parallel_loop3A_149 : i32 to vector<16xi32>
        %parallel_loop3A_151 = arith.cmpi slt, %xor3A_4, %parallel_loop3A_150 : vector<16xi32>
        %parallel_loop3A_152 = arith.constant 16 : i32
        %parallel_loop3A_153 = vector.broadcast %parallel_loop3A_152 : i32 to vector<16xi32>
        %parallel_loop3A_154 = arith.addi %xor3A_4, %parallel_loop3A_153 : vector<16xi32>
        %parallel_loop3A_155 = arith.select %parallel_loop3A_151, %parallel_loop3A_154, %xor3A_4 : vector<16xi1>, vector<16xi32>
        %parallel_loop3A_156 = vector.shape_cast %parallel_loop3A_155 : vector<16xi32> to vector<16x1xi32>
        %parallel_loop3A_157 = vector.shape_cast %parallel_loop3A_156 : vector<16x1xi32> to vector<16xi32>
        %parallel_loop3A_158 = tpu.dynamic_gather %parallel_loop3A_148[%parallel_loop3A_157] in [0] : vector<16xf32>, vector<16xi32> -> vector<16xf32>
        %parallel_loop3A_159 = arith.maximumf %parallel_loop3A_148, %parallel_loop3A_158 : vector<16xf32>
        %parallel_loop3A_160 = arith.index_cast %parallel_loop3A_107 : i32 to index
        %parallel_loop3A_161 = arith.constant 8 : index
        %parallel_loop3A_162 = tpu.vector_load %arg6[%parallel_loop3A_160, %parallel_loop3A_161] masked %eq3A_9 {strides = array<i32>} : memref<112x112xf32, #tpu.memory_space<vmem>>, vector<16xf32>, vector<16xi1>
        tpu.vector_store %arg6[%parallel_loop3A_160, %parallel_loop3A_161], %parallel_loop3A_159 masked %eq3A_9 {strides = array<i32>} : memref<112x112xf32, #tpu.memory_space<vmem>>, vector<16xf32>, vector<16xi1>
        %parallel_loop3A_163 = arith.constant 2 : i32
        %parallel_loop3A_164 = arith.muli %parallel_loop3A_163, %parallel_loop3A_107 : i32
        %parallel_loop3A_165 = arith.index_cast %parallel_loop3A_164 : i32 to index
        %parallel_loop3A_166 = arith.constant 32 : index
        %parallel_loop3A_167 = tpu.vector_load %arg4[%parallel_loop3A_165, %parallel_loop3A_166] {strides = array<i32>} : memref<224x224xf32, #tpu.memory_space<vmem>>, vector<16xf32>,
        %parallel_loop3A_168 = arith.constant 2 : i32
        %parallel_loop3A_169 = arith.muli %parallel_loop3A_168, %parallel_loop3A_107 : i32
        %parallel_loop3A_170 = arith.constant 1 : i32
        %parallel_loop3A_171 = arith.addi %parallel_loop3A_169, %parallel_loop3A_170 : i32
        %parallel_loop3A_172 = arith.index_cast %parallel_loop3A_171 : i32 to index
        %parallel_loop3A_173 = arith.constant 32 : index
        %parallel_loop3A_174 = tpu.vector_load %arg4[%parallel_loop3A_172, %parallel_loop3A_173] {strides = array<i32>} : memref<224x224xf32, #tpu.memory_space<vmem>>, vector<16xf32>,
        %parallel_loop3A_175 = arith.maximumf %parallel_loop3A_167, %parallel_loop3A_174 : vector<16xf32>
        %parallel_loop3A_176 = arith.constant 0 : i32
        %parallel_loop3A_177 = vector.broadcast %parallel_loop3A_176 : i32 to vector<16xi32>
        %parallel_loop3A_178 = arith.cmpi slt, %xor3A_4, %parallel_loop3A_177 : vector<16xi32>
        %parallel_loop3A_179 = arith.constant 16 : i32
        %parallel_loop3A_180 = vector.broadcast %parallel_loop3A_179 : i32 to vector<16xi32>
        %parallel_loop3A_181 = arith.addi %xor3A_4, %parallel_loop3A_180 : vector<16xi32>
        %parallel_loop3A_182 = arith.select %parallel_loop3A_178, %parallel_loop3A_181, %xor3A_4 : vector<16xi1>, vector<16xi32>
        %parallel_loop3A_183 = vector.shape_cast %parallel_loop3A_182 : vector<16xi32> to vector<16x1xi32>
        %parallel_loop3A_184 = vector.shape_cast %parallel_loop3A_183 : vector<16x1xi32> to vector<16xi32>
        %parallel_loop3A_185 = tpu.dynamic_gather %parallel_loop3A_175[%parallel_loop3A_184] in [0] : vector<16xf32>, vector<16xi32> -> vector<16xf32>
        %parallel_loop3A_186 = arith.maximumf %parallel_loop3A_175, %parallel_loop3A_185 : vector<16xf32>
        %parallel_loop3A_187 = arith.index_cast %parallel_loop3A_107 : i32 to index
        %parallel_loop3A_188 = arith.constant 16 : index
        %parallel_loop3A_189 = tpu.vector_load %arg6[%parallel_loop3A_187, %parallel_loop3A_188] masked %eq3A_9 {strides = array<i32>} : memref<112x112xf32, #tpu.memory_space<vmem>>, vector<16xf32>, vector<16xi1>
        tpu.vector_store %arg6[%parallel_loop3A_187, %parallel_loop3A_188], %parallel_loop3A_186 masked %eq3A_9 {strides = array<i32>} : memref<112x112xf32, #tpu.memory_space<vmem>>, vector<16xf32>, vector<16xi1>
        %parallel_loop3A_190 = arith.constant 2 : i32
        %parallel_loop3A_191 = arith.muli %parallel_loop3A_190, %parallel_loop3A_107 : i32
        %parallel_loop3A_192 = arith.index_cast %parallel_loop3A_191 : i32 to index
        %parallel_loop3A_193 = arith.constant 48 : index
        %parallel_loop3A_194 = tpu.vector_load %arg4[%parallel_loop3A_192, %parallel_loop3A_193] {strides = array<i32>} : memref<224x224xf32, #tpu.memory_space<vmem>>, vector<16xf32>,
        %parallel_loop3A_195 = arith.constant 2 : i32
        %parallel_loop3A_196 = arith.muli %parallel_loop3A_195, %parallel_loop3A_107 : i32
        %parallel_loop3A_197 = arith.constant 1 : i32
        %parallel_loop3A_198 = arith.addi %parallel_loop3A_196, %parallel_loop3A_197 : i32
        %parallel_loop3A_199 = arith.index_cast %parallel_loop3A_198 : i32 to index
        %parallel_loop3A_200 = arith.constant 48 : index
        %parallel_loop3A_201 = tpu.vector_load %arg4[%parallel_loop3A_199, %parallel_loop3A_200] {strides = array<i32>} : memref<224x224xf32, #tpu.memory_space<vmem>>, vector<16xf32>,
        %parallel_loop3A_202 = arith.maximumf %parallel_loop3A_194, %parallel_loop3A_201 : vector<16xf32>
        %parallel_loop3A_203 = arith.constant 0 : i32
        %parallel_loop3A_204 = vector.broadcast %parallel_loop3A_203 : i32 to vector<16xi32>
        %parallel_loop3A_205 = arith.cmpi slt, %xor3A_4, %parallel_loop3A_204 : vector<16xi32>
        %parallel_loop3A_206 = arith.constant 16 : i32
        %parallel_loop3A_207 = vector.broadcast %parallel_loop3A_206 : i32 to vector<16xi32>
        %parallel_loop3A_208 = arith.addi %xor3A_4, %parallel_loop3A_207 : vector<16xi32>
        %parallel_loop3A_209 = arith.select %parallel_loop3A_205, %parallel_loop3A_208, %xor3A_4 : vector<16xi1>, vector<16xi32>
        %parallel_loop3A_210 = vector.shape_cast %parallel_loop3A_209 : vector<16xi32> to vector<16x1xi32>
        %parallel_loop3A_211 = vector.shape_cast %parallel_loop3A_210 : vector<16x1xi32> to vector<16xi32>
        %parallel_loop3A_212 = tpu.dynamic_gather %parallel_loop3A_202[%parallel_loop3A_211] in [0] : vector<16xf32>, vector<16xi32> -> vector<16xf32>
        %parallel_loop3A_213 = arith.maximumf %parallel_loop3A_202, %parallel_loop3A_212 : vector<16xf32>
        %parallel_loop3A_214 = arith.index_cast %parallel_loop3A_107 : i32 to index
        %parallel_loop3A_215 = arith.constant 24 : index
        %parallel_loop3A_216 = tpu.vector_load %arg6[%parallel_loop3A_214, %parallel_loop3A_215] masked %eq3A_9 {strides = array<i32>} : memref<112x112xf32, #tpu.memory_space<vmem>>, vector<16xf32>, vector<16xi1>
        tpu.vector_store %arg6[%parallel_loop3A_214, %parallel_loop3A_215], %parallel_loop3A_213 masked %eq3A_9 {strides = array<i32>} : memref<112x112xf32, #tpu.memory_space<vmem>>, vector<16xf32>, vector<16xi1>
        %parallel_loop3A_217 = arith.constant 2 : i32
        %parallel_loop3A_218 = arith.muli %parallel_loop3A_217, %parallel_loop3A_107 : i32
        %parallel_loop3A_219 = arith.index_cast %parallel_loop3A_218 : i32 to index
        %parallel_loop3A_220 = arith.constant 64 : index
        %parallel_loop3A_221 = tpu.vector_load %arg4[%parallel_loop3A_219, %parallel_loop3A_220] {strides = array<i32>} : memref<224x224xf32, #tpu.memory_space<vmem>>, vector<16xf32>,
        %parallel_loop3A_222 = arith.constant 2 : i32
        %parallel_loop3A_223 = arith.muli %parallel_loop3A_222, %parallel_loop3A_107 : i32
        %parallel_loop3A_224 = arith.constant 1 : i32
        %parallel_loop3A_225 = arith.addi %parallel_loop3A_223, %parallel_loop3A_224 : i32
        %parallel_loop3A_226 = arith.index_cast %parallel_loop3A_225 : i32 to index
        %parallel_loop3A_227 = arith.constant 64 : index
        %parallel_loop3A_228 = tpu.vector_load %arg4[%parallel_loop3A_226, %parallel_loop3A_227] {strides = array<i32>} : memref<224x224xf32, #tpu.memory_space<vmem>>, vector<16xf32>,
        %parallel_loop3A_229 = arith.maximumf %parallel_loop3A_221, %parallel_loop3A_228 : vector<16xf32>
        %parallel_loop3A_230 = arith.constant 0 : i32
        %parallel_loop3A_231 = vector.broadcast %parallel_loop3A_230 : i32 to vector<16xi32>
        %parallel_loop3A_232 = arith.cmpi slt, %xor3A_4, %parallel_loop3A_231 : vector<16xi32>
        %parallel_loop3A_233 = arith.constant 16 : i32
        %parallel_loop3A_234 = vector.broadcast %parallel_loop3A_233 : i32 to vector<16xi32>
        %parallel_loop3A_235 = arith.addi %xor3A_4, %parallel_loop3A_234 : vector<16xi32>
        %parallel_loop3A_236 = arith.select %parallel_loop3A_232, %parallel_loop3A_235, %xor3A_4 : vector<16xi1>, vector<16xi32>
        %parallel_loop3A_237 = vector.shape_cast %parallel_loop3A_236 : vector<16xi32> to vector<16x1xi32>
        %parallel_loop3A_238 = vector.shape_cast %parallel_loop3A_237 : vector<16x1xi32> to vector<16xi32>
        %parallel_loop3A_239 = tpu.dynamic_gather %parallel_loop3A_229[%parallel_loop3A_238] in [0] : vector<16xf32>, vector<16xi32> -> vector<16xf32>
        %parallel_loop3A_240 = arith.maximumf %parallel_loop3A_229, %parallel_loop3A_239 : vector<16xf32>
        %parallel_loop3A_241 = arith.index_cast %parallel_loop3A_107 : i32 to index
        %parallel_loop3A_242 = arith.constant 32 : index
        %parallel_loop3A_243 = tpu.vector_load %arg6[%parallel_loop3A_241, %parallel_loop3A_242] masked %eq3A_9 {strides = array<i32>} : memref<112x112xf32, #tpu.memory_space<vmem>>, vector<16xf32>, vector<16xi1>
        tpu.vector_store %arg6[%parallel_loop3A_241, %parallel_loop3A_242], %parallel_loop3A_240 masked %eq3A_9 {strides = array<i32>} : memref<112x112xf32, #tpu.memory_space<vmem>>, vector<16xf32>, vector<16xi1>
        %parallel_loop3A_244 = arith.constant 2 : i32
        %parallel_loop3A_245 = arith.muli %parallel_loop3A_244, %parallel_loop3A_107 : i32
        %parallel_loop3A_246 = arith.index_cast %parallel_loop3A_245 : i32 to index
        %parallel_loop3A_247 = arith.constant 80 : index
        %parallel_loop3A_248 = tpu.vector_load %arg4[%parallel_loop3A_246, %parallel_loop3A_247] {strides = array<i32>} : memref<224x224xf32, #tpu.memory_space<vmem>>, vector<16xf32>,
        %parallel_loop3A_249 = arith.constant 2 : i32
        %parallel_loop3A_250 = arith.muli %parallel_loop3A_249, %parallel_loop3A_107 : i32
        %parallel_loop3A_251 = arith.constant 1 : i32
        %parallel_loop3A_252 = arith.addi %parallel_loop3A_250, %parallel_loop3A_251 : i32
        %parallel_loop3A_253 = arith.index_cast %parallel_loop3A_252 : i32 to index
        %parallel_loop3A_254 = arith.constant 80 : index
        %parallel_loop3A_255 = tpu.vector_load %arg4[%parallel_loop3A_253, %parallel_loop3A_254] {strides = array<i32>} : memref<224x224xf32, #tpu.memory_space<vmem>>, vector<16xf32>,
        %parallel_loop3A_256 = arith.maximumf %parallel_loop3A_248, %parallel_loop3A_255 : vector<16xf32>
        %parallel_loop3A_257 = arith.constant 0 : i32
        %parallel_loop3A_258 = vector.broadcast %parallel_loop3A_257 : i32 to vector<16xi32>
        %parallel_loop3A_259 = arith.cmpi slt, %xor3A_4, %parallel_loop3A_258 : vector<16xi32>
        %parallel_loop3A_260 = arith.constant 16 : i32
        %parallel_loop3A_261 = vector.broadcast %parallel_loop3A_260 : i32 to vector<16xi32>
        %parallel_loop3A_262 = arith.addi %xor3A_4, %parallel_loop3A_261 : vector<16xi32>
        %parallel_loop3A_263 = arith.select %parallel_loop3A_259, %parallel_loop3A_262, %xor3A_4 : vector<16xi1>, vector<16xi32>
        %parallel_loop3A_264 = vector.shape_cast %parallel_loop3A_263 : vector<16xi32> to vector<16x1xi32>
        %parallel_loop3A_265 = vector.shape_cast %parallel_loop3A_264 : vector<16x1xi32> to vector<16xi32>
        %parallel_loop3A_266 = tpu.dynamic_gather %parallel_loop3A_256[%parallel_loop3A_265] in [0] : vector<16xf32>, vector<16xi32> -> vector<16xf32>
        %parallel_loop3A_267 = arith.maximumf %parallel_loop3A_256, %parallel_loop3A_266 : vector<16xf32>
        %parallel_loop3A_268 = arith.index_cast %parallel_loop3A_107 : i32 to index
        %parallel_loop3A_269 = arith.constant 40 : index
        %parallel_loop3A_270 = tpu.vector_load %arg6[%parallel_loop3A_268, %parallel_loop3A_269] masked %eq3A_9 {strides = array<i32>} : memref<112x112xf32, #tpu.memory_space<vmem>>, vector<16xf32>, vector<16xi1>
        tpu.vector_store %arg6[%parallel_loop3A_268, %parallel_loop3A_269], %parallel_loop3A_267 masked %eq3A_9 {strides = array<i32>} : memref<112x112xf32, #tpu.memory_space<vmem>>, vector<16xf32>, vector<16xi1>
        %parallel_loop3A_271 = arith.constant 2 : i32
        %parallel_loop3A_272 = arith.muli %parallel_loop3A_271, %parallel_loop3A_107 : i32
        %parallel_loop3A_273 = arith.index_cast %parallel_loop3A_272 : i32 to index
        %parallel_loop3A_274 = arith.constant 96 : index
        %parallel_loop3A_275 = tpu.vector_load %arg4[%parallel_loop3A_273, %parallel_loop3A_274] {strides = array<i32>} : memref<224x224xf32, #tpu.memory_space<vmem>>, vector<16xf32>,
        %parallel_loop3A_276 = arith.constant 2 : i32
        %parallel_loop3A_277 = arith.muli %parallel_loop3A_276, %parallel_loop3A_107 : i32
        %parallel_loop3A_278 = arith.constant 1 : i32
        %parallel_loop3A_279 = arith.addi %parallel_loop3A_277, %parallel_loop3A_278 : i32
        %parallel_loop3A_280 = arith.index_cast %parallel_loop3A_279 : i32 to index
        %parallel_loop3A_281 = arith.constant 96 : index
        %parallel_loop3A_282 = tpu.vector_load %arg4[%parallel_loop3A_280, %parallel_loop3A_281] {strides = array<i32>} : memref<224x224xf32, #tpu.memory_space<vmem>>, vector<16xf32>,
        %parallel_loop3A_283 = arith.maximumf %parallel_loop3A_275, %parallel_loop3A_282 : vector<16xf32>
        %parallel_loop3A_284 = arith.constant 0 : i32
        %parallel_loop3A_285 = vector.broadcast %parallel_loop3A_284 : i32 to vector<16xi32>
        %parallel_loop3A_286 = arith.cmpi slt, %xor3A_4, %parallel_loop3A_285 : vector<16xi32>
        %parallel_loop3A_287 = arith.constant 16 : i32
        %parallel_loop3A_288 = vector.broadcast %parallel_loop3A_287 : i32 to vector<16xi32>
        %parallel_loop3A_289 = arith.addi %xor3A_4, %parallel_loop3A_288 : vector<16xi32>
        %parallel_loop3A_290 = arith.select %parallel_loop3A_286, %parallel_loop3A_289, %xor3A_4 : vector<16xi1>, vector<16xi32>
        %parallel_loop3A_291 = vector.shape_cast %parallel_loop3A_290 : vector<16xi32> to vector<16x1xi32>
        %parallel_loop3A_292 = vector.shape_cast %parallel_loop3A_291 : vector<16x1xi32> to vector<16xi32>
        %parallel_loop3A_293 = tpu.dynamic_gather %parallel_loop3A_283[%parallel_loop3A_292] in [0] : vector<16xf32>, vector<16xi32> -> vector<16xf32>
        %parallel_loop3A_294 = arith.maximumf %parallel_loop3A_283, %parallel_loop3A_293 : vector<16xf32>
        %parallel_loop3A_295 = arith.index_cast %parallel_loop3A_107 : i32 to index
        %parallel_loop3A_296 = arith.constant 48 : index
        %parallel_loop3A_297 = tpu.vector_load %arg6[%parallel_loop3A_295, %parallel_loop3A_296] masked %eq3A_9 {strides = array<i32>} : memref<112x112xf32, #tpu.memory_space<vmem>>, vector<16xf32>, vector<16xi1>
        tpu.vector_store %arg6[%parallel_loop3A_295, %parallel_loop3A_296], %parallel_loop3A_294 masked %eq3A_9 {strides = array<i32>} : memref<112x112xf32, #tpu.memory_space<vmem>>, vector<16xf32>, vector<16xi1>
        %parallel_loop3A_298 = arith.constant 2 : i32
        %parallel_loop3A_299 = arith.muli %parallel_loop3A_298, %parallel_loop3A_107 : i32
        %parallel_loop3A_300 = arith.index_cast %parallel_loop3A_299 : i32 to index
        %parallel_loop3A_301 = arith.constant 112 : index
        %parallel_loop3A_302 = tpu.vector_load %arg4[%parallel_loop3A_300, %parallel_loop3A_301] {strides = array<i32>} : memref<224x224xf32, #tpu.memory_space<vmem>>, vector<16xf32>,
        %parallel_loop3A_303 = arith.constant 2 : i32
        %parallel_loop3A_304 = arith.muli %parallel_loop3A_303, %parallel_loop3A_107 : i32
        %parallel_loop3A_305 = arith.constant 1 : i32
        %parallel_loop3A_306 = arith.addi %parallel_loop3A_304, %parallel_loop3A_305 : i32
        %parallel_loop3A_307 = arith.index_cast %parallel_loop3A_306 : i32 to index
        %parallel_loop3A_308 = arith.constant 112 : index
        %parallel_loop3A_309 = tpu.vector_load %arg4[%parallel_loop3A_307, %parallel_loop3A_308] {strides = array<i32>} : memref<224x224xf32, #tpu.memory_space<vmem>>, vector<16xf32>,
        %parallel_loop3A_310 = arith.maximumf %parallel_loop3A_302, %parallel_loop3A_309 : vector<16xf32>
        %parallel_loop3A_311 = arith.constant 0 : i32
        %parallel_loop3A_312 = vector.broadcast %parallel_loop3A_311 : i32 to vector<16xi32>
        %parallel_loop3A_313 = arith.cmpi slt, %xor3A_4, %parallel_loop3A_312 : vector<16xi32>
        %parallel_loop3A_314 = arith.constant 16 : i32
        %parallel_loop3A_315 = vector.broadcast %parallel_loop3A_314 : i32 to vector<16xi32>
        %parallel_loop3A_316 = arith.addi %xor3A_4, %parallel_loop3A_315 : vector<16xi32>
        %parallel_loop3A_317 = arith.select %parallel_loop3A_313, %parallel_loop3A_316, %xor3A_4 : vector<16xi1>, vector<16xi32>
        %parallel_loop3A_318 = vector.shape_cast %parallel_loop3A_317 : vector<16xi32> to vector<16x1xi32>
        %parallel_loop3A_319 = vector.shape_cast %parallel_loop3A_318 : vector<16x1xi32> to vector<16xi32>
        %parallel_loop3A_320 = tpu.dynamic_gather %parallel_loop3A_310[%parallel_loop3A_319] in [0] : vector<16xf32>, vector<16xi32> -> vector<16xf32>
        %parallel_loop3A_321 = arith.maximumf %parallel_loop3A_310, %parallel_loop3A_320 : vector<16xf32>
        %parallel_loop3A_322 = arith.index_cast %parallel_loop3A_107 : i32 to index
        %parallel_loop3A_323 = arith.constant 56 : index
        %parallel_loop3A_324 = tpu.vector_load %arg6[%parallel_loop3A_322, %parallel_loop3A_323] masked %eq3A_9 {strides = array<i32>} : memref<112x112xf32, #tpu.memory_space<vmem>>, vector<16xf32>, vector<16xi1>
        tpu.vector_store %arg6[%parallel_loop3A_322, %parallel_loop3A_323], %parallel_loop3A_321 masked %eq3A_9 {strides = array<i32>} : memref<112x112xf32, #tpu.memory_space<vmem>>, vector<16xf32>, vector<16xi1>
        %parallel_loop3A_325 = arith.constant 2 : i32
        %parallel_loop3A_326 = arith.muli %parallel_loop3A_325, %parallel_loop3A_107 : i32
        %parallel_loop3A_327 = arith.index_cast %parallel_loop3A_326 : i32 to index
        %parallel_loop3A_328 = arith.constant 128 : index
        %parallel_loop3A_329 = tpu.vector_load %arg4[%parallel_loop3A_327, %parallel_loop3A_328] {strides = array<i32>} : memref<224x224xf32, #tpu.memory_space<vmem>>, vector<16xf32>,
        %parallel_loop3A_330 = arith.constant 2 : i32
        %parallel_loop3A_331 = arith.muli %parallel_loop3A_330, %parallel_loop3A_107 : i32
        %parallel_loop3A_332 = arith.constant 1 : i32
        %parallel_loop3A_333 = arith.addi %parallel_loop3A_331, %parallel_loop3A_332 : i32
        %parallel_loop3A_334 = arith.index_cast %parallel_loop3A_333 : i32 to index
        %parallel_loop3A_335 = arith.constant 128 : index
        %parallel_loop3A_336 = tpu.vector_load %arg4[%parallel_loop3A_334, %parallel_loop3A_335] {strides = array<i32>} : memref<224x224xf32, #tpu.memory_space<vmem>>, vector<16xf32>,
        %parallel_loop3A_337 = arith.maximumf %parallel_loop3A_329, %parallel_loop3A_336 : vector<16xf32>
        %parallel_loop3A_338 = arith.constant 0 : i32
        %parallel_loop3A_339 = vector.broadcast %parallel_loop3A_338 : i32 to vector<16xi32>
        %parallel_loop3A_340 = arith.cmpi slt, %xor3A_4, %parallel_loop3A_339 : vector<16xi32>
        %parallel_loop3A_341 = arith.constant 16 : i32
        %parallel_loop3A_342 = vector.broadcast %parallel_loop3A_341 : i32 to vector<16xi32>
        %parallel_loop3A_343 = arith.addi %xor3A_4, %parallel_loop3A_342 : vector<16xi32>
        %parallel_loop3A_344 = arith.select %parallel_loop3A_340, %parallel_loop3A_343, %xor3A_4 : vector<16xi1>, vector<16xi32>
        %parallel_loop3A_345 = vector.shape_cast %parallel_loop3A_344 : vector<16xi32> to vector<16x1xi32>
        %parallel_loop3A_346 = vector.shape_cast %parallel_loop3A_345 : vector<16x1xi32> to vector<16xi32>
        %parallel_loop3A_347 = tpu.dynamic_gather %parallel_loop3A_337[%parallel_loop3A_346] in [0] : vector<16xf32>, vector<16xi32> -> vector<16xf32>
        %parallel_loop3A_348 = arith.maximumf %parallel_loop3A_337, %parallel_loop3A_347 : vector<16xf32>
        %parallel_loop3A_349 = arith.index_cast %parallel_loop3A_107 : i32 to index
        %parallel_loop3A_350 = arith.constant 64 : index
        %parallel_loop3A_351 = tpu.vector_load %arg6[%parallel_loop3A_349, %parallel_loop3A_350] masked %eq3A_9 {strides = array<i32>} : memref<112x112xf32, #tpu.memory_space<vmem>>, vector<16xf32>, vector<16xi1>
        tpu.vector_store %arg6[%parallel_loop3A_349, %parallel_loop3A_350], %parallel_loop3A_348 masked %eq3A_9 {strides = array<i32>} : memref<112x112xf32, #tpu.memory_space<vmem>>, vector<16xf32>, vector<16xi1>
        %parallel_loop3A_352 = arith.constant 2 : i32
        %parallel_loop3A_353 = arith.muli %parallel_loop3A_352, %parallel_loop3A_107 : i32
        %parallel_loop3A_354 = arith.index_cast %parallel_loop3A_353 : i32 to index
        %parallel_loop3A_355 = arith.constant 144 : index
        %parallel_loop3A_356 = tpu.vector_load %arg4[%parallel_loop3A_354, %parallel_loop3A_355] {strides = array<i32>} : memref<224x224xf32, #tpu.memory_space<vmem>>, vector<16xf32>,
        %parallel_loop3A_357 = arith.constant 2 : i32
        %parallel_loop3A_358 = arith.muli %parallel_loop3A_357, %parallel_loop3A_107 : i32
        %parallel_loop3A_359 = arith.constant 1 : i32
        %parallel_loop3A_360 = arith.addi %parallel_loop3A_358, %parallel_loop3A_359 : i32
        %parallel_loop3A_361 = arith.index_cast %parallel_loop3A_360 : i32 to index
        %parallel_loop3A_362 = arith.constant 144 : index
        %parallel_loop3A_363 = tpu.vector_load %arg4[%parallel_loop3A_361, %parallel_loop3A_362] {strides = array<i32>} : memref<224x224xf32, #tpu.memory_space<vmem>>, vector<16xf32>,
        %parallel_loop3A_364 = arith.maximumf %parallel_loop3A_356, %parallel_loop3A_363 : vector<16xf32>
        %parallel_loop3A_365 = arith.constant 0 : i32
        %parallel_loop3A_366 = vector.broadcast %parallel_loop3A_365 : i32 to vector<16xi32>
        %parallel_loop3A_367 = arith.cmpi slt, %xor3A_4, %parallel_loop3A_366 : vector<16xi32>
        %parallel_loop3A_368 = arith.constant 16 : i32
        %parallel_loop3A_369 = vector.broadcast %parallel_loop3A_368 : i32 to vector<16xi32>
        %parallel_loop3A_370 = arith.addi %xor3A_4, %parallel_loop3A_369 : vector<16xi32>
        %parallel_loop3A_371 = arith.select %parallel_loop3A_367, %parallel_loop3A_370, %xor3A_4 : vector<16xi1>, vector<16xi32>
        %parallel_loop3A_372 = vector.shape_cast %parallel_loop3A_371 : vector<16xi32> to vector<16x1xi32>
        %parallel_loop3A_373 = vector.shape_cast %parallel_loop3A_372 : vector<16x1xi32> to vector<16xi32>
        %parallel_loop3A_374 = tpu.dynamic_gather %parallel_loop3A_364[%parallel_loop3A_373] in [0] : vector<16xf32>, vector<16xi32> -> vector<16xf32>
        %parallel_loop3A_375 = arith.maximumf %parallel_loop3A_364, %parallel_loop3A_374 : vector<16xf32>
        %parallel_loop3A_376 = arith.index_cast %parallel_loop3A_107 : i32 to index
        %parallel_loop3A_377 = arith.constant 72 : index
        %parallel_loop3A_378 = tpu.vector_load %arg6[%parallel_loop3A_376, %parallel_loop3A_377] masked %eq3A_9 {strides = array<i32>} : memref<112x112xf32, #tpu.memory_space<vmem>>, vector<16xf32>, vector<16xi1>
        tpu.vector_store %arg6[%parallel_loop3A_376, %parallel_loop3A_377], %parallel_loop3A_375 masked %eq3A_9 {strides = array<i32>} : memref<112x112xf32, #tpu.memory_space<vmem>>, vector<16xf32>, vector<16xi1>
        %parallel_loop3A_379 = arith.constant 2 : i32
        %parallel_loop3A_380 = arith.muli %parallel_loop3A_379, %parallel_loop3A_107 : i32
        %parallel_loop3A_381 = arith.index_cast %parallel_loop3A_380 : i32 to index
        %parallel_loop3A_382 = arith.constant 160 : index
        %parallel_loop3A_383 = tpu.vector_load %arg4[%parallel_loop3A_381, %parallel_loop3A_382] {strides = array<i32>} : memref<224x224xf32, #tpu.memory_space<vmem>>, vector<16xf32>,
        %parallel_loop3A_384 = arith.constant 2 : i32
        %parallel_loop3A_385 = arith.muli %parallel_loop3A_384, %parallel_loop3A_107 : i32
        %parallel_loop3A_386 = arith.constant 1 : i32
        %parallel_loop3A_387 = arith.addi %parallel_loop3A_385, %parallel_loop3A_386 : i32
        %parallel_loop3A_388 = arith.index_cast %parallel_loop3A_387 : i32 to index
        %parallel_loop3A_389 = arith.constant 160 : index
        %parallel_loop3A_390 = tpu.vector_load %arg4[%parallel_loop3A_388, %parallel_loop3A_389] {strides = array<i32>} : memref<224x224xf32, #tpu.memory_space<vmem>>, vector<16xf32>,
        %parallel_loop3A_391 = arith.maximumf %parallel_loop3A_383, %parallel_loop3A_390 : vector<16xf32>
        %parallel_loop3A_392 = arith.constant 0 : i32
        %parallel_loop3A_393 = vector.broadcast %parallel_loop3A_392 : i32 to vector<16xi32>
        %parallel_loop3A_394 = arith.cmpi slt, %xor3A_4, %parallel_loop3A_393 : vector<16xi32>
        %parallel_loop3A_395 = arith.constant 16 : i32
        %parallel_loop3A_396 = vector.broadcast %parallel_loop3A_395 : i32 to vector<16xi32>
        %parallel_loop3A_397 = arith.addi %xor3A_4, %parallel_loop3A_396 : vector<16xi32>
        %parallel_loop3A_398 = arith.select %parallel_loop3A_394, %parallel_loop3A_397, %xor3A_4 : vector<16xi1>, vector<16xi32>
        %parallel_loop3A_399 = vector.shape_cast %parallel_loop3A_398 : vector<16xi32> to vector<16x1xi32>
        %parallel_loop3A_400 = vector.shape_cast %parallel_loop3A_399 : vector<16x1xi32> to vector<16xi32>
        %parallel_loop3A_401 = tpu.dynamic_gather %parallel_loop3A_391[%parallel_loop3A_400] in [0] : vector<16xf32>, vector<16xi32> -> vector<16xf32>
        %parallel_loop3A_402 = arith.maximumf %parallel_loop3A_391, %parallel_loop3A_401 : vector<16xf32>
        %parallel_loop3A_403 = arith.index_cast %parallel_loop3A_107 : i32 to index
        %parallel_loop3A_404 = arith.constant 80 : index
        %parallel_loop3A_405 = tpu.vector_load %arg6[%parallel_loop3A_403, %parallel_loop3A_404] masked %eq3A_9 {strides = array<i32>} : memref<112x112xf32, #tpu.memory_space<vmem>>, vector<16xf32>, vector<16xi1>
        tpu.vector_store %arg6[%parallel_loop3A_403, %parallel_loop3A_404], %parallel_loop3A_402 masked %eq3A_9 {strides = array<i32>} : memref<112x112xf32, #tpu.memory_space<vmem>>, vector<16xf32>, vector<16xi1>
        %parallel_loop3A_406 = arith.constant 2 : i32
        %parallel_loop3A_407 = arith.muli %parallel_loop3A_406, %parallel_loop3A_107 : i32
        %parallel_loop3A_408 = arith.index_cast %parallel_loop3A_407 : i32 to index
        %parallel_loop3A_409 = arith.constant 176 : index
        %parallel_loop3A_410 = tpu.vector_load %arg4[%parallel_loop3A_408, %parallel_loop3A_409] {strides = array<i32>} : memref<224x224xf32, #tpu.memory_space<vmem>>, vector<16xf32>,
        %parallel_loop3A_411 = arith.constant 2 : i32
        %parallel_loop3A_412 = arith.muli %parallel_loop3A_411, %parallel_loop3A_107 : i32
        %parallel_loop3A_413 = arith.constant 1 : i32
        %parallel_loop3A_414 = arith.addi %parallel_loop3A_412, %parallel_loop3A_413 : i32
        %parallel_loop3A_415 = arith.index_cast %parallel_loop3A_414 : i32 to index
        %parallel_loop3A_416 = arith.constant 176 : index
        %parallel_loop3A_417 = tpu.vector_load %arg4[%parallel_loop3A_415, %parallel_loop3A_416] {strides = array<i32>} : memref<224x224xf32, #tpu.memory_space<vmem>>, vector<16xf32>,
        %parallel_loop3A_418 = arith.maximumf %parallel_loop3A_410, %parallel_loop3A_417 : vector<16xf32>
        %parallel_loop3A_419 = arith.constant 0 : i32
        %parallel_loop3A_420 = vector.broadcast %parallel_loop3A_419 : i32 to vector<16xi32>
        %parallel_loop3A_421 = arith.cmpi slt, %xor3A_4, %parallel_loop3A_420 : vector<16xi32>
        %parallel_loop3A_422 = arith.constant 16 : i32
        %parallel_loop3A_423 = vector.broadcast %parallel_loop3A_422 : i32 to vector<16xi32>
        %parallel_loop3A_424 = arith.addi %xor3A_4, %parallel_loop3A_423 : vector<16xi32>
        %parallel_loop3A_425 = arith.select %parallel_loop3A_421, %parallel_loop3A_424, %xor3A_4 : vector<16xi1>, vector<16xi32>
        %parallel_loop3A_426 = vector.shape_cast %parallel_loop3A_425 : vector<16xi32> to vector<16x1xi32>
        %parallel_loop3A_427 = vector.shape_cast %parallel_loop3A_426 : vector<16x1xi32> to vector<16xi32>
        %parallel_loop3A_428 = tpu.dynamic_gather %parallel_loop3A_418[%parallel_loop3A_427] in [0] : vector<16xf32>, vector<16xi32> -> vector<16xf32>
        %parallel_loop3A_429 = arith.maximumf %parallel_loop3A_418, %parallel_loop3A_428 : vector<16xf32>
        %parallel_loop3A_430 = arith.index_cast %parallel_loop3A_107 : i32 to index
        %parallel_loop3A_431 = arith.constant 88 : index
        %parallel_loop3A_432 = tpu.vector_load %arg6[%parallel_loop3A_430, %parallel_loop3A_431] masked %eq3A_9 {strides = array<i32>} : memref<112x112xf32, #tpu.memory_space<vmem>>, vector<16xf32>, vector<16xi1>
        tpu.vector_store %arg6[%parallel_loop3A_430, %parallel_loop3A_431], %parallel_loop3A_429 masked %eq3A_9 {strides = array<i32>} : memref<112x112xf32, #tpu.memory_space<vmem>>, vector<16xf32>, vector<16xi1>
        %parallel_loop3A_433 = arith.constant 2 : i32
        %parallel_loop3A_434 = arith.muli %parallel_loop3A_433, %parallel_loop3A_107 : i32
        %parallel_loop3A_435 = arith.index_cast %parallel_loop3A_434 : i32 to index
        %parallel_loop3A_436 = arith.constant 192 : index
        %parallel_loop3A_437 = tpu.vector_load %arg4[%parallel_loop3A_435, %parallel_loop3A_436] {strides = array<i32>} : memref<224x224xf32, #tpu.memory_space<vmem>>, vector<16xf32>,
        %parallel_loop3A_438 = arith.constant 2 : i32
        %parallel_loop3A_439 = arith.muli %parallel_loop3A_438, %parallel_loop3A_107 : i32
        %parallel_loop3A_440 = arith.constant 1 : i32
        %parallel_loop3A_441 = arith.addi %parallel_loop3A_439, %parallel_loop3A_440 : i32
        %parallel_loop3A_442 = arith.index_cast %parallel_loop3A_441 : i32 to index
        %parallel_loop3A_443 = arith.constant 192 : index
        %parallel_loop3A_444 = tpu.vector_load %arg4[%parallel_loop3A_442, %parallel_loop3A_443] {strides = array<i32>} : memref<224x224xf32, #tpu.memory_space<vmem>>, vector<16xf32>,
        %parallel_loop3A_445 = arith.maximumf %parallel_loop3A_437, %parallel_loop3A_444 : vector<16xf32>
        %parallel_loop3A_446 = arith.constant 0 : i32
        %parallel_loop3A_447 = vector.broadcast %parallel_loop3A_446 : i32 to vector<16xi32>
        %parallel_loop3A_448 = arith.cmpi slt, %xor3A_4, %parallel_loop3A_447 : vector<16xi32>
        %parallel_loop3A_449 = arith.constant 16 : i32
        %parallel_loop3A_450 = vector.broadcast %parallel_loop3A_449 : i32 to vector<16xi32>
        %parallel_loop3A_451 = arith.addi %xor3A_4, %parallel_loop3A_450 : vector<16xi32>
        %parallel_loop3A_452 = arith.select %parallel_loop3A_448, %parallel_loop3A_451, %xor3A_4 : vector<16xi1>, vector<16xi32>
        %parallel_loop3A_453 = vector.shape_cast %parallel_loop3A_452 : vector<16xi32> to vector<16x1xi32>
        %parallel_loop3A_454 = vector.shape_cast %parallel_loop3A_453 : vector<16x1xi32> to vector<16xi32>
        %parallel_loop3A_455 = tpu.dynamic_gather %parallel_loop3A_445[%parallel_loop3A_454] in [0] : vector<16xf32>, vector<16xi32> -> vector<16xf32>
        %parallel_loop3A_456 = arith.maximumf %parallel_loop3A_445, %parallel_loop3A_455 : vector<16xf32>
        %parallel_loop3A_457 = arith.index_cast %parallel_loop3A_107 : i32 to index
        %parallel_loop3A_458 = arith.constant 96 : index
        %parallel_loop3A_459 = tpu.vector_load %arg6[%parallel_loop3A_457, %parallel_loop3A_458] masked %eq3A_9 {strides = array<i32>} : memref<112x112xf32, #tpu.memory_space<vmem>>, vector<16xf32>, vector<16xi1>
        tpu.vector_store %arg6[%parallel_loop3A_457, %parallel_loop3A_458], %parallel_loop3A_456 masked %eq3A_9 {strides = array<i32>} : memref<112x112xf32, #tpu.memory_space<vmem>>, vector<16xf32>, vector<16xi1>
        %parallel_loop3A_460 = arith.constant 2 : i32
        %parallel_loop3A_461 = arith.muli %parallel_loop3A_460, %parallel_loop3A_107 : i32
        %parallel_loop3A_462 = arith.index_cast %parallel_loop3A_461 : i32 to index
        %parallel_loop3A_463 = arith.constant 208 : index
        %parallel_loop3A_464 = tpu.vector_load %arg4[%parallel_loop3A_462, %parallel_loop3A_463] {strides = array<i32>} : memref<224x224xf32, #tpu.memory_space<vmem>>, vector<16xf32>,
        %parallel_loop3A_465 = arith.constant 2 : i32
        %parallel_loop3A_466 = arith.muli %parallel_loop3A_465, %parallel_loop3A_107 : i32
        %parallel_loop3A_467 = arith.constant 1 : i32
        %parallel_loop3A_468 = arith.addi %parallel_loop3A_466, %parallel_loop3A_467 : i32
        %parallel_loop3A_469 = arith.index_cast %parallel_loop3A_468 : i32 to index
        %parallel_loop3A_470 = arith.constant 208 : index
        %parallel_loop3A_471 = tpu.vector_load %arg4[%parallel_loop3A_469, %parallel_loop3A_470] {strides = array<i32>} : memref<224x224xf32, #tpu.memory_space<vmem>>, vector<16xf32>,
        %parallel_loop3A_472 = arith.maximumf %parallel_loop3A_464, %parallel_loop3A_471 : vector<16xf32>
        %parallel_loop3A_473 = arith.constant 0 : i32
        %parallel_loop3A_474 = vector.broadcast %parallel_loop3A_473 : i32 to vector<16xi32>
        %parallel_loop3A_475 = arith.cmpi slt, %xor3A_4, %parallel_loop3A_474 : vector<16xi32>
        %parallel_loop3A_476 = arith.constant 16 : i32
        %parallel_loop3A_477 = vector.broadcast %parallel_loop3A_476 : i32 to vector<16xi32>
        %parallel_loop3A_478 = arith.addi %xor3A_4, %parallel_loop3A_477 : vector<16xi32>
        %parallel_loop3A_479 = arith.select %parallel_loop3A_475, %parallel_loop3A_478, %xor3A_4 : vector<16xi1>, vector<16xi32>
        %parallel_loop3A_480 = vector.shape_cast %parallel_loop3A_479 : vector<16xi32> to vector<16x1xi32>
        %parallel_loop3A_481 = vector.shape_cast %parallel_loop3A_480 : vector<16x1xi32> to vector<16xi32>
        %parallel_loop3A_482 = tpu.dynamic_gather %parallel_loop3A_472[%parallel_loop3A_481] in [0] : vector<16xf32>, vector<16xi32> -> vector<16xf32>
        %parallel_loop3A_483 = arith.maximumf %parallel_loop3A_472, %parallel_loop3A_482 : vector<16xf32>
        tpu.vector_store_idx %arg6[%parallel_loop3A_108, %add3A_15], %parallel_loop3A_483 masked %eq3A_9 : memref<112x112xf32, #tpu.memory_space<vmem>>[vector<16xi32>, vector<16xi32>], vector<16xf32>, vector<16xi1>
      } {sc.loop_unroll_factor = 2 : i64, sc.parallel_access}
      %dma_start3A_64 = arith.constant 0 : i32
      %dma_start3A_65 = arith.constant 0 : i32
      %dma_start3A_66 = tpu.memref_slice %arg3[%add3A_48, %dma_start3A_64, %dma_start3A_65] : memref<768x112x112xf32, #tpu.memory_space<hbm>> -> memref<1x112x112xf32, #tpu.memory_space<hbm>>
      %dma_start3A_67 = tpu.memref_squeeze %dma_start3A_66 : memref<1x112x112xf32, #tpu.memory_space<hbm>> -> memref<112x112xf32, #tpu.memory_space<hbm>>
      %dma_start3A_68 = arith.constant 0 : i32
      %dma_start3A_69 = arith.constant 0 : i32
      %dma_start3A_70 = tpu.memref_slice %arg3[%add3A_48, %dma_start3A_68, %dma_start3A_69] : memref<768x112x112xf32, #tpu.memory_space<hbm>> -> memref<1x112x112xf32, #tpu.memory_space<hbm>>
      %dma_start3A_71 = tpu.memref_squeeze %dma_start3A_70 : memref<1x112x112xf32, #tpu.memory_space<hbm>> -> memref<112x112xf32, #tpu.memory_space<hbm>>
      tpu.enqueue_dma source(%arg6 : memref<112x112xf32, #tpu.memory_space<vmem>>) target(%dma_start3A_71 : memref<112x112xf32, #tpu.memory_space<hbm>>) target_semaphore(%arg9 : memref<!tpu.dma_semaphore, #tpu.memory_space<semaphore_mem>>)
      %lt3A = arith.constant 11 : i32
      %lt3A_72 = arith.cmpi slt, %scan3A_45, %lt3A : i32
      %convert_element_type3A_73 = arith.extui %lt3A_72 : i1 to i32
      %cond3A_74 = arith.constant 0 : i32
      %cond3A_75 = arith.cmpi ne, %convert_element_type3A_73, %cond3A_74 : i32
      scf.if %cond3A_75 {
        %add3A_107 = arith.constant 2 : i32
        %add3A_108 = arith.addi %add3A_48, %add3A_107 : i32
        %dma_start3A_109 = arith.constant 0 : i32
        %dma_start3A_110 = arith.constant 0 : i32
        %dma_start3A_111 = tpu.memref_slice %arg2[%add3A_108, %dma_start3A_109, %dma_start3A_110] : memref<768x224x224xf32, #tpu.memory_space<hbm>> -> memref<1x224x224xf32, #tpu.memory_space<hbm>>
        %dma_start3A_112 = tpu.memref_squeeze %dma_start3A_111 : memref<1x224x224xf32, #tpu.memory_space<hbm>> -> memref<224x224xf32, #tpu.memory_space<hbm>>
        %dma_start3A_113 = arith.constant 0 : i32
        %dma_start3A_114 = arith.constant 0 : i32
        %dma_start3A_115 = tpu.memref_slice %arg2[%add3A_108, %dma_start3A_113, %dma_start3A_114] : memref<768x224x224xf32, #tpu.memory_space<hbm>> -> memref<1x224x224xf32, #tpu.memory_space<hbm>>
        %dma_start3A_116 = tpu.memref_squeeze %dma_start3A_115 : memref<1x224x224xf32, #tpu.memory_space<hbm>> -> memref<224x224xf32, #tpu.memory_space<hbm>>
        tpu.enqueue_dma source(%dma_start3A_116 : memref<224x224xf32, #tpu.memory_space<hbm>>) target(%arg4 : memref<224x224xf32, #tpu.memory_space<vmem>>) target_semaphore(%arg7 : memref<!tpu.dma_semaphore, #tpu.memory_space<semaphore_mem>>)
      } else {
      }
      %dma_wait3A_76 = arith.constant 0 : i32
      %dma_wait3A_77 = arith.constant 0 : i32
      %dma_wait3A_78 = tpu.memref_slice %arg2[%mul3A_2, %dma_wait3A_76, %dma_wait3A_77] : memref<768x224x224xf32, #tpu.memory_space<hbm>> -> memref<1x224x224xf32, #tpu.memory_space<hbm>>
      %dma_wait3A_79 = tpu.memref_squeeze %dma_wait3A_78 : memref<1x224x224xf32, #tpu.memory_space<hbm>> -> memref<224x224xf32, #tpu.memory_space<hbm>>
      %dma_wait3A_80 = arith.constant 0 : i32
      %dma_wait3A_81 = arith.constant 0 : i32
      %dma_wait3A_82 = tpu.memref_slice %arg2[%mul3A_2, %dma_wait3A_80, %dma_wait3A_81] : memref<768x224x224xf32, #tpu.memory_space<hbm>> -> memref<1x224x224xf32, #tpu.memory_space<hbm>>
      %dma_wait3A_83 = tpu.memref_squeeze %dma_wait3A_82 : memref<1x224x224xf32, #tpu.memory_space<hbm>> -> memref<224x224xf32, #tpu.memory_space<hbm>>
      tpu.wait_dma2 semaphore(%arg8 : memref<!tpu.dma_semaphore, #tpu.memory_space<semaphore_mem>>) src(%dma_wait3A_83 : memref<224x224xf32, #tpu.memory_space<hbm>>) dst(%arg5 : memref<224x224xf32, #tpu.memory_space<vmem>>)
      %gt3A_84 = arith.constant 0 : i32
      %gt3A_85 = arith.cmpi sgt, %scan3A_45, %gt3A_84 : i32
      %or3A_86 = arith.constant true
      %or3A_87 = arith.ori %gt3A_85, %or3A_86 : i1
      %convert_element_type3A_88 = arith.extui %or3A_87 : i1 to i32
      %cond3A_89 = arith.constant 0 : i32
      %cond3A_90 = arith.cmpi ne, %convert_element_type3A_88, %cond3A_89 : i32
      scf.if %cond3A_90 {
        %dma_wait3A_107 = arith.constant 0 : i32
        %dma_wait3A_108 = arith.constant 0 : i32
        %dma_wait3A_109 = tpu.memref_slice %arg3[%mul3A_2, %dma_wait3A_107, %dma_wait3A_108] : memref<768x112x112xf32, #tpu.memory_space<hbm>> -> memref<1x112x112xf32, #tpu.memory_space<hbm>>
        %dma_wait3A_110 = tpu.memref_squeeze %dma_wait3A_109 : memref<1x112x112xf32, #tpu.memory_space<hbm>> -> memref<112x112xf32, #tpu.memory_space<hbm>>
        %dma_wait3A_111 = arith.constant 0 : i32
        %dma_wait3A_112 = arith.constant 0 : i32
        %dma_wait3A_113 = tpu.memref_slice %arg3[%mul3A_2, %dma_wait3A_111, %dma_wait3A_112] : memref<768x112x112xf32, #tpu.memory_space<hbm>> -> memref<1x112x112xf32, #tpu.memory_space<hbm>>
        %dma_wait3A_114 = tpu.memref_squeeze %dma_wait3A_113 : memref<1x112x112xf32, #tpu.memory_space<hbm>> -> memref<112x112xf32, #tpu.memory_space<hbm>>
        tpu.wait_dma2 semaphore(%arg9 : memref<!tpu.dma_semaphore, #tpu.memory_space<semaphore_mem>>) src(%arg6 : memref<112x112xf32, #tpu.memory_space<vmem>>) dst(%dma_wait3A_114 : memref<112x112xf32, #tpu.memory_space<hbm>>)
      } else {
      }
      %parallel_loop3A_91 = arith.constant 0 : i32
      %parallel_loop3A_92 = arith.constant 112 : i32
      %parallel_loop3A_93 = arith.constant 1 : i32
      scf.for %parallel_loop3A_107 = %parallel_loop3A_91 to %parallel_loop3A_92 step %parallel_loop3A_93  : i32 {
        %parallel_loop3A_108 = vector.broadcast %parallel_loop3A_107 : i32 to vector<16xi32>
        %parallel_loop3A_109 = arith.constant 2 : i32
        %parallel_loop3A_110 = arith.muli %parallel_loop3A_109, %parallel_loop3A_107 : i32
        %parallel_loop3A_111 = arith.index_cast %parallel_loop3A_110 : i32 to index
        %parallel_loop3A_112 = arith.constant 0 : index
        %parallel_loop3A_113 = tpu.vector_load %arg5[%parallel_loop3A_111, %parallel_loop3A_112] {strides = array<i32>} : memref<224x224xf32, #tpu.memory_space<vmem>>, vector<16xf32>,
        %parallel_loop3A_114 = arith.constant 2 : i32
        %parallel_loop3A_115 = arith.muli %parallel_loop3A_114, %parallel_loop3A_107 : i32
        %parallel_loop3A_116 = arith.constant 1 : i32
        %parallel_loop3A_117 = arith.addi %parallel_loop3A_115, %parallel_loop3A_116 : i32
        %parallel_loop3A_118 = arith.index_cast %parallel_loop3A_117 : i32 to index
        %parallel_loop3A_119 = arith.constant 0 : index
        %parallel_loop3A_120 = tpu.vector_load %arg5[%parallel_loop3A_118, %parallel_loop3A_119] {strides = array<i32>} : memref<224x224xf32, #tpu.memory_space<vmem>>, vector<16xf32>,
        %parallel_loop3A_121 = arith.maximumf %parallel_loop3A_113, %parallel_loop3A_120 : vector<16xf32>
        %parallel_loop3A_122 = arith.constant 0 : i32
        %parallel_loop3A_123 = vector.broadcast %parallel_loop3A_122 : i32 to vector<16xi32>
        %parallel_loop3A_124 = arith.cmpi slt, %xor3A_4, %parallel_loop3A_123 : vector<16xi32>
        %parallel_loop3A_125 = arith.constant 16 : i32
        %parallel_loop3A_126 = vector.broadcast %parallel_loop3A_125 : i32 to vector<16xi32>
        %parallel_loop3A_127 = arith.addi %xor3A_4, %parallel_loop3A_126 : vector<16xi32>
        %parallel_loop3A_128 = arith.select %parallel_loop3A_124, %parallel_loop3A_127, %xor3A_4 : vector<16xi1>, vector<16xi32>
        %parallel_loop3A_129 = vector.shape_cast %parallel_loop3A_128 : vector<16xi32> to vector<16x1xi32>
        %parallel_loop3A_130 = vector.shape_cast %parallel_loop3A_129 : vector<16x1xi32> to vector<16xi32>
        %parallel_loop3A_131 = tpu.dynamic_gather %parallel_loop3A_121[%parallel_loop3A_130] in [0] : vector<16xf32>, vector<16xi32> -> vector<16xf32>
        %parallel_loop3A_132 = arith.maximumf %parallel_loop3A_121, %parallel_loop3A_131 : vector<16xf32>
        %parallel_loop3A_133 = arith.index_cast %parallel_loop3A_107 : i32 to index
        %parallel_loop3A_134 = arith.constant 0 : index
        %parallel_loop3A_135 = tpu.vector_load %arg6[%parallel_loop3A_133, %parallel_loop3A_134] masked %eq3A_9 {strides = array<i32>} : memref<112x112xf32, #tpu.memory_space<vmem>>, vector<16xf32>, vector<16xi1>
        tpu.vector_store %arg6[%parallel_loop3A_133, %parallel_loop3A_134], %parallel_loop3A_132 masked %eq3A_9 {strides = array<i32>} : memref<112x112xf32, #tpu.memory_space<vmem>>, vector<16xf32>, vector<16xi1>
        %parallel_loop3A_136 = arith.constant 2 : i32
        %parallel_loop3A_137 = arith.muli %parallel_loop3A_136, %parallel_loop3A_107 : i32
        %parallel_loop3A_138 = arith.index_cast %parallel_loop3A_137 : i32 to index
        %parallel_loop3A_139 = arith.constant 16 : index
        %parallel_loop3A_140 = tpu.vector_load %arg5[%parallel_loop3A_138, %parallel_loop3A_139] {strides = array<i32>} : memref<224x224xf32, #tpu.memory_space<vmem>>, vector<16xf32>,
        %parallel_loop3A_141 = arith.constant 2 : i32
        %parallel_loop3A_142 = arith.muli %parallel_loop3A_141, %parallel_loop3A_107 : i32
        %parallel_loop3A_143 = arith.constant 1 : i32
        %parallel_loop3A_144 = arith.addi %parallel_loop3A_142, %parallel_loop3A_143 : i32
        %parallel_loop3A_145 = arith.index_cast %parallel_loop3A_144 : i32 to index
        %parallel_loop3A_146 = arith.constant 16 : index
        %parallel_loop3A_147 = tpu.vector_load %arg5[%parallel_loop3A_145, %parallel_loop3A_146] {strides = array<i32>} : memref<224x224xf32, #tpu.memory_space<vmem>>, vector<16xf32>,
        %parallel_loop3A_148 = arith.maximumf %parallel_loop3A_140, %parallel_loop3A_147 : vector<16xf32>
        %parallel_loop3A_149 = arith.constant 0 : i32
        %parallel_loop3A_150 = vector.broadcast %parallel_loop3A_149 : i32 to vector<16xi32>
        %parallel_loop3A_151 = arith.cmpi slt, %xor3A_4, %parallel_loop3A_150 : vector<16xi32>
        %parallel_loop3A_152 = arith.constant 16 : i32
        %parallel_loop3A_153 = vector.broadcast %parallel_loop3A_152 : i32 to vector<16xi32>
        %parallel_loop3A_154 = arith.addi %xor3A_4, %parallel_loop3A_153 : vector<16xi32>
        %parallel_loop3A_155 = arith.select %parallel_loop3A_151, %parallel_loop3A_154, %xor3A_4 : vector<16xi1>, vector<16xi32>
        %parallel_loop3A_156 = vector.shape_cast %parallel_loop3A_155 : vector<16xi32> to vector<16x1xi32>
        %parallel_loop3A_157 = vector.shape_cast %parallel_loop3A_156 : vector<16x1xi32> to vector<16xi32>
        %parallel_loop3A_158 = tpu.dynamic_gather %parallel_loop3A_148[%parallel_loop3A_157] in [0] : vector<16xf32>, vector<16xi32> -> vector<16xf32>
        %parallel_loop3A_159 = arith.maximumf %parallel_loop3A_148, %parallel_loop3A_158 : vector<16xf32>
        %parallel_loop3A_160 = arith.index_cast %parallel_loop3A_107 : i32 to index
        %parallel_loop3A_161 = arith.constant 8 : index
        %parallel_loop3A_162 = tpu.vector_load %arg6[%parallel_loop3A_160, %parallel_loop3A_161] masked %eq3A_9 {strides = array<i32>} : memref<112x112xf32, #tpu.memory_space<vmem>>, vector<16xf32>, vector<16xi1>
        tpu.vector_store %arg6[%parallel_loop3A_160, %parallel_loop3A_161], %parallel_loop3A_159 masked %eq3A_9 {strides = array<i32>} : memref<112x112xf32, #tpu.memory_space<vmem>>, vector<16xf32>, vector<16xi1>
        %parallel_loop3A_163 = arith.constant 2 : i32
        %parallel_loop3A_164 = arith.muli %parallel_loop3A_163, %parallel_loop3A_107 : i32
        %parallel_loop3A_165 = arith.index_cast %parallel_loop3A_164 : i32 to index
        %parallel_loop3A_166 = arith.constant 32 : index
        %parallel_loop3A_167 = tpu.vector_load %arg5[%parallel_loop3A_165, %parallel_loop3A_166] {strides = array<i32>} : memref<224x224xf32, #tpu.memory_space<vmem>>, vector<16xf32>,
        %parallel_loop3A_168 = arith.constant 2 : i32
        %parallel_loop3A_169 = arith.muli %parallel_loop3A_168, %parallel_loop3A_107 : i32
        %parallel_loop3A_170 = arith.constant 1 : i32
        %parallel_loop3A_171 = arith.addi %parallel_loop3A_169, %parallel_loop3A_170 : i32
        %parallel_loop3A_172 = arith.index_cast %parallel_loop3A_171 : i32 to index
        %parallel_loop3A_173 = arith.constant 32 : index
        %parallel_loop3A_174 = tpu.vector_load %arg5[%parallel_loop3A_172, %parallel_loop3A_173] {strides = array<i32>} : memref<224x224xf32, #tpu.memory_space<vmem>>, vector<16xf32>,
        %parallel_loop3A_175 = arith.maximumf %parallel_loop3A_167, %parallel_loop3A_174 : vector<16xf32>
        %parallel_loop3A_176 = arith.constant 0 : i32
        %parallel_loop3A_177 = vector.broadcast %parallel_loop3A_176 : i32 to vector<16xi32>
        %parallel_loop3A_178 = arith.cmpi slt, %xor3A_4, %parallel_loop3A_177 : vector<16xi32>
        %parallel_loop3A_179 = arith.constant 16 : i32
        %parallel_loop3A_180 = vector.broadcast %parallel_loop3A_179 : i32 to vector<16xi32>
        %parallel_loop3A_181 = arith.addi %xor3A_4, %parallel_loop3A_180 : vector<16xi32>
        %parallel_loop3A_182 = arith.select %parallel_loop3A_178, %parallel_loop3A_181, %xor3A_4 : vector<16xi1>, vector<16xi32>
        %parallel_loop3A_183 = vector.shape_cast %parallel_loop3A_182 : vector<16xi32> to vector<16x1xi32>
        %parallel_loop3A_184 = vector.shape_cast %parallel_loop3A_183 : vector<16x1xi32> to vector<16xi32>
        %parallel_loop3A_185 = tpu.dynamic_gather %parallel_loop3A_175[%parallel_loop3A_184] in [0] : vector<16xf32>, vector<16xi32> -> vector<16xf32>
        %parallel_loop3A_186 = arith.maximumf %parallel_loop3A_175, %parallel_loop3A_185 : vector<16xf32>
        %parallel_loop3A_187 = arith.index_cast %parallel_loop3A_107 : i32 to index
        %parallel_loop3A_188 = arith.constant 16 : index
        %parallel_loop3A_189 = tpu.vector_load %arg6[%parallel_loop3A_187, %parallel_loop3A_188] masked %eq3A_9 {strides = array<i32>} : memref<112x112xf32, #tpu.memory_space<vmem>>, vector<16xf32>, vector<16xi1>
        tpu.vector_store %arg6[%parallel_loop3A_187, %parallel_loop3A_188], %parallel_loop3A_186 masked %eq3A_9 {strides = array<i32>} : memref<112x112xf32, #tpu.memory_space<vmem>>, vector<16xf32>, vector<16xi1>
        %parallel_loop3A_190 = arith.constant 2 : i32
        %parallel_loop3A_191 = arith.muli %parallel_loop3A_190, %parallel_loop3A_107 : i32
        %parallel_loop3A_192 = arith.index_cast %parallel_loop3A_191 : i32 to index
        %parallel_loop3A_193 = arith.constant 48 : index
        %parallel_loop3A_194 = tpu.vector_load %arg5[%parallel_loop3A_192, %parallel_loop3A_193] {strides = array<i32>} : memref<224x224xf32, #tpu.memory_space<vmem>>, vector<16xf32>,
        %parallel_loop3A_195 = arith.constant 2 : i32
        %parallel_loop3A_196 = arith.muli %parallel_loop3A_195, %parallel_loop3A_107 : i32
        %parallel_loop3A_197 = arith.constant 1 : i32
        %parallel_loop3A_198 = arith.addi %parallel_loop3A_196, %parallel_loop3A_197 : i32
        %parallel_loop3A_199 = arith.index_cast %parallel_loop3A_198 : i32 to index
        %parallel_loop3A_200 = arith.constant 48 : index
        %parallel_loop3A_201 = tpu.vector_load %arg5[%parallel_loop3A_199, %parallel_loop3A_200] {strides = array<i32>} : memref<224x224xf32, #tpu.memory_space<vmem>>, vector<16xf32>,
        %parallel_loop3A_202 = arith.maximumf %parallel_loop3A_194, %parallel_loop3A_201 : vector<16xf32>
        %parallel_loop3A_203 = arith.constant 0 : i32
        %parallel_loop3A_204 = vector.broadcast %parallel_loop3A_203 : i32 to vector<16xi32>
        %parallel_loop3A_205 = arith.cmpi slt, %xor3A_4, %parallel_loop3A_204 : vector<16xi32>
        %parallel_loop3A_206 = arith.constant 16 : i32
        %parallel_loop3A_207 = vector.broadcast %parallel_loop3A_206 : i32 to vector<16xi32>
        %parallel_loop3A_208 = arith.addi %xor3A_4, %parallel_loop3A_207 : vector<16xi32>
        %parallel_loop3A_209 = arith.select %parallel_loop3A_205, %parallel_loop3A_208, %xor3A_4 : vector<16xi1>, vector<16xi32>
        %parallel_loop3A_210 = vector.shape_cast %parallel_loop3A_209 : vector<16xi32> to vector<16x1xi32>
        %parallel_loop3A_211 = vector.shape_cast %parallel_loop3A_210 : vector<16x1xi32> to vector<16xi32>
        %parallel_loop3A_212 = tpu.dynamic_gather %parallel_loop3A_202[%parallel_loop3A_211] in [0] : vector<16xf32>, vector<16xi32> -> vector<16xf32>
        %parallel_loop3A_213 = arith.maximumf %parallel_loop3A_202, %parallel_loop3A_212 : vector<16xf32>
        %parallel_loop3A_214 = arith.index_cast %parallel_loop3A_107 : i32 to index
        %parallel_loop3A_215 = arith.constant 24 : index
        %parallel_loop3A_216 = tpu.vector_load %arg6[%parallel_loop3A_214, %parallel_loop3A_215] masked %eq3A_9 {strides = array<i32>} : memref<112x112xf32, #tpu.memory_space<vmem>>, vector<16xf32>, vector<16xi1>
        tpu.vector_store %arg6[%parallel_loop3A_214, %parallel_loop3A_215], %parallel_loop3A_213 masked %eq3A_9 {strides = array<i32>} : memref<112x112xf32, #tpu.memory_space<vmem>>, vector<16xf32>, vector<16xi1>
        %parallel_loop3A_217 = arith.constant 2 : i32
        %parallel_loop3A_218 = arith.muli %parallel_loop3A_217, %parallel_loop3A_107 : i32
        %parallel_loop3A_219 = arith.index_cast %parallel_loop3A_218 : i32 to index
        %parallel_loop3A_220 = arith.constant 64 : index
        %parallel_loop3A_221 = tpu.vector_load %arg5[%parallel_loop3A_219, %parallel_loop3A_220] {strides = array<i32>} : memref<224x224xf32, #tpu.memory_space<vmem>>, vector<16xf32>,
        %parallel_loop3A_222 = arith.constant 2 : i32
        %parallel_loop3A_223 = arith.muli %parallel_loop3A_222, %parallel_loop3A_107 : i32
        %parallel_loop3A_224 = arith.constant 1 : i32
        %parallel_loop3A_225 = arith.addi %parallel_loop3A_223, %parallel_loop3A_224 : i32
        %parallel_loop3A_226 = arith.index_cast %parallel_loop3A_225 : i32 to index
        %parallel_loop3A_227 = arith.constant 64 : index
        %parallel_loop3A_228 = tpu.vector_load %arg5[%parallel_loop3A_226, %parallel_loop3A_227] {strides = array<i32>} : memref<224x224xf32, #tpu.memory_space<vmem>>, vector<16xf32>,
        %parallel_loop3A_229 = arith.maximumf %parallel_loop3A_221, %parallel_loop3A_228 : vector<16xf32>
        %parallel_loop3A_230 = arith.constant 0 : i32
        %parallel_loop3A_231 = vector.broadcast %parallel_loop3A_230 : i32 to vector<16xi32>
        %parallel_loop3A_232 = arith.cmpi slt, %xor3A_4, %parallel_loop3A_231 : vector<16xi32>
        %parallel_loop3A_233 = arith.constant 16 : i32
        %parallel_loop3A_234 = vector.broadcast %parallel_loop3A_233 : i32 to vector<16xi32>
        %parallel_loop3A_235 = arith.addi %xor3A_4, %parallel_loop3A_234 : vector<16xi32>
        %parallel_loop3A_236 = arith.select %parallel_loop3A_232, %parallel_loop3A_235, %xor3A_4 : vector<16xi1>, vector<16xi32>
        %parallel_loop3A_237 = vector.shape_cast %parallel_loop3A_236 : vector<16xi32> to vector<16x1xi32>
        %parallel_loop3A_238 = vector.shape_cast %parallel_loop3A_237 : vector<16x1xi32> to vector<16xi32>
        %parallel_loop3A_239 = tpu.dynamic_gather %parallel_loop3A_229[%parallel_loop3A_238] in [0] : vector<16xf32>, vector<16xi32> -> vector<16xf32>
        %parallel_loop3A_240 = arith.maximumf %parallel_loop3A_229, %parallel_loop3A_239 : vector<16xf32>
        %parallel_loop3A_241 = arith.index_cast %parallel_loop3A_107 : i32 to index
        %parallel_loop3A_242 = arith.constant 32 : index
        %parallel_loop3A_243 = tpu.vector_load %arg6[%parallel_loop3A_241, %parallel_loop3A_242] masked %eq3A_9 {strides = array<i32>} : memref<112x112xf32, #tpu.memory_space<vmem>>, vector<16xf32>, vector<16xi1>
        tpu.vector_store %arg6[%parallel_loop3A_241, %parallel_loop3A_242], %parallel_loop3A_240 masked %eq3A_9 {strides = array<i32>} : memref<112x112xf32, #tpu.memory_space<vmem>>, vector<16xf32>, vector<16xi1>
        %parallel_loop3A_244 = arith.constant 2 : i32
        %parallel_loop3A_245 = arith.muli %parallel_loop3A_244, %parallel_loop3A_107 : i32
        %parallel_loop3A_246 = arith.index_cast %parallel_loop3A_245 : i32 to index
        %parallel_loop3A_247 = arith.constant 80 : index
        %parallel_loop3A_248 = tpu.vector_load %arg5[%parallel_loop3A_246, %parallel_loop3A_247] {strides = array<i32>} : memref<224x224xf32, #tpu.memory_space<vmem>>, vector<16xf32>,
        %parallel_loop3A_249 = arith.constant 2 : i32
        %parallel_loop3A_250 = arith.muli %parallel_loop3A_249, %parallel_loop3A_107 : i32
        %parallel_loop3A_251 = arith.constant 1 : i32
        %parallel_loop3A_252 = arith.addi %parallel_loop3A_250, %parallel_loop3A_251 : i32
        %parallel_loop3A_253 = arith.index_cast %parallel_loop3A_252 : i32 to index
        %parallel_loop3A_254 = arith.constant 80 : index
        %parallel_loop3A_255 = tpu.vector_load %arg5[%parallel_loop3A_253, %parallel_loop3A_254] {strides = array<i32>} : memref<224x224xf32, #tpu.memory_space<vmem>>, vector<16xf32>,
        %parallel_loop3A_256 = arith.maximumf %parallel_loop3A_248, %parallel_loop3A_255 : vector<16xf32>
        %parallel_loop3A_257 = arith.constant 0 : i32
        %parallel_loop3A_258 = vector.broadcast %parallel_loop3A_257 : i32 to vector<16xi32>
        %parallel_loop3A_259 = arith.cmpi slt, %xor3A_4, %parallel_loop3A_258 : vector<16xi32>
        %parallel_loop3A_260 = arith.constant 16 : i32
        %parallel_loop3A_261 = vector.broadcast %parallel_loop3A_260 : i32 to vector<16xi32>
        %parallel_loop3A_262 = arith.addi %xor3A_4, %parallel_loop3A_261 : vector<16xi32>
        %parallel_loop3A_263 = arith.select %parallel_loop3A_259, %parallel_loop3A_262, %xor3A_4 : vector<16xi1>, vector<16xi32>
        %parallel_loop3A_264 = vector.shape_cast %parallel_loop3A_263 : vector<16xi32> to vector<16x1xi32>
        %parallel_loop3A_265 = vector.shape_cast %parallel_loop3A_264 : vector<16x1xi32> to vector<16xi32>
        %parallel_loop3A_266 = tpu.dynamic_gather %parallel_loop3A_256[%parallel_loop3A_265] in [0] : vector<16xf32>, vector<16xi32> -> vector<16xf32>
        %parallel_loop3A_267 = arith.maximumf %parallel_loop3A_256, %parallel_loop3A_266 : vector<16xf32>
        %parallel_loop3A_268 = arith.index_cast %parallel_loop3A_107 : i32 to index
        %parallel_loop3A_269 = arith.constant 40 : index
        %parallel_loop3A_270 = tpu.vector_load %arg6[%parallel_loop3A_268, %parallel_loop3A_269] masked %eq3A_9 {strides = array<i32>} : memref<112x112xf32, #tpu.memory_space<vmem>>, vector<16xf32>, vector<16xi1>
        tpu.vector_store %arg6[%parallel_loop3A_268, %parallel_loop3A_269], %parallel_loop3A_267 masked %eq3A_9 {strides = array<i32>} : memref<112x112xf32, #tpu.memory_space<vmem>>, vector<16xf32>, vector<16xi1>
        %parallel_loop3A_271 = arith.constant 2 : i32
        %parallel_loop3A_272 = arith.muli %parallel_loop3A_271, %parallel_loop3A_107 : i32
        %parallel_loop3A_273 = arith.index_cast %parallel_loop3A_272 : i32 to index
        %parallel_loop3A_274 = arith.constant 96 : index
        %parallel_loop3A_275 = tpu.vector_load %arg5[%parallel_loop3A_273, %parallel_loop3A_274] {strides = array<i32>} : memref<224x224xf32, #tpu.memory_space<vmem>>, vector<16xf32>,
        %parallel_loop3A_276 = arith.constant 2 : i32
        %parallel_loop3A_277 = arith.muli %parallel_loop3A_276, %parallel_loop3A_107 : i32
        %parallel_loop3A_278 = arith.constant 1 : i32
        %parallel_loop3A_279 = arith.addi %parallel_loop3A_277, %parallel_loop3A_278 : i32
        %parallel_loop3A_280 = arith.index_cast %parallel_loop3A_279 : i32 to index
        %parallel_loop3A_281 = arith.constant 96 : index
        %parallel_loop3A_282 = tpu.vector_load %arg5[%parallel_loop3A_280, %parallel_loop3A_281] {strides = array<i32>} : memref<224x224xf32, #tpu.memory_space<vmem>>, vector<16xf32>,
        %parallel_loop3A_283 = arith.maximumf %parallel_loop3A_275, %parallel_loop3A_282 : vector<16xf32>
        %parallel_loop3A_284 = arith.constant 0 : i32
        %parallel_loop3A_285 = vector.broadcast %parallel_loop3A_284 : i32 to vector<16xi32>
        %parallel_loop3A_286 = arith.cmpi slt, %xor3A_4, %parallel_loop3A_285 : vector<16xi32>
        %parallel_loop3A_287 = arith.constant 16 : i32
        %parallel_loop3A_288 = vector.broadcast %parallel_loop3A_287 : i32 to vector<16xi32>
        %parallel_loop3A_289 = arith.addi %xor3A_4, %parallel_loop3A_288 : vector<16xi32>
        %parallel_loop3A_290 = arith.select %parallel_loop3A_286, %parallel_loop3A_289, %xor3A_4 : vector<16xi1>, vector<16xi32>
        %parallel_loop3A_291 = vector.shape_cast %parallel_loop3A_290 : vector<16xi32> to vector<16x1xi32>
        %parallel_loop3A_292 = vector.shape_cast %parallel_loop3A_291 : vector<16x1xi32> to vector<16xi32>
        %parallel_loop3A_293 = tpu.dynamic_gather %parallel_loop3A_283[%parallel_loop3A_292] in [0] : vector<16xf32>, vector<16xi32> -> vector<16xf32>
        %parallel_loop3A_294 = arith.maximumf %parallel_loop3A_283, %parallel_loop3A_293 : vector<16xf32>
        %parallel_loop3A_295 = arith.index_cast %parallel_loop3A_107 : i32 to index
        %parallel_loop3A_296 = arith.constant 48 : index
        %parallel_loop3A_297 = tpu.vector_load %arg6[%parallel_loop3A_295, %parallel_loop3A_296] masked %eq3A_9 {strides = array<i32>} : memref<112x112xf32, #tpu.memory_space<vmem>>, vector<16xf32>, vector<16xi1>
        tpu.vector_store %arg6[%parallel_loop3A_295, %parallel_loop3A_296], %parallel_loop3A_294 masked %eq3A_9 {strides = array<i32>} : memref<112x112xf32, #tpu.memory_space<vmem>>, vector<16xf32>, vector<16xi1>
        %parallel_loop3A_298 = arith.constant 2 : i32
        %parallel_loop3A_299 = arith.muli %parallel_loop3A_298, %parallel_loop3A_107 : i32
        %parallel_loop3A_300 = arith.index_cast %parallel_loop3A_299 : i32 to index
        %parallel_loop3A_301 = arith.constant 112 : index
        %parallel_loop3A_302 = tpu.vector_load %arg5[%parallel_loop3A_300, %parallel_loop3A_301] {strides = array<i32>} : memref<224x224xf32, #tpu.memory_space<vmem>>, vector<16xf32>,
        %parallel_loop3A_303 = arith.constant 2 : i32
        %parallel_loop3A_304 = arith.muli %parallel_loop3A_303, %parallel_loop3A_107 : i32
        %parallel_loop3A_305 = arith.constant 1 : i32
        %parallel_loop3A_306 = arith.addi %parallel_loop3A_304, %parallel_loop3A_305 : i32
        %parallel_loop3A_307 = arith.index_cast %parallel_loop3A_306 : i32 to index
        %parallel_loop3A_308 = arith.constant 112 : index
        %parallel_loop3A_309 = tpu.vector_load %arg5[%parallel_loop3A_307, %parallel_loop3A_308] {strides = array<i32>} : memref<224x224xf32, #tpu.memory_space<vmem>>, vector<16xf32>,
        %parallel_loop3A_310 = arith.maximumf %parallel_loop3A_302, %parallel_loop3A_309 : vector<16xf32>
        %parallel_loop3A_311 = arith.constant 0 : i32
        %parallel_loop3A_312 = vector.broadcast %parallel_loop3A_311 : i32 to vector<16xi32>
        %parallel_loop3A_313 = arith.cmpi slt, %xor3A_4, %parallel_loop3A_312 : vector<16xi32>
        %parallel_loop3A_314 = arith.constant 16 : i32
        %parallel_loop3A_315 = vector.broadcast %parallel_loop3A_314 : i32 to vector<16xi32>
        %parallel_loop3A_316 = arith.addi %xor3A_4, %parallel_loop3A_315 : vector<16xi32>
        %parallel_loop3A_317 = arith.select %parallel_loop3A_313, %parallel_loop3A_316, %xor3A_4 : vector<16xi1>, vector<16xi32>
        %parallel_loop3A_318 = vector.shape_cast %parallel_loop3A_317 : vector<16xi32> to vector<16x1xi32>
        %parallel_loop3A_319 = vector.shape_cast %parallel_loop3A_318 : vector<16x1xi32> to vector<16xi32>
        %parallel_loop3A_320 = tpu.dynamic_gather %parallel_loop3A_310[%parallel_loop3A_319] in [0] : vector<16xf32>, vector<16xi32> -> vector<16xf32>
        %parallel_loop3A_321 = arith.maximumf %parallel_loop3A_310, %parallel_loop3A_320 : vector<16xf32>
        %parallel_loop3A_322 = arith.index_cast %parallel_loop3A_107 : i32 to index
        %parallel_loop3A_323 = arith.constant 56 : index
        %parallel_loop3A_324 = tpu.vector_load %arg6[%parallel_loop3A_322, %parallel_loop3A_323] masked %eq3A_9 {strides = array<i32>} : memref<112x112xf32, #tpu.memory_space<vmem>>, vector<16xf32>, vector<16xi1>
        tpu.vector_store %arg6[%parallel_loop3A_322, %parallel_loop3A_323], %parallel_loop3A_321 masked %eq3A_9 {strides = array<i32>} : memref<112x112xf32, #tpu.memory_space<vmem>>, vector<16xf32>, vector<16xi1>
        %parallel_loop3A_325 = arith.constant 2 : i32
        %parallel_loop3A_326 = arith.muli %parallel_loop3A_325, %parallel_loop3A_107 : i32
        %parallel_loop3A_327 = arith.index_cast %parallel_loop3A_326 : i32 to index
        %parallel_loop3A_328 = arith.constant 128 : index
        %parallel_loop3A_329 = tpu.vector_load %arg5[%parallel_loop3A_327, %parallel_loop3A_328] {strides = array<i32>} : memref<224x224xf32, #tpu.memory_space<vmem>>, vector<16xf32>,
        %parallel_loop3A_330 = arith.constant 2 : i32
        %parallel_loop3A_331 = arith.muli %parallel_loop3A_330, %parallel_loop3A_107 : i32
        %parallel_loop3A_332 = arith.constant 1 : i32
        %parallel_loop3A_333 = arith.addi %parallel_loop3A_331, %parallel_loop3A_332 : i32
        %parallel_loop3A_334 = arith.index_cast %parallel_loop3A_333 : i32 to index
        %parallel_loop3A_335 = arith.constant 128 : index
        %parallel_loop3A_336 = tpu.vector_load %arg5[%parallel_loop3A_334, %parallel_loop3A_335] {strides = array<i32>} : memref<224x224xf32, #tpu.memory_space<vmem>>, vector<16xf32>,
        %parallel_loop3A_337 = arith.maximumf %parallel_loop3A_329, %parallel_loop3A_336 : vector<16xf32>
        %parallel_loop3A_338 = arith.constant 0 : i32
        %parallel_loop3A_339 = vector.broadcast %parallel_loop3A_338 : i32 to vector<16xi32>
        %parallel_loop3A_340 = arith.cmpi slt, %xor3A_4, %parallel_loop3A_339 : vector<16xi32>
        %parallel_loop3A_341 = arith.constant 16 : i32
        %parallel_loop3A_342 = vector.broadcast %parallel_loop3A_341 : i32 to vector<16xi32>
        %parallel_loop3A_343 = arith.addi %xor3A_4, %parallel_loop3A_342 : vector<16xi32>
        %parallel_loop3A_344 = arith.select %parallel_loop3A_340, %parallel_loop3A_343, %xor3A_4 : vector<16xi1>, vector<16xi32>
        %parallel_loop3A_345 = vector.shape_cast %parallel_loop3A_344 : vector<16xi32> to vector<16x1xi32>
        %parallel_loop3A_346 = vector.shape_cast %parallel_loop3A_345 : vector<16x1xi32> to vector<16xi32>
        %parallel_loop3A_347 = tpu.dynamic_gather %parallel_loop3A_337[%parallel_loop3A_346] in [0] : vector<16xf32>, vector<16xi32> -> vector<16xf32>
        %parallel_loop3A_348 = arith.maximumf %parallel_loop3A_337, %parallel_loop3A_347 : vector<16xf32>
        %parallel_loop3A_349 = arith.index_cast %parallel_loop3A_107 : i32 to index
        %parallel_loop3A_350 = arith.constant 64 : index
        %parallel_loop3A_351 = tpu.vector_load %arg6[%parallel_loop3A_349, %parallel_loop3A_350] masked %eq3A_9 {strides = array<i32>} : memref<112x112xf32, #tpu.memory_space<vmem>>, vector<16xf32>, vector<16xi1>
        tpu.vector_store %arg6[%parallel_loop3A_349, %parallel_loop3A_350], %parallel_loop3A_348 masked %eq3A_9 {strides = array<i32>} : memref<112x112xf32, #tpu.memory_space<vmem>>, vector<16xf32>, vector<16xi1>
        %parallel_loop3A_352 = arith.constant 2 : i32
        %parallel_loop3A_353 = arith.muli %parallel_loop3A_352, %parallel_loop3A_107 : i32
        %parallel_loop3A_354 = arith.index_cast %parallel_loop3A_353 : i32 to index
        %parallel_loop3A_355 = arith.constant 144 : index
        %parallel_loop3A_356 = tpu.vector_load %arg5[%parallel_loop3A_354, %parallel_loop3A_355] {strides = array<i32>} : memref<224x224xf32, #tpu.memory_space<vmem>>, vector<16xf32>,
        %parallel_loop3A_357 = arith.constant 2 : i32
        %parallel_loop3A_358 = arith.muli %parallel_loop3A_357, %parallel_loop3A_107 : i32
        %parallel_loop3A_359 = arith.constant 1 : i32
        %parallel_loop3A_360 = arith.addi %parallel_loop3A_358, %parallel_loop3A_359 : i32
        %parallel_loop3A_361 = arith.index_cast %parallel_loop3A_360 : i32 to index
        %parallel_loop3A_362 = arith.constant 144 : index
        %parallel_loop3A_363 = tpu.vector_load %arg5[%parallel_loop3A_361, %parallel_loop3A_362] {strides = array<i32>} : memref<224x224xf32, #tpu.memory_space<vmem>>, vector<16xf32>,
        %parallel_loop3A_364 = arith.maximumf %parallel_loop3A_356, %parallel_loop3A_363 : vector<16xf32>
        %parallel_loop3A_365 = arith.constant 0 : i32
        %parallel_loop3A_366 = vector.broadcast %parallel_loop3A_365 : i32 to vector<16xi32>
        %parallel_loop3A_367 = arith.cmpi slt, %xor3A_4, %parallel_loop3A_366 : vector<16xi32>
        %parallel_loop3A_368 = arith.constant 16 : i32
        %parallel_loop3A_369 = vector.broadcast %parallel_loop3A_368 : i32 to vector<16xi32>
        %parallel_loop3A_370 = arith.addi %xor3A_4, %parallel_loop3A_369 : vector<16xi32>
        %parallel_loop3A_371 = arith.select %parallel_loop3A_367, %parallel_loop3A_370, %xor3A_4 : vector<16xi1>, vector<16xi32>
        %parallel_loop3A_372 = vector.shape_cast %parallel_loop3A_371 : vector<16xi32> to vector<16x1xi32>
        %parallel_loop3A_373 = vector.shape_cast %parallel_loop3A_372 : vector<16x1xi32> to vector<16xi32>
        %parallel_loop3A_374 = tpu.dynamic_gather %parallel_loop3A_364[%parallel_loop3A_373] in [0] : vector<16xf32>, vector<16xi32> -> vector<16xf32>
        %parallel_loop3A_375 = arith.maximumf %parallel_loop3A_364, %parallel_loop3A_374 : vector<16xf32>
        %parallel_loop3A_376 = arith.index_cast %parallel_loop3A_107 : i32 to index
        %parallel_loop3A_377 = arith.constant 72 : index
        %parallel_loop3A_378 = tpu.vector_load %arg6[%parallel_loop3A_376, %parallel_loop3A_377] masked %eq3A_9 {strides = array<i32>} : memref<112x112xf32, #tpu.memory_space<vmem>>, vector<16xf32>, vector<16xi1>
        tpu.vector_store %arg6[%parallel_loop3A_376, %parallel_loop3A_377], %parallel_loop3A_375 masked %eq3A_9 {strides = array<i32>} : memref<112x112xf32, #tpu.memory_space<vmem>>, vector<16xf32>, vector<16xi1>
        %parallel_loop3A_379 = arith.constant 2 : i32
        %parallel_loop3A_380 = arith.muli %parallel_loop3A_379, %parallel_loop3A_107 : i32
        %parallel_loop3A_381 = arith.index_cast %parallel_loop3A_380 : i32 to index
        %parallel_loop3A_382 = arith.constant 160 : index
        %parallel_loop3A_383 = tpu.vector_load %arg5[%parallel_loop3A_381, %parallel_loop3A_382] {strides = array<i32>} : memref<224x224xf32, #tpu.memory_space<vmem>>, vector<16xf32>,
        %parallel_loop3A_384 = arith.constant 2 : i32
        %parallel_loop3A_385 = arith.muli %parallel_loop3A_384, %parallel_loop3A_107 : i32
        %parallel_loop3A_386 = arith.constant 1 : i32
        %parallel_loop3A_387 = arith.addi %parallel_loop3A_385, %parallel_loop3A_386 : i32
        %parallel_loop3A_388 = arith.index_cast %parallel_loop3A_387 : i32 to index
        %parallel_loop3A_389 = arith.constant 160 : index
        %parallel_loop3A_390 = tpu.vector_load %arg5[%parallel_loop3A_388, %parallel_loop3A_389] {strides = array<i32>} : memref<224x224xf32, #tpu.memory_space<vmem>>, vector<16xf32>,
        %parallel_loop3A_391 = arith.maximumf %parallel_loop3A_383, %parallel_loop3A_390 : vector<16xf32>
        %parallel_loop3A_392 = arith.constant 0 : i32
        %parallel_loop3A_393 = vector.broadcast %parallel_loop3A_392 : i32 to vector<16xi32>
        %parallel_loop3A_394 = arith.cmpi slt, %xor3A_4, %parallel_loop3A_393 : vector<16xi32>
        %parallel_loop3A_395 = arith.constant 16 : i32
        %parallel_loop3A_396 = vector.broadcast %parallel_loop3A_395 : i32 to vector<16xi32>
        %parallel_loop3A_397 = arith.addi %xor3A_4, %parallel_loop3A_396 : vector<16xi32>
        %parallel_loop3A_398 = arith.select %parallel_loop3A_394, %parallel_loop3A_397, %xor3A_4 : vector<16xi1>, vector<16xi32>
        %parallel_loop3A_399 = vector.shape_cast %parallel_loop3A_398 : vector<16xi32> to vector<16x1xi32>
        %parallel_loop3A_400 = vector.shape_cast %parallel_loop3A_399 : vector<16x1xi32> to vector<16xi32>
        %parallel_loop3A_401 = tpu.dynamic_gather %parallel_loop3A_391[%parallel_loop3A_400] in [0] : vector<16xf32>, vector<16xi32> -> vector<16xf32>
        %parallel_loop3A_402 = arith.maximumf %parallel_loop3A_391, %parallel_loop3A_401 : vector<16xf32>
        %parallel_loop3A_403 = arith.index_cast %parallel_loop3A_107 : i32 to index
        %parallel_loop3A_404 = arith.constant 80 : index
        %parallel_loop3A_405 = tpu.vector_load %arg6[%parallel_loop3A_403, %parallel_loop3A_404] masked %eq3A_9 {strides = array<i32>} : memref<112x112xf32, #tpu.memory_space<vmem>>, vector<16xf32>, vector<16xi1>
        tpu.vector_store %arg6[%parallel_loop3A_403, %parallel_loop3A_404], %parallel_loop3A_402 masked %eq3A_9 {strides = array<i32>} : memref<112x112xf32, #tpu.memory_space<vmem>>, vector<16xf32>, vector<16xi1>
        %parallel_loop3A_406 = arith.constant 2 : i32
        %parallel_loop3A_407 = arith.muli %parallel_loop3A_406, %parallel_loop3A_107 : i32
        %parallel_loop3A_408 = arith.index_cast %parallel_loop3A_407 : i32 to index
        %parallel_loop3A_409 = arith.constant 176 : index
        %parallel_loop3A_410 = tpu.vector_load %arg5[%parallel_loop3A_408, %parallel_loop3A_409] {strides = array<i32>} : memref<224x224xf32, #tpu.memory_space<vmem>>, vector<16xf32>,
        %parallel_loop3A_411 = arith.constant 2 : i32
        %parallel_loop3A_412 = arith.muli %parallel_loop3A_411, %parallel_loop3A_107 : i32
        %parallel_loop3A_413 = arith.constant 1 : i32
        %parallel_loop3A_414 = arith.addi %parallel_loop3A_412, %parallel_loop3A_413 : i32
        %parallel_loop3A_415 = arith.index_cast %parallel_loop3A_414 : i32 to index
        %parallel_loop3A_416 = arith.constant 176 : index
        %parallel_loop3A_417 = tpu.vector_load %arg5[%parallel_loop3A_415, %parallel_loop3A_416] {strides = array<i32>} : memref<224x224xf32, #tpu.memory_space<vmem>>, vector<16xf32>,
        %parallel_loop3A_418 = arith.maximumf %parallel_loop3A_410, %parallel_loop3A_417 : vector<16xf32>
        %parallel_loop3A_419 = arith.constant 0 : i32
        %parallel_loop3A_420 = vector.broadcast %parallel_loop3A_419 : i32 to vector<16xi32>
        %parallel_loop3A_421 = arith.cmpi slt, %xor3A_4, %parallel_loop3A_420 : vector<16xi32>
        %parallel_loop3A_422 = arith.constant 16 : i32
        %parallel_loop3A_423 = vector.broadcast %parallel_loop3A_422 : i32 to vector<16xi32>
        %parallel_loop3A_424 = arith.addi %xor3A_4, %parallel_loop3A_423 : vector<16xi32>
        %parallel_loop3A_425 = arith.select %parallel_loop3A_421, %parallel_loop3A_424, %xor3A_4 : vector<16xi1>, vector<16xi32>
        %parallel_loop3A_426 = vector.shape_cast %parallel_loop3A_425 : vector<16xi32> to vector<16x1xi32>
        %parallel_loop3A_427 = vector.shape_cast %parallel_loop3A_426 : vector<16x1xi32> to vector<16xi32>
        %parallel_loop3A_428 = tpu.dynamic_gather %parallel_loop3A_418[%parallel_loop3A_427] in [0] : vector<16xf32>, vector<16xi32> -> vector<16xf32>
        %parallel_loop3A_429 = arith.maximumf %parallel_loop3A_418, %parallel_loop3A_428 : vector<16xf32>
        %parallel_loop3A_430 = arith.index_cast %parallel_loop3A_107 : i32 to index
        %parallel_loop3A_431 = arith.constant 88 : index
        %parallel_loop3A_432 = tpu.vector_load %arg6[%parallel_loop3A_430, %parallel_loop3A_431] masked %eq3A_9 {strides = array<i32>} : memref<112x112xf32, #tpu.memory_space<vmem>>, vector<16xf32>, vector<16xi1>
        tpu.vector_store %arg6[%parallel_loop3A_430, %parallel_loop3A_431], %parallel_loop3A_429 masked %eq3A_9 {strides = array<i32>} : memref<112x112xf32, #tpu.memory_space<vmem>>, vector<16xf32>, vector<16xi1>
        %parallel_loop3A_433 = arith.constant 2 : i32
        %parallel_loop3A_434 = arith.muli %parallel_loop3A_433, %parallel_loop3A_107 : i32
        %parallel_loop3A_435 = arith.index_cast %parallel_loop3A_434 : i32 to index
        %parallel_loop3A_436 = arith.constant 192 : index
        %parallel_loop3A_437 = tpu.vector_load %arg5[%parallel_loop3A_435, %parallel_loop3A_436] {strides = array<i32>} : memref<224x224xf32, #tpu.memory_space<vmem>>, vector<16xf32>,
        %parallel_loop3A_438 = arith.constant 2 : i32
        %parallel_loop3A_439 = arith.muli %parallel_loop3A_438, %parallel_loop3A_107 : i32
        %parallel_loop3A_440 = arith.constant 1 : i32
        %parallel_loop3A_441 = arith.addi %parallel_loop3A_439, %parallel_loop3A_440 : i32
        %parallel_loop3A_442 = arith.index_cast %parallel_loop3A_441 : i32 to index
        %parallel_loop3A_443 = arith.constant 192 : index
        %parallel_loop3A_444 = tpu.vector_load %arg5[%parallel_loop3A_442, %parallel_loop3A_443] {strides = array<i32>} : memref<224x224xf32, #tpu.memory_space<vmem>>, vector<16xf32>,
        %parallel_loop3A_445 = arith.maximumf %parallel_loop3A_437, %parallel_loop3A_444 : vector<16xf32>
        %parallel_loop3A_446 = arith.constant 0 : i32
        %parallel_loop3A_447 = vector.broadcast %parallel_loop3A_446 : i32 to vector<16xi32>
        %parallel_loop3A_448 = arith.cmpi slt, %xor3A_4, %parallel_loop3A_447 : vector<16xi32>
        %parallel_loop3A_449 = arith.constant 16 : i32
        %parallel_loop3A_450 = vector.broadcast %parallel_loop3A_449 : i32 to vector<16xi32>
        %parallel_loop3A_451 = arith.addi %xor3A_4, %parallel_loop3A_450 : vector<16xi32>
        %parallel_loop3A_452 = arith.select %parallel_loop3A_448, %parallel_loop3A_451, %xor3A_4 : vector<16xi1>, vector<16xi32>
        %parallel_loop3A_453 = vector.shape_cast %parallel_loop3A_452 : vector<16xi32> to vector<16x1xi32>
        %parallel_loop3A_454 = vector.shape_cast %parallel_loop3A_453 : vector<16x1xi32> to vector<16xi32>
        %parallel_loop3A_455 = tpu.dynamic_gather %parallel_loop3A_445[%parallel_loop3A_454] in [0] : vector<16xf32>, vector<16xi32> -> vector<16xf32>
        %parallel_loop3A_456 = arith.maximumf %parallel_loop3A_445, %parallel_loop3A_455 : vector<16xf32>
        %parallel_loop3A_457 = arith.index_cast %parallel_loop3A_107 : i32 to index
        %parallel_loop3A_458 = arith.constant 96 : index
        %parallel_loop3A_459 = tpu.vector_load %arg6[%parallel_loop3A_457, %parallel_loop3A_458] masked %eq3A_9 {strides = array<i32>} : memref<112x112xf32, #tpu.memory_space<vmem>>, vector<16xf32>, vector<16xi1>
        tpu.vector_store %arg6[%parallel_loop3A_457, %parallel_loop3A_458], %parallel_loop3A_456 masked %eq3A_9 {strides = array<i32>} : memref<112x112xf32, #tpu.memory_space<vmem>>, vector<16xf32>, vector<16xi1>
        %parallel_loop3A_460 = arith.constant 2 : i32
        %parallel_loop3A_461 = arith.muli %parallel_loop3A_460, %parallel_loop3A_107 : i32
        %parallel_loop3A_462 = arith.index_cast %parallel_loop3A_461 : i32 to index
        %parallel_loop3A_463 = arith.constant 208 : index
        %parallel_loop3A_464 = tpu.vector_load %arg5[%parallel_loop3A_462, %parallel_loop3A_463] {strides = array<i32>} : memref<224x224xf32, #tpu.memory_space<vmem>>, vector<16xf32>,
        %parallel_loop3A_465 = arith.constant 2 : i32
        %parallel_loop3A_466 = arith.muli %parallel_loop3A_465, %parallel_loop3A_107 : i32
        %parallel_loop3A_467 = arith.constant 1 : i32
        %parallel_loop3A_468 = arith.addi %parallel_loop3A_466, %parallel_loop3A_467 : i32
        %parallel_loop3A_469 = arith.index_cast %parallel_loop3A_468 : i32 to index
        %parallel_loop3A_470 = arith.constant 208 : index
        %parallel_loop3A_471 = tpu.vector_load %arg5[%parallel_loop3A_469, %parallel_loop3A_470] {strides = array<i32>} : memref<224x224xf32, #tpu.memory_space<vmem>>, vector<16xf32>,
        %parallel_loop3A_472 = arith.maximumf %parallel_loop3A_464, %parallel_loop3A_471 : vector<16xf32>
        %parallel_loop3A_473 = arith.constant 0 : i32
        %parallel_loop3A_474 = vector.broadcast %parallel_loop3A_473 : i32 to vector<16xi32>
        %parallel_loop3A_475 = arith.cmpi slt, %xor3A_4, %parallel_loop3A_474 : vector<16xi32>
        %parallel_loop3A_476 = arith.constant 16 : i32
        %parallel_loop3A_477 = vector.broadcast %parallel_loop3A_476 : i32 to vector<16xi32>
        %parallel_loop3A_478 = arith.addi %xor3A_4, %parallel_loop3A_477 : vector<16xi32>
        %parallel_loop3A_479 = arith.select %parallel_loop3A_475, %parallel_loop3A_478, %xor3A_4 : vector<16xi1>, vector<16xi32>
        %parallel_loop3A_480 = vector.shape_cast %parallel_loop3A_479 : vector<16xi32> to vector<16x1xi32>
        %parallel_loop3A_481 = vector.shape_cast %parallel_loop3A_480 : vector<16x1xi32> to vector<16xi32>
        %parallel_loop3A_482 = tpu.dynamic_gather %parallel_loop3A_472[%parallel_loop3A_481] in [0] : vector<16xf32>, vector<16xi32> -> vector<16xf32>
        %parallel_loop3A_483 = arith.maximumf %parallel_loop3A_472, %parallel_loop3A_482 : vector<16xf32>
        tpu.vector_store_idx %arg6[%parallel_loop3A_108, %add3A_15], %parallel_loop3A_483 masked %eq3A_9 : memref<112x112xf32, #tpu.memory_space<vmem>>[vector<16xi32>, vector<16xi32>], vector<16xf32>, vector<16xi1>
      } {sc.loop_unroll_factor = 2 : i64, sc.parallel_access}
      %dma_start3A_94 = arith.constant 0 : i32
      %dma_start3A_95 = arith.constant 0 : i32
      %dma_start3A_96 = tpu.memref_slice %arg3[%add3A_50, %dma_start3A_94, %dma_start3A_95] : memref<768x112x112xf32, #tpu.memory_space<hbm>> -> memref<1x112x112xf32, #tpu.memory_space<hbm>>
      %dma_start3A_97 = tpu.memref_squeeze %dma_start3A_96 : memref<1x112x112xf32, #tpu.memory_space<hbm>> -> memref<112x112xf32, #tpu.memory_space<hbm>>
      %dma_start3A_98 = arith.constant 0 : i32
      %dma_start3A_99 = arith.constant 0 : i32
      %dma_start3A_100 = tpu.memref_slice %arg3[%add3A_50, %dma_start3A_98, %dma_start3A_99] : memref<768x112x112xf32, #tpu.memory_space<hbm>> -> memref<1x112x112xf32, #tpu.memory_space<hbm>>
      %dma_start3A_101 = tpu.memref_squeeze %dma_start3A_100 : memref<1x112x112xf32, #tpu.memory_space<hbm>> -> memref<112x112xf32, #tpu.memory_space<hbm>>
      tpu.enqueue_dma source(%arg6 : memref<112x112xf32, #tpu.memory_space<vmem>>) target(%dma_start3A_101 : memref<112x112xf32, #tpu.memory_space<hbm>>) target_semaphore(%arg9 : memref<!tpu.dma_semaphore, #tpu.memory_space<semaphore_mem>>)
      %lt3A_102 = arith.constant 11 : i32
      %lt3A_103 = arith.cmpi slt, %scan3A_45, %lt3A_102 : i32
      %convert_element_type3A_104 = arith.extui %lt3A_103 : i1 to i32
      %cond3A_105 = arith.constant 0 : i32
      %cond3A_106 = arith.cmpi ne, %convert_element_type3A_104, %cond3A_105 : i32
      scf.if %cond3A_106 {
        %add3A_107 = arith.constant 2 : i32
        %add3A_108 = arith.addi %add3A_50, %add3A_107 : i32
        %dma_start3A_109 = arith.constant 0 : i32
        %dma_start3A_110 = arith.constant 0 : i32
        %dma_start3A_111 = tpu.memref_slice %arg2[%add3A_108, %dma_start3A_109, %dma_start3A_110] : memref<768x224x224xf32, #tpu.memory_space<hbm>> -> memref<1x224x224xf32, #tpu.memory_space<hbm>>
        %dma_start3A_112 = tpu.memref_squeeze %dma_start3A_111 : memref<1x224x224xf32, #tpu.memory_space<hbm>> -> memref<224x224xf32, #tpu.memory_space<hbm>>
        %dma_start3A_113 = arith.constant 0 : i32
        %dma_start3A_114 = arith.constant 0 : i32
        %dma_start3A_115 = tpu.memref_slice %arg2[%add3A_108, %dma_start3A_113, %dma_start3A_114] : memref<768x224x224xf32, #tpu.memory_space<hbm>> -> memref<1x224x224xf32, #tpu.memory_space<hbm>>
        %dma_start3A_116 = tpu.memref_squeeze %dma_start3A_115 : memref<1x224x224xf32, #tpu.memory_space<hbm>> -> memref<224x224xf32, #tpu.memory_space<hbm>>
        tpu.enqueue_dma source(%dma_start3A_116 : memref<224x224xf32, #tpu.memory_space<hbm>>) target(%arg5 : memref<224x224xf32, #tpu.memory_space<vmem>>) target_semaphore(%arg8 : memref<!tpu.dma_semaphore, #tpu.memory_space<semaphore_mem>>)
      } else {
      }
    }
    %scan3A_37 = arith.constant 12 : i32
    %dma_wait3A = arith.constant 0 : i32
    %dma_wait3A_38 = arith.constant 0 : i32
    %dma_wait3A_39 = tpu.memref_slice %arg3[%mul3A_2, %dma_wait3A, %dma_wait3A_38] : memref<768x112x112xf32, #tpu.memory_space<hbm>> -> memref<1x112x112xf32, #tpu.memory_space<hbm>>
    %dma_wait3A_40 = tpu.memref_squeeze %dma_wait3A_39 : memref<1x112x112xf32, #tpu.memory_space<hbm>> -> memref<112x112xf32, #tpu.memory_space<hbm>>
    %dma_wait3A_41 = arith.constant 0 : i32
    %dma_wait3A_42 = arith.constant 0 : i32
    %dma_wait3A_43 = tpu.memref_slice %arg3[%mul3A_2, %dma_wait3A_41, %dma_wait3A_42] : memref<768x112x112xf32, #tpu.memory_space<hbm>> -> memref<1x112x112xf32, #tpu.memory_space<hbm>>
    %dma_wait3A_44 = tpu.memref_squeeze %dma_wait3A_43 : memref<1x112x112xf32, #tpu.memory_space<hbm>> -> memref<112x112xf32, #tpu.memory_space<hbm>>
    tpu.wait_dma2 semaphore(%arg9 : memref<!tpu.dma_semaphore, #tpu.memory_space<semaphore_mem>>) src(%arg6 : memref<112x112xf32, #tpu.memory_space<vmem>>) dst(%dma_wait3A_44 : memref<112x112xf32, #tpu.memory_space<hbm>>)
    return
  }
}

</mosaic_0001>

<sc_bundles>
// kernel: kernel.3.cloned.1.call-start
scs
__scs_entry_jumppad:
0x0: {  	(pc) =	sbr.rel $0x88, $3  }
0x1: {  	(tag) =	ssettag $0x0;
	lr =	simm.s32 $0x1  }
0x2: {  	[smem:$0x3FA0] =	sst lr;
	_ =	strace $0xD0000000  }
0x3: {  	_ = 	snop  }
0x4: {  	_ = 	snop  }
0x5: {  	_ = 	snop  }
0x6: {  	_ = 	snop  }
0x7: {  	_ = 	snop  }
__scs_overlays_trampoline_lowered:
0x8: {  	[smem:$0x3FAF] =	sst s0  }
0x9: {  	[smem:$0x3FB0] =	sst s1  }
0xa: {  	[smem:$0x3FB1] =	sst s2  }
0xb: {  	[smem:$0x3FB2] =	sst s3  }
0xc: {  	[smem:$0x3FB3] =	sst s4  }
0xd: {  	[smem:$0x3FB4] =	sst s5  }
0xe: {  	[smem:$0x3FB5] =	sst s6  }
0xf: {  	[smem:$0x3FB6] =	sst s7  }
0x10: {  	[smem:$0x3FB7] =	sst s8  }
0x11: {  	[smem:$0x3FB8] =	sst s9;
	s0 =	simm.s32 @!p0 $0x0  }
0x12: {  	s1 =	sld [smem:$0x3F9E];
	s0 =	simm.s32 @p0 $0x1  }
0x13: {  	[smem:$0x3FB9] =	sst s0;
	s0 =	simm.s32 @!p1 $0x0  }
0x14: {  	s2 =	sld [smem:$0x3F9D];
	s0 =	simm.s32 @p1 $0x1  }
0x15: {  	[smem:$0x3FBA] =	sst s0;
	s0 =	simm.s32 @!p2 $0x0  }
0x16: {  	s3 =	sld [smem:$0x3FDB];
	s0 =	simm.s32 @p2 $0x1  }
0x17: {  	s4 =	simm.s32 $0x1BF5;
	[smem:$0x3FBC] =	sst s0  }
0x18: {  	s0 =	sld [smem:$0x3F9F];
	_ =	swait.ge [sflag:s4], $0x0  }
0x19: {  	s7 =	sld [smem:$0x3FA0]  }
0x1a: {  	s8 =	sadd.s32 $0xFFFFE003, lr  }
0x1b: {  	s9 =	sadd.s32 $0xFFFFFEF7, lr;
	s5 =	simm.s32 $0xFFFFFFFF;
	p2 =	slt.u32 s8, $0xFFFFF086  }
0x1c: {  	p1 =	slt.u32 s9, $0xF7A;
	s5 =	simm.s32 @!p2 $0x0  }
0x1d: {  	s5 =	simm.s32 @p1 $0x1;
	p0 =	seq.s32 s7, s2  }
0x1e: {  	s7 =	smul.u32 @!p0 $0xF7A, s2;
	p2 =	seq.s32 @!p0 s5, $0x0  }
0x1f: {  	s9 =	smul.u32 $0xF7A, s1;
	s8 =	simm.s32 @!p0 $0x1BF5;
	p2 =	por !p2, p0  }
0x20: {  	[sflag:s8] =	ssyncset.s32 @!p0 $0xFFFFF086;
	s6 =	sadd.s32 @!p0 s3, s7;
	s7 =	simm.s32 @!p0 $0x108  }
0x21: {  	s3 =	sadd.s32 s3, s9;
	s6 =	sadd.s32 @!p0 $0x88, s6;
	s7 =	simm.s32 @p2 $0x1082  }
0x22: {  	[simem:s7], [sflag:s8] =	dma.local @!p0 [hbm:s6], $0xF7A  }
0x23: {  	s9 =	sor.u32 $0xD0000000, s2;
	s6 =	simm.s32 $0x108;
	_ =	swait.ge @!p0 [sflag:s8], $0x0  }
0x24: {  	s3 =	sadd.s32 $0x88, s3;
	s6 =	simm.s32 @!p1 $0x1082;
	[sflag:s4] =	ssyncset.s32 $0xFFFFF086  }
0x25: {  	[simem:s6], [sflag:s4] =	dma.local [hbm:s3], $0xF7A  }
0x26: {  	[smem:$0x3FA0] =	sst s1;
	(tag) =	ssettag s2;
	_ =	strace s9  }
0x27: {  	s1 =	sld [smem:$0x3FB0]  }
0x28: {  	s2 =	sld [smem:$0x3FB1]  }
0x29: {  	s4 =	sld [smem:$0x3FB3]  }
0x2a: {  	p0 =	seq.s32 s5, $0x0;
	s5 =	sld [smem:$0x3FB4]  }
0x2b: {  	s6 =	sld [smem:$0x3FB5]  }
0x2c: {  	s7 =	sld [smem:$0x3FB6]  }
0x2d: {  	s3 =	simm.s32 $0x108;
	s8 =	sld [smem:$0x3FB7]  }
0x2e: {  	s3 =	simm.s32 @!p0 $0x1082;
	s9 =	sld [smem:$0x3FB8]  }
0x2f: {  	lr =	sadd.s32 s0, s3;
	s0 =	sld [smem:$0x3FAF]  }
0x30: {  	s3 =	sld [smem:$0x3FB2]  }
0x31: {  	[smem:$0x3FBB] =	sst s10  }
0x32: {  	s10 =	sld [smem:$0x3FB9];
	_ =	sdelay $0x3  }
0x33: {  	p0 =	seq.s32 s10, $0x1;
	s10 =	sld [smem:$0x3FBB];
	_ =	sdelay $0x3  }
0x34: {  	[smem:$0x3FBB] =	sst s10  }
0x35: {  	s10 =	sld [smem:$0x3FBA];
	_ =	sdelay $0x3  }
0x36: {  	p1 =	seq.s32 s10, $0x1;
	s10 =	sld [smem:$0x3FBB];
	_ =	sdelay $0x3  }
0x37: {  	[smem:$0x3FBB] =	sst s10  }
0x38: {  	s10 =	sld [smem:$0x3FBC]  }
0x39: {  	_ = 	snop;
	(pc) =	sbr.ind lr, $3  }
0x3a: {  	_ = 	snop  }
0x3b: {  	_ = 	snop  }
0x3c: {  	p2 =	seq.s32 s10, $0x1;
	s10 =	sld [smem:$0x3FBB]  }
0x3d: {  	_ =	shalt  }
0x3e: {  	_ =	shalt  }
0x3f: {  	_ =	shalt  }
0x40: {  	_ =	shalt  }
0x41: {  	_ =	shalt  }
0x42: {  	_ =	shalt  }
0x43: {  	_ =	shalt  }
0x44: {  	_ =	shalt  }
0x45: {  	_ =	shalt  }
0x46: {  	_ =	shalt  }
0x47: {  	_ =	shalt  }
0x48: {  	_ =	shalt  }
0x49: {  	_ =	shalt  }
0x4a: {  	_ =	shalt  }
0x4b: {  	_ =	shalt  }
0x4c: {  	_ =	shalt  }
0x4d: {  	_ =	shalt  }
0x4e: {  	_ =	shalt  }
0x4f: {  	_ =	shalt  }
0x50: {  	_ =	shalt  }
0x51: {  	_ =	shalt  }
0x52: {  	_ =	shalt  }
0x53: {  	_ =	shalt  }
0x54: {  	_ =	shalt  }
0x55: {  	_ =	shalt  }
0x56: {  	_ =	shalt  }
0x57: {  	_ =	shalt  }
0x58: {  	_ =	shalt  }
0x59: {  	_ =	shalt  }
0x5a: {  	_ =	shalt  }
0x5b: {  	_ =	shalt  }
0x5c: {  	_ =	shalt  }
0x5d: {  	_ =	shalt  }
0x5e: {  	_ =	shalt  }
0x5f: {  	_ =	shalt  }
0x60: {  	_ =	shalt  }
0x61: {  	_ =	shalt  }
0x62: {  	_ =	shalt  }
0x63: {  	_ =	shalt  }
0x64: {  	_ =	shalt  }
0x65: {  	_ =	shalt  }
0x66: {  	_ =	shalt  }
0x67: {  	_ =	shalt  }
0x68: {  	_ =	shalt  }
0x69: {  	_ =	shalt  }
0x6a: {  	_ =	shalt  }
0x6b: {  	_ =	shalt  }
0x6c: {  	_ =	shalt  }
0x6d: {  	_ =	shalt  }
0x6e: {  	_ =	shalt  }
0x6f: {  	_ =	shalt  }
0x70: {  	_ =	shalt  }
0x71: {  	_ =	shalt  }
0x72: {  	_ =	shalt  }
0x73: {  	_ =	shalt  }
0x74: {  	_ =	shalt  }
0x75: {  	_ =	shalt  }
0x76: {  	_ =	shalt  }
0x77: {  	_ =	shalt  }
0x78: {  	_ =	shalt  }
0x79: {  	_ =	shalt  }
0x7a: {  	_ =	shalt  }
0x7b: {  	_ =	shalt  }
0x7c: {  	_ =	shalt  }
0x7d: {  	_ =	shalt  }
0x7e: {  	_ =	shalt  }
0x7f: {  	_ =	shalt  }
0x80: {  	_ =	shalt  }
0x81: {  	_ =	shalt  }
0x82: {  	_ =	shalt  }
0x83: {  	_ =	shalt  }
0x84: {  	_ =	shalt  }
0x85: {  	_ =	shalt  }
0x86: {  	_ =	shalt  }
0x87: {  	_ =	shalt  }
.Lfunc_end0:
.L_simem_size_0:
called_computation_lowered:
.L_overlay_start_0:
0x88: {  	s2 =	sld [smem:$0x3FD9]  }
0x89: {  	s3 =	sld [smem:$0x3FFE];
	_ =	sdelay $0x1  }
0x8a: {  	s1 =	srdreg.scid  }
0x8b: {  	s0 =	sand.u32 $0x1, s1  }
0x8c: {  	s18 =	sshll.u32 s0, $0xA;
	s2 =	sadd.s32 s3, s2  }
0x8d: {  	s2 =	sadd.s32 s2, s18  }
0x8e: {  	[smem:$0x3FC7] =	sst s2  }
0x8f: {  	_ = 	snop  }
0x90: {  	s2 =	sld [smem:$0x3FC9]  }
0x91: {  	s19 =	sld [smem:$0x3FD0];
	(tm) =	ssettm $0x1  }
0x92: {  	s4 =	sld [smem:$0x3FFB];
	_ =	sdelay $0x3  }
0x93: {  	_ =	strace s4  }
0x94: {  	s4 =	sld [smem:$0x3FFC];
	_ =	sdelay $0x3  }
0x95: {  	_ =	strace s4  }
0x96: {  	s4 =	sld [smem:$0x3FFD];
	_ =	sdelay $0x3  }
0x97: {  	_ =	strace s4  }
0x98: {  	_ =	strace $0x8FFFFFFF  }
0x99: {  	s20 =	sld [smem:$0x3FDB];
	_ =	sdelay $0x1  }
0x9a: {  	s5 =	simm.s32 $_scs_section_size  }
0x9b: {  	s6 =	simm.s32 $_size__tile_overlayer_lowered;
	s7 =	simm.s32 $_tile_overlayer_lowered  }
0x9c: {  	s23 =	simm.s32 $0x1BFF;
	s22 =	sshll.u32 s7, $0x1;
	s4 =	sadd.s32 s5, s20  }
0x9d: {  	s8 =	simm.s32 $0x0;
	s21 =	sshll.u32 s6, $0x1;
	s6 =	sadd.s32 s22, s4  }
0x9e: {  	[timem:s8], [sflag:s23] =	dma.local [hbm:s6], s21  }
0x9f: {  	_ =	swait.ge [sflag:s23], s21  }
0xa0: {  	s5 =	ssub.s32 $0x0, s21;
	[sflag:s23] =	ssyncset.done $0x0  }
0xa1: {  	[sflag:s23] =	ssyncadd.s32 s5;
	_ =	sdelay $0x1  }
0xa2: {  	s24 =	simm.s32 $0x1B8B  }
0xa3: {  	_ =	swait.ge [sflag:s24], $0x1  }
0xa4: {  	[sflag:s24] =	ssyncset.done $0x0  }
0xa5: {  	s25 =	simm.s32 $0x1B8E;
	[sflag:s24] =	ssyncadd.s32 $0xFFFFFFFF  }
0xa6: {  	s26 =	simm.s32 $execute0_lowered;
	[smem:$0x3FD2] =	sst s25  }
0xa7: {  	s5 =	sshll.u32 s26, $0x1;
	_ =	strace $0x80000046;
	[dreg:$0x1] =	wrdreg $0xFFFFFFFF  }
0xa8: {  	s28 =	simm.s32 $_size_execute0_lowered;
	s4 =	sadd.s32 s4, s5;
	[dreg:$0x0] =	wrdreg $0x0  }
0xa9: {  	s5 =	sshll.u32 s28, $0x1;
	[dreg:$0x2] =	wrdreg s4  }
0xaa: {  	[dreg:$0x3] =	wrdreg s5  }
0xab: {  	[dreg:$0x4] =	wrdreg $0xC0  }
0xac: {  	_ =	task [dreg:s8], $0x5FFFF  }
0xad: {  	[dreg:$0x1] =	wrdreg $0xFFFFFFFF  }
0xae: {  	[dreg:$0x0] =	wrdreg $0x60  }
0xaf: {  	[dreg:$0x2] =	wrdreg s2  }
0xb0: {  	[dreg:$0x3] =	wrdreg s19  }
0xb1: {  	[dreg:$0x4] =	wrdreg $0x9  }
0xb2: {  	_ =	task.clear_ibuf [dreg:s8], $0x5FFFF;
	_ =	strace $0x90000046  }
0xb3: {  	s29 =	simm.s32 $0x9;
	_ =	strace $0x80000048  }
0xb4: {  	_ =	swait.ge [sflag:s29], $0x1  }
0xb5: {  	[sflag:s29] =	ssyncadd.s32 $0xFFFFFFFF  }
0xb6: {  	_ =	strace $0x90000048  }
0xb7: {  	_ =	sfence  }
0xb8: {  	s30 =	sld [smem:$0x0];
	_ =	sdelay $0x2  }
0xb9: {  	s31 =	sshll.u32 s1, $0xD;
	s1 =	sshrl.u32 s1, $0x2  }
0xba: {  	s3 =	sand.u32 $0x4000, s31;
	s1 =	sadd.s32 s1, s30  }
0xbb: {  	s0 =	sor.u32 s3, s0;
	s1 =	sshll.u32 s1, $0x11  }
0xbc: {  	s0 =	sor.u32 s1, s0  }
0xbd: {  	s0 =	sadd.s32 $0x8F2B, s0  }
0xbe: {  	[sflag:s0] =	ssyncadd.remote.s32 $0x1  }
0xbf: {  	_ =	sfence.sel $0xFFFF  }
0xc0: {  	[dreg:$0x0] =	wrdreg $0xFFFFFFFF;
	(pc) =	sbr.abs _section_cstart, $3  }
0xc1: {  	[dreg:$0x1] =	wrdreg $0xFFFFFFFF  }
0xc2: {  	_ =	task.clear_ibuf [dreg:s8], $0x2FFFF;
	_ =	strace $0x9FFFFFFF  }
0xc3: {  	(tm) =	ssettm $0x7FFFFFFF  }
tec
execute0_lowered:
.L_overlay_start_1:
0x0: {  	(tag) =	ssettag $0x1  }
0x1: {  	v0 =	vimm.s32 $0xEFCDAB89;
	s0 =	srdreg.scid;
	s1 =	stileid.u32;
	v1 =	vimm.s32 $0x67452301  }
0x2: {  	vm0 =	vcmask $0xB08;
	vm1 =	vcmask $0x300;
	v0 =	vunpack.c.l.s4.s8 v0;
	s0 =	sand.u32 $0x1, s0;
	s1 =	sshll.u32 s1, $0x1  }
0x3: {  	v1 =	vunpack.c.l.s4.s8 v1;
	vm0 =	vmor vm1, vm0;
	vm1 =	vcmask $0x1310;
	s1 =	sor.u32 s0, s1  }
0x4: {  	s4 =	rddreg [dreg:$0x0];
	s5 =	simm.s32 $0x0;
	vm0 =	vmor vm0, vm1;
	s2 =	smul.u32 $0x2A000, s1  }
0x5: {  	[smem:$0x7FF] =	sst s5;
	s0 =	ssub.s32 $0x2, s0;
	vm1 =	vcmask $0x1B18;
	v0 =	vunpack.c.0.s8.s32 v0;
	v1 =	vunpack.c.0.s8.s32 v1;
	s1 =	smul.u32 $0x18, s1  }
.Ltmp0:
0x6: {  	_ =	strace $0x80000047;
	s3 =	sshrl.u32 s0, $0x1;
	vm0 =	vmor vm0, vm1;
	vm1 =	vcmask $0x2320;
	(pc) =	sbr.rel .LBB2_1-.Ltmp0, $4  }
0x7: {  	s0 =	ssub.s32 s0, s3;
	vm0 =	vmor vm0, vm1;
	vm1 =	vcmask $0x2B28;
	s2 =	sadd.s32 s4, s2;
	v0 =	vcombine.low v1, v0;
	[smem:$0x7FA] =	sst s1  }
0x8: {  	s0 =	smax.u32 s0, $0x1;
	vm0 =	vmor vm0, vm1;
	vm1 =	vcmask $0x3330;
	v1 =	vlaneseq.u32;
	[smem:$0x7FB] =	sst s2  }
0x9: {  	s31 =	sadd.s32 $0x1C00, s2;
	[smem:$0x7FD] =	sst s0;
	vm0 =	vmor vm0, vm1;
	vm1 =	vcmask $0x3B38;
	v1 =	vshrl.u32 v1, $0x1  }
0xa: {  	s12 =	simm.s32 $0x1C000;
	s2 =	simm.s32 $0x0;
	[smem:$0x7FC] =	sst s31;
	vm0 =	vmor vm0, vm1;
	v0 =	vand.u32 $0xF, v0;
	v1 =	vor.u32 $0x68, v1  }
.LBB2_8:
0xb: {  	s1 =	simm.s32 $0x3  }
0xc: {  	_ =	swait.ge [sflag:s1], $0x3800  }
0xd: {  	s2 =	sld [smem:$0x7F9]  }
0xe: {  	s0 =	sld [smem:$0x7FD];
	_ =	sdelay $0x1  }
0xf: {  	s2 =	sadd.s32 $0x1, s2  }
0x10: {  	p0 =	sne.s32 s2, s0  }
.Ltmp1:
0x11: {  	_ = 	snop;
	(pc) =	sbr.rel @!p0 .LBB2_9-.Ltmp1, $3  }
0x12: {  	_ =	sdelay $0x1  }
0x13: {  	[sflag:s1] =	ssyncset.done $0x0  }
0x14: {  	[sflag:s1] =	ssyncadd.s32 $0xFFFFC800  }
.LBB2_1:
0x15: {  	s0 =	sld [smem:$0x7FB];
	_ =	sdelay $0x1  }
0x16: {  	s31 =	sld [smem:$0x7FC]  }
0x17: {  	[tilespmem:s5], [sflag:$0x1] =	stream.linear.gather [hbm4b:s0+s5], $0xE000, $0x38;
	[tilespmem:$0x1F800] =	vst v63  }
0x18: {  	[smem:$0x7F9] =	sst s2;
	s1 =	simm.s32 $0xE000;
	s10 =	simm.s32 $0x0  }
0x19: {  	[tilespmem:s1], [sflag:$0x2] =	stream.linear.gather [hbm4b:s31+s5], $0xE000, $0x38;
	[tilespmem:$0x1F800] =	vst v63  }
.LBB2_2:
0x1a: {  	s0 =	simm.s32 $0x1  }
0x1b: {  	_ =	swait.ge [sflag:s0], $0xE000  }
0x1c: {  	p0 =	seq.s32 s10, $0x0;
	[sflag:s0] =	ssyncset.done $0x0  }
0x1d: {  	[sflag:s0] =	ssyncadd.s32 $0xFFFF2000;
	s0 =	simm.s32 @!p0 $0x3  }
0x1e: {  	s1 =	simm.s32 $0x0;
	s2 =	simm.s32 $0x0;
	_ =	swait.ge @!p0 [sflag:s0], $0x3800  }
0x1f: {  	s3 =	sand.u32 $0xF800, s1;
	s2 =	sand.u32 $0x200, s2;
	[sflag:s0] =	ssyncset.done @!p0 $0x0  }
0x20: {  	s5 =	sor.u32 s2, s3;
	[sflag:s0] =	ssyncadd.s32 @!p0 $0xFFFFC800  }
0x21: {  	v2 =	vld [tilespmem:s5+$0x0]  }
0x22: {  	v3 =	vld [tilespmem:s5+$0x80]  }
0x23: {  	s21 =	simm.s32 $0x100  }
0x24: {  	s0 =	sand.u32 $0x300, s21  }
0x25: {  	s3 =	sor.u32 s0, s3  }
0x26: {  	v4 =	vld [tilespmem:s3+$0x0]  }
0x27: {  	v2 =	vmax.f32 v2, v3;
	v3 =	vld [tilespmem:s3+$0x80]  }
0x28: {  	v5 =	vperm.xlane v2, v0;
	_ =	sdelay $0x1  }
0x29: {  	s0 =	simm.s32 $0x0;
	v2 =	vmax.f32 v2, v5  }
0x2a: {  	[tilespmem:s0+$0x1C000] =	vst.msk vm0, v2  }
0x2b: {  	v2 =	vld [tilespmem:s5+$0x10];
	v3 =	vmax.f32 v4, v3  }
0x2c: {  	v4 =	vld [tilespmem:s5+$0x90];
	v5 =	vperm.xlane v3, v0;
	_ =	sdelay $0x1  }
0x2d: {  	v3 =	vmax.f32 v3, v5  }
0x2e: {  	[tilespmem:s0+$0x1C080] =	vst.msk vm0, v3  }
0x2f: {  	v3 =	vld [tilespmem:s3+$0x10]  }
0x30: {  	v2 =	vmax.f32 v2, v4;
	v4 =	vld [tilespmem:s3+$0x90]  }
0x31: {  	v5 =	vperm.xlane v2, v0;
	_ =	sdelay $0x1  }
0x32: {  	v2 =	vmax.f32 v2, v5  }
0x33: {  	[tilespmem:s0+$0x1C008] =	vst.msk vm0, v2  }
0x34: {  	v2 =	vld [tilespmem:s5+$0x20];
	v3 =	vmax.f32 v3, v4  }
0x35: {  	v4 =	vld [tilespmem:s5+$0xA0];
	v5 =	vperm.xlane v3, v0;
	_ =	sdelay $0x1  }
0x36: {  	v3 =	vmax.f32 v3, v5  }
0x37: {  	[tilespmem:s0+$0x1C088] =	vst.msk vm0, v3  }
0x38: {  	v3 =	vld [tilespmem:s3+$0x20]  }
0x39: {  	v2 =	vmax.f32 v2, v4;
	v4 =	vld [tilespmem:s3+$0xA0]  }
0x3a: {  	v5 =	vperm.xlane v2, v0;
	_ =	sdelay $0x1  }
0x3b: {  	v2 =	vmax.f32 v2, v5  }
0x3c: {  	[tilespmem:s0+$0x1C010] =	vst.msk vm0, v2  }
0x3d: {  	v2 =	vld [tilespmem:s5+$0x30];
	v3 =	vmax.f32 v3, v4  }
0x3e: {  	v4 =	vld [tilespmem:s5+$0xB0];
	v5 =	vperm.xlane v3, v0;
	_ =	sdelay $0x1  }
0x3f: {  	v3 =	vmax.f32 v3, v5  }
0x40: {  	[tilespmem:s0+$0x1C090] =	vst.msk vm0, v3  }
0x41: {  	v3 =	vld [tilespmem:s3+$0x30]  }
0x42: {  	v5 =	vld [tilespmem:s3+$0xB0];
	v2 =	vmax.f32 v2, v4  }
0x43: {  	v4 =	vperm.xlane v2, v0;
	_ =	sdelay $0x1  }
0x44: {  	v2 =	vmax.f32 v2, v4  }
0x45: {  	[tilespmem:s0+$0x1C018] =	vst.msk vm0, v2  }
0x46: {  	v2 =	vmax.f32 v3, v5;
	v3 =	vld [tilespmem:s5+$0x40]  }
0x47: {  	v5 =	vld [tilespmem:s5+$0xC0];
	v4 =	vperm.xlane v2, v0;
	_ =	sdelay $0x1  }
0x48: {  	v2 =	vmax.f32 v2, v4  }
0x49: {  	[tilespmem:s0+$0x1C098] =	vst.msk vm0, v2  }
0x4a: {  	v2 =	vld [tilespmem:s3+$0x40]  }
0x4b: {  	s22 =	simm.s32 $0x200;
	s4 =	simm.s32 $0x400;
	v4 =	vld [tilespmem:s3+$0xC0];
	v3 =	vmax.f32 v3, v5  }
0x4c: {  	s6 =	sand.u32 $0xF800, s4;
	s2 =	sand.u32 $0x200, s22;
	v5 =	vperm.xlane v3, v0  }
0x4d: {  	s4 =	sor.u32 s2, s6  }
0x4e: {  	v6 =	vld [tilespmem:s4+$0x0];
	v3 =	vmax.f32 v3, v5  }
0x4f: {  	v5 =	vld [tilespmem:s4+$0x80];
	[tilespmem:s0+$0x1C020] =	vst.msk vm0, v3  }
0x50: {  	s23 =	simm.s32 $0x300;
	v2 =	vmax.f32 v2, v4;
	v3 =	vld [tilespmem:s5+$0x50]  }
0x51: {  	s2 =	sand.u32 $0x300, s23;
	v7 =	vld [tilespmem:s5+$0xD0];
	v4 =	vperm.xlane v2, v0  }
0x52: {  	s2 =	sor.u32 s2, s6  }
0x53: {  	v2 =	vmax.f32 v2, v4;
	v4 =	vld [tilespmem:s2+$0x0]  }
0x54: {  	[tilespmem:s0+$0x1C0A0] =	vst.msk vm0, v2;
	v2 =	vmax.f32 v6, v5;
	v5 =	vld [tilespmem:s2+$0x80]  }
0x55: {  	v6 =	vperm.xlane v2, v0;
	v8 =	vld [tilespmem:s3+$0x50]  }
0x56: {  	v3 =	vmax.f32 v3, v7;
	v7 =	vld [tilespmem:s3+$0xD0]  }
0x57: {  	s17 =	simm.s32 $0x100;
	v2 =	vmax.f32 v2, v6;
	v6 =	vperm.xlane v3, v0  }
0x58: {  	[tilespmem:s17+$0x1C000] =	vst.msk vm0, v2  }
0x59: {  	v2 =	vld [tilespmem:s4+$0x10];
	v3 =	vmax.f32 v3, v6;
	v4 =	vmax.f32 v4, v5  }
0x5a: {  	v5 =	vld [tilespmem:s4+$0x90];
	[tilespmem:s0+$0x1C028] =	vst.msk vm0, v3;
	v3 =	vperm.xlane v4, v0  }
0x5b: {  	v7 =	vmax.f32 v8, v7;
	v6 =	vld [tilespmem:s5+$0x60]  }
0x5c: {  	v8 =	vld [tilespmem:s5+$0xE0];
	v3 =	vmax.f32 v4, v3;
	v4 =	vperm.xlane v7, v0  }
0x5d: {  	[tilespmem:s17+$0x1C080] =	vst.msk vm0, v3  }
0x5e: {  	v3 =	vld [tilespmem:s2+$0x10];
	v4 =	vmax.f32 v7, v4  }
0x5f: {  	v2 =	vmax.f32 v2, v5;
	v5 =	vld [tilespmem:s2+$0x90];
	[tilespmem:s0+$0x1C0A8] =	vst.msk vm0, v4  }
0x60: {  	v4 =	vperm.xlane v2, v0;
	v7 =	vld [tilespmem:s3+$0x60]  }
0x61: {  	v6 =	vmax.f32 v6, v8;
	v8 =	vld [tilespmem:s3+$0xE0]  }
0x62: {  	v2 =	vmax.f32 v2, v4;
	v4 =	vperm.xlane v6, v0  }
0x63: {  	[tilespmem:s17+$0x1C008] =	vst.msk vm0, v2  }
0x64: {  	v2 =	vld [tilespmem:s4+$0x20];
	v4 =	vmax.f32 v6, v4;
	v3 =	vmax.f32 v3, v5  }
0x65: {  	v5 =	vld [tilespmem:s4+$0xA0];
	[tilespmem:s0+$0x1C030] =	vst.msk vm0, v4;
	v4 =	vperm.xlane v3, v0  }
0x66: {  	v6 =	vld [tilespmem:s5+$0x70];
	v7 =	vmax.f32 v7, v8  }
0x67: {  	v8 =	vld [tilespmem:s5+$0xF0];
	v3 =	vmax.f32 v3, v4;
	v4 =	vperm.xlane v7, v0  }
0x68: {  	[tilespmem:s17+$0x1C088] =	vst.msk vm0, v3  }
0x69: {  	v3 =	vld [tilespmem:s2+$0x20];
	v4 =	vmax.f32 v7, v4  }
0x6a: {  	v2 =	vmax.f32 v2, v5;
	v5 =	vld [tilespmem:s2+$0xA0];
	[tilespmem:s0+$0x1C0B0] =	vst.msk vm0, v4  }
0x6b: {  	v4 =	vperm.xlane v2, v0;
	v7 =	vld [tilespmem:s3+$0x70]  }
0x6c: {  	p0 =	por $0x0, $0x0;
	v6 =	vmax.f32 v6, v8;
	v8 =	vld [tilespmem:s3+$0xF0];
	s3 =	simm.s32 $0x1  }
0x6d: {  	v2 =	vmax.f32 v2, v4;
	s3 =	simm.s32 @!p0 $0x0;
	v4 =	vperm.xlane v6, v0  }
0x6e: {  	[tilespmem:s17+$0x1C010] =	vst.msk vm0, v2;
	s3 =	sshll.u32 s3, $0x9  }
0x6f: {  	v2 =	vld [tilespmem:s4+$0x30];
	v3 =	vmax.f32 v3, v5;
	s6 =	sadd.s32 $0x0, s3;
	v4 =	vmax.f32 v6, v4  }
0x70: {  	v5 =	vld [tilespmem:s4+$0xB0];
	v6 =	vperm.xlane v3, v0;
	[tilespmem:s0+$0x1C038] =	vst.msk vm0, v4;
	s3 =	sor.u32 $0x400, s6;
	s5 =	sadd.s32 $0x80, s6  }
0x71: {  	s1 =	sand.u32 $0x3, s1;
	v4 =	vld [tilespmem:s3+$0x0];
	v7 =	vmax.f32 v7, v8;
	s24 =	sor.u32 $0x400, s5  }
0x72: {  	s1 =	sshll.u32 s1, $0x8;
	v3 =	vmax.f32 v3, v6;
	v6 =	vperm.xlane v7, v0;
	v8 =	vld [tilespmem:s24+$0x0]  }
0x73: {  	s1 =	sadd.s32 $0x0, s1;
	[tilespmem:s17+$0x1C090] =	vst.msk vm0, v3  }
0x74: {  	s3 =	sadd.s32 $0x100, s1;
	v3 =	vmax.f32 v7, v6;
	v6 =	vld [tilespmem:s2+$0x30]  }
0x75: {  	s1 =	sadd.s32 $0x180, s1;
	s7 =	sor.u32 $0x400, s3;
	v2 =	vmax.f32 v2, v5;
	[tilespmem:s0+$0x1C0B8] =	vst.msk vm0, v3;
	v3 =	vld [tilespmem:s2+$0xB0]  }
0x76: {  	s8 =	sor.u32 $0x400, s1;
	v7 =	vperm.xlane v2, v0;
	v5 =	vld [tilespmem:s7+$0x0]  }
0x77: {  	v9 =	vld [tilespmem:s8+$0x0];
	v4 =	vmax.f32 v4, v8  }
0x78: {  	v2 =	vmax.f32 v2, v7;
	v7 =	vperm.xlane v4, v0  }
0x79: {  	[tilespmem:s17+$0x1C018] =	vst.msk vm0, v2  }
0x7a: {  	v2 =	vmax.f32 v6, v3;
	v3 =	vld [tilespmem:s4+$0x40];
	v4 =	vmax.f32 v4, v7  }
0x7b: {  	s25 =	sor.u32 $0x410, s6;
	v7 =	vld [tilespmem:s4+$0xC0];
	v6 =	vperm.xlane v2, v0;
	[tilespmem:s0+$0x1C040] =	vst.msk vm0, v4  }
0x7c: {  	s26 =	sor.u32 $0x410, s5;
	v4 =	vmax.f32 v5, v9;
	v5 =	vld [tilespmem:s25+$0x0]  }
0x7d: {  	v8 =	vld [tilespmem:s26+$0x0];
	v2 =	vmax.f32 v2, v6;
	v6 =	vperm.xlane v4, v0  }
0x7e: {  	[tilespmem:s17+$0x1C098] =	vst.msk vm0, v2  }
0x7f: {  	v2 =	vld [tilespmem:s2+$0x40];
	v4 =	vmax.f32 v4, v6  }
0x80: {  	s11 =	simm.s32 $0x400;
	s15 =	simm.s32 $0x800;
	s8 =	sor.u32 $0x410, s3;
	v6 =	vld [tilespmem:s2+$0xC0];
	v3 =	vmax.f32 v3, v7;
	[tilespmem:s0+$0x1C0C0] =	vst.msk vm0, v4  }
0x81: {  	s13 =	sand.u32 $0xF800, s15;
	s9 =	sor.u32 $0x410, s1;
	v7 =	vperm.xlane v3, v0;
	v4 =	vld [tilespmem:s8+$0x0];
	s8 =	sand.u32 $0x200, s11  }
0x82: {  	v9 =	vld [tilespmem:s9+$0x0];
	v5 =	vmax.f32 v5, v8;
	s26 =	sor.u32 s8, s13  }
0x83: {  	v3 =	vmax.f32 v3, v7;
	v7 =	vperm.xlane v5, v0;
	v8 =	vld [tilespmem:s26+$0x0]  }
0x84: {  	v10 =	vld [tilespmem:s26+$0x80];
	[tilespmem:s17+$0x1C020] =	vst.msk vm0, v3  }
0x85: {  	v3 =	vld [tilespmem:s4+$0x50];
	v5 =	vmax.f32 v5, v7  }
0x86: {  	s14 =	simm.s32 $0x500;
	s16 =	sor.u32 $0x420, s6;
	v2 =	vmax.f32 v2, v6;
	v6 =	vld [tilespmem:s4+$0xD0];
	[tilespmem:s0+$0x1C048] =	vst.msk vm0, v5  }
0x87: {  	s18 =	sor.u32 $0x420, s5;
	s8 =	sand.u32 $0x300, s14;
	v5 =	vperm.xlane v2, v0;
	v7 =	vld [tilespmem:s16+$0x0]  }
0x88: {  	s29 =	sor.u32 s8, s13;
	v4 =	vmax.f32 v4, v9;
	v9 =	vld [tilespmem:s18+$0x0]  }
0x89: {  	v11 =	vld [tilespmem:s29+$0x80];
	v2 =	vmax.f32 v2, v5;
	v5 =	vperm.xlane v4, v0;
	v8 =	vmax.f32 v8, v10  }
0x8a: {  	v10 =	vld [tilespmem:s29+$0x0];
	[tilespmem:s17+$0x1C0A0] =	vst.msk vm0, v2;
	v2 =	vperm.xlane v8, v0  }
0x8b: {  	v4 =	vmax.f32 v4, v5;
	v3 =	vmax.f32 v3, v6;
	v5 =	vld [tilespmem:s2+$0x50]  }
0x8c: {  	s19 =	sor.u32 $0x420, s3;
	s18 =	simm.s32 $0x200;
	v6 =	vld [tilespmem:s2+$0xD0];
	[tilespmem:s0+$0x1C0C8] =	vst.msk vm0, v4;
	v4 =	vperm.xlane v3, v0;
	v2 =	vmax.f32 v8, v2  }
0x8d: {  	[tilespmem:s18+$0x1C000] =	vst.msk vm0, v2;
	v2 =	vmax.f32 v7, v9;
	v7 =	vld [tilespmem:s19+$0x0]  }
0x8e: {  	v3 =	vmax.f32 v3, v4;
	v8 =	vld [tilespmem:s26+$0x10];
	v4 =	vperm.xlane v2, v0  }
0x8f: {  	v9 =	vld [tilespmem:s26+$0x90];
	v10 =	vmax.f32 v10, v11;
	[tilespmem:s17+$0x1C028] =	vst.msk vm0, v3  }
0x90: {  	v3 =	vperm.xlane v10, v0;
	v11 =	vld [tilespmem:s4+$0x60];
	v2 =	vmax.f32 v2, v4  }
0x91: {  	s20 =	sor.u32 $0x430, s6;
	v5 =	vmax.f32 v5, v6;
	v4 =	vld [tilespmem:s4+$0xE0];
	[tilespmem:s0+$0x1C050] =	vst.msk vm0, v2  }
0x92: {  	s21 =	sor.u32 $0x430, s5;
	v2 =	vmax.f32 v10, v3;
	v3 =	vperm.xlane v5, v0;
	v6 =	vld [tilespmem:s20+$0x0]  }
0x93: {  	[tilespmem:s18+$0x1C080] =	vst.msk vm0, v2;
	v2 =	vld [tilespmem:s21+$0x0]  }
0x94: {  	v8 =	vmax.f32 v8, v9;
	v9 =	vld [tilespmem:s29+$0x10];
	v3 =	vmax.f32 v5, v3  }
0x95: {  	v10 =	vld [tilespmem:s29+$0x90];
	v5 =	vperm.xlane v8, v0;
	[tilespmem:s17+$0x1C0A8] =	vst.msk vm0, v3  }
0x96: {  	v3 =	vmax.f32 v11, v4;
	v4 =	vld [tilespmem:s2+$0x60]  }
0x97: {  	s22 =	sor.u32 $0x420, s1;
	v11 =	vld [tilespmem:s2+$0xE0];
	v5 =	vmax.f32 v8, v5;
	v8 =	vperm.xlane v3, v0  }
0x98: {  	[tilespmem:s18+$0x1C008] =	vst.msk vm0, v5;
	v2 =	vmax.f32 v6, v2;
	v5 =	vld [tilespmem:s22+$0x0]  }
0x99: {  	v6 =	vld [tilespmem:s26+$0x20];
	v3 =	vmax.f32 v3, v8;
	v8 =	vperm.xlane v2, v0  }
0x9a: {  	v12 =	vld [tilespmem:s26+$0xA0];
	v9 =	vmax.f32 v9, v10;
	[tilespmem:s17+$0x1C030] =	vst.msk vm0, v3  }
0x9b: {  	v3 =	vperm.xlane v9, v0;
	v10 =	vld [tilespmem:s4+$0x70];
	v2 =	vmax.f32 v2, v8  }
0x9c: {  	s23 =	sor.u32 $0x440, s6;
	v8 =	vld [tilespmem:s4+$0xF0];
	v4 =	vmax.f32 v4, v11;
	[tilespmem:s0+$0x1C058] =	vst.msk vm0, v2  }
0x9d: {  	s24 =	sor.u32 $0x440, s5;
	v2 =	vmax.f32 v9, v3;
	v3 =	vperm.xlane v4, v0;
	v9 =	vld [tilespmem:s23+$0x0]  }
0x9e: {  	v5 =	vmax.f32 v7, v5;
	[tilespmem:s18+$0x1C088] =	vst.msk vm0, v2;
	v2 =	vld [tilespmem:s24+$0x0]  }
0x9f: {  	v7 =	vperm.xlane v5, v0;
	v11 =	vld [tilespmem:s29+$0x20];
	v3 =	vmax.f32 v4, v3  }
0xa0: {  	v4 =	vmax.f32 v6, v12;
	v6 =	vld [tilespmem:s29+$0xA0];
	[tilespmem:s17+$0x1C0B0] =	vst.msk vm0, v3  }
0xa1: {  	v3 =	vmax.f32 v5, v7;
	v7 =	vld [tilespmem:s2+$0x70]  }
0xa2: {  	p0 =	por !p0, !p0;
	s4 =	simm.s32 $0x1;
	v5 =	vperm.xlane v4, v0;
	v8 =	vmax.f32 v10, v8;
	[tilespmem:s0+$0x1C0D0] =	vst.msk vm0, v3;
	v3 =	vld [tilespmem:s2+$0xF0]  }
0xa3: {  	s25 =	sor.u32 $0x430, s3;
	s4 =	simm.s32 @!p0 $0x0;
	v10 =	vperm.xlane v8, v0  }
0xa4: {  	s8 =	sor.u32 $0x430, s1;
	s4 =	sshll.u32 s4, $0x9;
	v4 =	vmax.f32 v4, v5;
	v5 =	vld [tilespmem:s25+$0x0];
	v2 =	vmax.f32 v9, v2  }
0xa5: {  	s21 =	sadd.s32 $0x400, s4;
	[tilespmem:s18+$0x1C010] =	vst.msk vm0, v4;
	v4 =	vld [tilespmem:s8+$0x0];
	v8 =	vmax.f32 v8, v10;
	v9 =	vperm.xlane v2, v0;
	v6 =	vmax.f32 v11, v6  }
0xa6: {  	s9 =	sor.u32 $0x400, s21;
	s20 =	sadd.s32 $0x80, s21;
	v10 =	vld [tilespmem:s26+$0x30];
	[tilespmem:s17+$0x1C038] =	vst.msk vm0, v8;
	v8 =	vperm.xlane v6, v0  }
0xa7: {  	s13 =	sor.u32 $0x400, s20;
	v11 =	vld [tilespmem:s9+$0x0];
	v2 =	vmax.f32 v2, v9;
	v7 =	vmax.f32 v7, v3  }
0xa8: {  	v9 =	vld [tilespmem:s13+$0x0];
	[tilespmem:s0+$0x1C060] =	vst.msk vm0, v2;
	v2 =	vmax.f32 v6, v8;
	v6 =	vperm.xlane v7, v0  }
0xa9: {  	v56 =	vld [tilespmem:s26+$0xB0];
	[tilespmem:s18+$0x1C090] =	vst.msk vm0, v2  }
0xaa: {  	s11 =	simm.s32 $0x2;
	v2 =	vmax.f32 v5, v4;
	v4 =	vmax.f32 v7, v6;
	v6 =	vld [tilespmem:s29+$0x30]  }
0xab: {  	s14 =	sand.u32 $0x3, s11;
	[tilespmem:s17+$0x1C0B8] =	vst.msk vm0, v4;
	v4 =	vld [tilespmem:s29+$0xB0]  }
0xac: {  	s16 =	sshll.u32 s14, $0x8  }
0xad: {  	s2 =	sadd.s32 $0x400, s16;
	v5 =	vperm.xlane v2, v0;
	v7 =	vmax.f32 v11, v9  }
0xae: {  	s19 =	sor.u32 $0x450, s6;
	s4 =	sadd.s32 $0x100, s2;
	v8 =	vperm.xlane v7, v0  }
0xaf: {  	s2 =	sadd.s32 $0x180, s2;
	s22 =	sor.u32 $0x400, s4;
	v3 =	vld [tilespmem:s19+$0x0];
	v9 =	vmax.f32 v10, v56;
	v2 =	vmax.f32 v2, v5  }
0xb0: {  	s23 =	sor.u32 $0x400, s2;
	v5 =	vld [tilespmem:s22+$0x0];
	v11 =	vperm.xlane v9, v0;
	[tilespmem:s0+$0x1C0D8] =	vst.msk vm0, v2;
	v7 =	vmax.f32 v7, v8;
	v4 =	vmax.f32 v6, v4  }
0xb1: {  	s24 =	sor.u32 $0x440, s3;
	v2 =	vld [tilespmem:s23+$0x0];
	[tilespmem:s17+$0x1C040] =	vst.msk vm0, v7;
	v7 =	vperm.xlane v4, v0  }
0xb2: {  	s25 =	sor.u32 $0x440, s1;
	v10 =	vld [tilespmem:s24+$0x0];
	v6 =	vmax.f32 v9, v11  }
0xb3: {  	s5 =	sor.u32 $0x450, s5;
	v57 =	vld [tilespmem:s25+$0x0];
	[tilespmem:s18+$0x1C018] =	vst.msk vm0, v6;
	v4 =	vmax.f32 v4, v7  }
0xb4: {  	s6 =	sor.u32 $0x410, s21;
	v8 =	vld [tilespmem:s5+$0x0];
	[tilespmem:s18+$0x1C098] =	vst.msk vm0, v4  }
0xb5: {  	s7 =	sor.u32 $0x410, s20;
	v9 =	vld [tilespmem:s6+$0x0];
	s9 =	sld [smem:$0x7FA]  }
0xb6: {  	v2 =	vmax.f32 v5, v2;
	v5 =	vld [tilespmem:s7+$0x0]  }
0xb7: {  	s8 =	sshll.u32 s10, $0x1;
	v6 =	vld [tilespmem:s26+$0x40];
	v7 =	vperm.xlane v2, v0  }
0xb8: {  	s3 =	sor.u32 $0x450, s3;
	v11 =	vld [tilespmem:s26+$0xC0];
	v4 =	vmax.f32 v10, v57;
	[smem:$0x7F2] =	sst s10;
	s5 =	sadd.s32 s9, s8  }
0xb9: {  	s16 =	simm.s32 $0x600;
	s1 =	sor.u32 $0x450, s1;
	v2 =	vmax.f32 v2, v7;
	v7 =	vperm.xlane v4, v0;
	v10 =	vld [tilespmem:s29+$0x40];
	[smem:$0x7F3] =	sst s5  }
0xba: {  	s14 =	sor.u32 $0x410, s2;
	s13 =	simm.s32 $0xC00;
	s10 =	sor.u32 $0x410, s4;
	v58 =	vld [tilespmem:s29+$0xC0];
	[tilespmem:s17+$0x1C0C0] =	vst.msk vm0, v2  }
0xbb: {  	s19 =	sand.u32 $0x200, s16;
	s16 =	sor.u32 $0x430, s2;
	v2 =	vmax.f32 v4, v7;
	v4 =	vmax.f32 v9, v5;
	v13 =	vld [tilespmem:s10+$0x0];
	[dreg:$0x5] =	wrdreg s1  }
0xbc: {  	s22 =	sor.u32 $0x440, s4;
	s23 =	sor.u32 $0x420, s2;
	s5 =	sand.u32 $0xF800, s13;
	v7 =	vperm.xlane v4, v0;
	v5 =	vld [tilespmem:s14+$0x0];
	[tilespmem:s0+$0x1C0E0] =	vst.msk vm0, v2  }
0xbd: {  	s24 =	sor.u32 $0x440, s2;
	s1 =	sor.u32 s19, s5;
	v2 =	vld [tilespmem:s3+$0x0];
	[dreg:$0xd] =	wrdreg s22  }
0xbe: {  	s25 =	sor.u32 $0x420, s21;
	v6 =	vmax.f32 v6, v11;
	s19 =	sor.u32 $0x430, s4;
	v4 =	vmax.f32 v4, v7;
	v11 =	vld [tilespmem:s1+$0x0];
	[dreg:$0xf] =	wrdreg s24  }
0xbf: {  	v9 =	vperm.xlane v6, v0;
	s10 =	simm.s32 $0x4;
	s0 =	sor.u32 $0x420, s4;
	s4 =	sor.u32 $0x450, s4;
	[tilespmem:s17+$0x1C048] =	vst.msk vm0, v4  }
0xc0: {  	s2 =	sor.u32 $0x450, s2;
	s6 =	sand.u32 $0x3, s10;
	v7 =	vld [tilespmem:s1+$0x80];
	[dreg:$0x12] =	wrdreg s4  }
0xc1: {  	s7 =	sor.u32 $0x420, s20;
	s9 =	sshll.u32 s6, $0x8;
	v4 =	vmax.f32 v6, v9;
	v6 =	vld [tilespmem:s25+$0x0];
	[dreg:$0x7] =	wrdreg s2  }
0xc2: {  	s8 =	simm.s32 $0x700;
	s14 =	simm.s32 $0x6;
	s2 =	sadd.s32 $0x800, s9;
	[tilespmem:s18+$0x1C020] =	vst.msk vm0, v4;
	v4 =	vmax.f32 v10, v58;
	v9 =	vld [tilespmem:s7+$0x0]  }
0xc3: {  	s22 =	sand.u32 $0x300, s8;
	s24 =	simm.s32 $0x6;
	s3 =	sadd.s32 $0x100, s2;
	v10 =	vld [tilespmem:s26+$0x50];
	v12 =	vperm.xlane v4, v0  }
0xc4: {  	s9 =	sor.u32 s22, s5;
	v14 =	vld [tilespmem:s26+$0xD0];
	[dreg:$0x4] =	wrdreg s24;
	s7 =	sor.u32 $0x400, s3  }
0xc5: {  	v5 =	vmax.f32 v13, v5;
	s25 =	sand.u32 $0x3, s14;
	v7 =	vmax.f32 v11, v7;
	v11 =	vld [tilespmem:s9+$0x0];
	[smem:$0x7F4] =	sst s7;
	v4 =	vmax.f32 v4, v12  }
0xc6: {  	v59 =	vperm.xlane v5, v0;
	s30 =	sor.u32 $0x410, s3;
	s24 =	sor.u32 $0x420, s3;
	s14 =	sor.u32 $0x440, s3;
	[tilespmem:s18+$0x1C0A0] =	vst.msk vm0, v4  }
0xc7: {  	s22 =	sor.u32 $0x430, s3;
	s3 =	sor.u32 $0x450, s3;
	v60 =	vld [tilespmem:s9+$0x80];
	v4 =	vperm.xlane v7, v0;
	[dreg:$0x15] =	wrdreg s14  }
0xc8: {  	v5 =	vmax.f32 v5, v59;
	[dreg:$0x9] =	wrdreg s3  }
0xc9: {  	s31 =	simm.s32 $0x300;
	s5 =	sadd.s32 $0x180, s2;
	v61 =	vld [tilespmem:s29+$0x50];
	[tilespmem:s17+$0x1C0C8] =	vst.msk vm0, v5;
	v5 =	vmax.f32 v7, v4  }
0xca: {  	s6 =	sshll.u32 s25, $0x8;
	s25 =	sor.u32 $0x420, s5;
	v7 =	vld [tilespmem:s29+$0xD0];
	[tilespmem:s31+$0x1C000] =	vst.msk vm0, v5  }
0xcb: {  	s4 =	sor.u32 $0x430, s5;
	v4 =	vld [tilespmem:s0+$0x0];
	[dreg:$0x1f] =	wrdreg s25  }
0xcc: {  	s3 =	sadd.s32 $0xC00, s6;
	v6 =	vmax.f32 v6, v9;
	s6 =	sor.u32 $0x440, s5;
	[dreg:$0x19] =	wrdreg s4  }
0xcd: {  	s7 =	sor.u32 $0x450, s5;
	v9 =	vperm.xlane v6, v0;
	[dreg:$0x17] =	wrdreg s6  }
0xce: {  	[dreg:$0xb] =	wrdreg s7  }
0xcf: {  	v10 =	vmax.f32 v10, v14;
	v5 =	vmax.f32 v6, v9;
	s4 =	sadd.s32 $0x100, s3;
	v15 =	vld [tilespmem:s1+$0x10]  }
0xd0: {  	v14 =	vperm.xlane v10, v0;
	s25 =	sor.u32 $0x430, s21;
	v62 =	vld [tilespmem:s1+$0x90];
	[tilespmem:s17+$0x1C050] =	vst.msk vm0, v5;
	s6 =	sor.u32 $0x410, s4  }
0xd1: {  	s28 =	sor.u32 $0x400, s5;
	s7 =	sor.u32 $0x420, s4;
	v5 =	vld [tilespmem:s25+$0x0];
	[smem:$0x7F5] =	sst s6  }
0xd2: {  	v3 =	vmax.f32 v3, v8;
	s2 =	sor.u32 $0x410, s5;
	s14 =	simm.s32 $0x0;
	v11 =	vmax.f32 v11, v60;
	v8 =	vmax.f32 v10, v14;
	[smem:$0x7F6] =	sst s7  }
0xd3: {  	v9 =	vor.u32 s14, v1;
	s14 =	sor.u32 $0x430, s20;
	s5 =	sor.u32 $0x400, s4;
	v10 =	vperm.xlane v11, v0;
	s25 =	sor.u32 $0x440, s4;
	[tilespmem:s18+$0x1C028] =	vst.msk vm0, v8  }
0xd4: {  	s0 =	sor.u32 $0x430, s4;
	s4 =	sor.u32 $0x450, s4;
	v6 =	vld [tilespmem:s14+$0x0];
	[smem:$0x7F7] =	sst s25  }
0xd5: {  	s3 =	sadd.s32 $0x180, s3;
	v8 =	vperm.xlane v3, v0;
	v10 =	vmax.f32 v11, v10;
	[dreg:$0x13] =	wrdreg s4  }
0xd6: {  	v12 =	vmax.f32 v61, v7;
	s4 =	sor.u32 $0x440, s3;
	v7 =	vld [tilespmem:s26+$0x60];
	[tilespmem:s31+$0x1C080] =	vst.msk vm0, v10  }
0xd7: {  	s6 =	sor.u32 $0x420, s3;
	s7 =	sor.u32 $0x430, s3;
	v11 =	vmax.f32 v3, v8;
	v8 =	vld [tilespmem:s26+$0xE0];
	[smem:$0x7F8] =	sst s4  }
0xd8: {  	s14 =	sor.u32 $0x400, s3;
	v63 =	vperm.xlane v12, v0;
	s25 =	sor.u32 $0x410, s3;
	s3 =	sor.u32 $0x450, s3;
	[tilespmem:v9+s12+$0x0] =	vst.idx.msk vm0, v11  }
0xd9: {  	s4 =	simm.s32 $0x80;
	[dreg:$0x1d] =	wrdreg s3  }
0xda: {  	v3 =	vor.u32 s4, v1;
	v11 =	vmax.f32 v15, v62;
	v9 =	vmax.f32 v12, v63;
	s4 =	simm.s32 $0x6;
	s3 =	simm.s32 $0x8;
	v10 =	vld [tilespmem:s9+$0x10]  }
.LBB2_3:
0xdb: {  	v12 =	vperm.xlane v11, v0;
	v13 =	vld [tilespmem:s9+$0x90];
	[tilespmem:s18+$0x1C0A8] =	vst.msk vm0, v9  }
0xdc: {  	v48 =	vld [tilespmem:s29+$0xE0];
	v7 =	vmax.f32 v7, v8  }
0xdd: {  	v9 =	vmax.f32 v11, v12;
	v8 =	vld [tilespmem:s29+$0x60];
	v11 =	vperm.xlane v7, v0  }
0xde: {  	[tilespmem:s31+$0x1C008] =	vst.msk vm0, v9;
	v5 =	vmax.f32 v5, v6;
	v6 =	vld [tilespmem:s23+$0x0]  }
0xdf: {  	v9 =	vld [tilespmem:s1+$0x20];
	v7 =	vmax.f32 v7, v11;
	v11 =	vperm.xlane v5, v0  }
0xe0: {  	s23 =	rddreg [dreg:$0x1f];
	v14 =	vld [tilespmem:s1+$0xA0];
	v10 =	vmax.f32 v10, v13;
	[tilespmem:s18+$0x1C030] =	vst.msk vm0, v7  }
0xe1: {  	s12 =	smov.u32 s23;
	v7 =	vperm.xlane v10, v0;
	v49 =	vld [tilespmem:s26+$0x70];
	v5 =	vmax.f32 v5, v11  }
0xe2: {  	s23 =	sor.u32 $0x440, s21;
	[smem:$0x7F1] =	sst s12;
	s12 =	smov.u32 s6;
	v11 =	vld [tilespmem:s26+$0xF0];
	v8 =	vmax.f32 v8, v48;
	[tilespmem:s17+$0x1C058] =	vst.msk vm0, v5  }
0xe3: {  	[dreg:$0x1f] =	wrdreg s12;
	s12 =	sor.u32 $0x440, s20;
	v5 =	vmax.f32 v10, v7;
	v7 =	vperm.xlane v8, v0;
	v4 =	vmax.f32 v4, v6;
	v10 =	vld [tilespmem:s23+$0x0]  }
0xe4: {  	[tilespmem:s31+$0x1C088] =	vst.msk vm0, v5;
	v5 =	vld [tilespmem:s12+$0x0];
	v6 =	vperm.xlane v4, v0  }
0xe5: {  	p0 =	por !p0, !p0;
	s26 =	smov.u32 s1;
	s1 =	simm.s32 $0x1;
	v50 =	vld [tilespmem:s9+$0x20];
	v7 =	vmax.f32 v8, v7  }
0xe6: {  	s1 =	simm.s32 @!p0 $0x0;
	s23 =	smov.u32 s22;
	s12 =	smov.u32 s7;
	v8 =	vmax.f32 v9, v14;
	v9 =	vld [tilespmem:s9+$0xA0];
	[tilespmem:s18+$0x1C0B0] =	vst.msk vm0, v7;
	v4 =	vmax.f32 v4, v6  }
0xe7: {  	s7 =	sshll.u32 s11, $0x7;
	s11 =	smov.u32 s5;
	s5 =	rddreg [dreg:$0xd];
	v6 =	vperm.xlane v8, v0;
	v7 =	vld [tilespmem:s29+$0x70];
	[tilespmem:s17+$0x1C0D0] =	vst.msk vm0, v4  }
0xe8: {  	s6 =	sshll.u32 s1, $0x9;
	[smem:$0x7F0] =	sst s23;
	v4 =	vmax.f32 v49, v11;
	v11 =	vld [tilespmem:s29+$0xF0]  }
0xe9: {  	s23 =	smov.u32 s24;
	s29 =	smov.u32 s9;
	v6 =	vmax.f32 v8, v6;
	v8 =	vperm.xlane v4, v0;
	v51 =	vld [tilespmem:s16+$0x0];
	s9 =	rddreg [dreg:$0x19];
	v5 =	vmax.f32 v10, v5  }
0xea: {  	s24 =	smov.u32 s0;
	s0 =	sadd.s32 s15, s6;
	[dreg:$0x19] =	wrdreg s12;
	v10 =	vld [tilespmem:s19+$0x0];
	[tilespmem:s31+$0x1C010] =	vst.msk vm0, v6;
	v6 =	vperm.xlane v5, v0  }
0xeb: {  	s12 =	smov.u32 s3;
	s22 =	smov.u32 s9;
	s9 =	rddreg [dreg:$0x4];
	v52 =	vld [tilespmem:s26+$0x30];
	v9 =	vmax.f32 v50, v9;
	v4 =	vmax.f32 v4, v8  }
0xec: {  	s1 =	sor.u32 $0x450, s20;
	s15 =	sor.u32 $0x400, s0;
	[dreg:$0x4] =	wrdreg s12;
	v8 =	vld [tilespmem:s26+$0xB0];
	v12 =	vperm.xlane v9, v0;
	[tilespmem:s18+$0x1C038] =	vst.msk vm0, v4;
	v4 =	vmax.f32 v5, v6  }
0xed: {  	s19 =	sor.u32 $0x450, s21;
	s21 =	smov.u32 s0;
	s12 =	rddreg [dreg:$0x17];
	v5 =	vld [tilespmem:s15+$0x0];
	v6 =	vmax.f32 v7, v11;
	[tilespmem:s17+$0x1C060] =	vst.msk vm0, v4  }
0xee: {  	s20 =	sadd.s32 $0x80, s21;
	s15 =	smov.u32 s10;
	s10 =	sld [smem:$0x7F4];
	v4 =	vmax.f32 v9, v12;
	v7 =	vperm.xlane v6, v0;
	v9 =	vld [tilespmem:s19+$0x0]  }
0xef: {  	s6 =	sor.u32 $0x400, s20;
	[smem:$0x7F4] =	sst s11;
	[tilespmem:s31+$0x1C090] =	vst.msk vm0, v4;
	v4 =	vld [tilespmem:s1+$0x0];
	v10 =	vmax.f32 v10, v51  }
0xf0: {  	s11 =	rddreg [dreg:$0xf];
	v11 =	vld [tilespmem:s6+$0x0];
	v6 =	vmax.f32 v6, v7;
	v7 =	vperm.xlane v10, v0  }
0xf1: {  	s6 =	rddreg [dreg:$0x15];
	v53 =	vld [tilespmem:s29+$0x30];
	[tilespmem:s18+$0x1C0B8] =	vst.msk vm0, v6  }
0xf2: {  	s19 =	smov.u32 s9;
	s9 =	sld [smem:$0x7F7];
	v6 =	vld [tilespmem:s29+$0xB0];
	v7 =	vmax.f32 v10, v7  }
0xf3: {  	v54 =	vor.u32 s7, v1;
	s0 =	sadd.s32 $0x80, s7;
	v8 =	vmax.f32 v52, v8;
	s7 =	smov.u32 s6;
	s6 =	rddreg [dreg:$0x5];
	v10 =	vld [tilespmem:s10+$0x0];
	[tilespmem:s17+$0x1C0D8] =	vst.msk vm0, v7  }
0xf4: {  	[dreg:$0xd] =	wrdreg s7;
	v7 =	vperm.xlane v8, v0;
	v4 =	vmax.f32 v9, v4;
	v55 =	vld [tilespmem:s28+$0x0]  }
0xf5: {  	v9 =	vor.u32 s0, v1;
	v5 =	vmax.f32 v5, v11;
	s0 =	sld [smem:$0x7F8];
	v11 =	vperm.xlane v4, v0;
	v15 =	vld [tilespmem:s5+$0x0]  }
0xf6: {  	s7 =	rddreg [dreg:$0x7];
	s10 =	smov.u32 s9;
	v16 =	vld [tilespmem:s11+$0x0];
	v7 =	vmax.f32 v8, v7;
	v8 =	vperm.xlane v5, v0  }
0xf7: {  	s9 =	smov.u32 s7;
	s7 =	simm.s32 $0x1C000;
	[dreg:$0x15] =	wrdreg s10;
	[tilespmem:s31+$0x1C018] =	vst.msk vm0, v7;
	v4 =	vmax.f32 v4, v11;
	v7 =	vld [tilespmem:s6+$0x0];
	v6 =	vmax.f32 v53, v6  }
0xf8: {  	s4 =	sadd.s32 $0x2, s4;
	[dreg:$0x5] =	wrdreg s9;
	s5 =	smov.u32 s0;
	v11 =	vld [tilespmem:s26+$0x40];
	v5 =	vmax.f32 v5, v8;
	[tilespmem:v54+s7+$0x0] =	vst.idx.msk vm0, v4;
	v12 =	vperm.xlane v6, v0  }
0xf9: {  	s8 =	sadd.s32 $0x200, s8;
	[dreg:$0x17] =	wrdreg s5;
	s5 =	sor.u32 $0x410, s21;
	v4 =	vld [tilespmem:s26+$0xC0];
	[tilespmem:s18+$0x1C040] =	vst.msk vm0, v5;
	v5 =	vmax.f32 v10, v55  }
0xfa: {  	s16 =	smov.u32 s13;
	s10 =	rddreg [dreg:$0xb];
	s6 =	sor.u32 $0x410, s20;
	v8 =	vld [tilespmem:s5+$0x0];
	v6 =	vmax.f32 v6, v12;
	v10 =	vperm.xlane v5, v0  }
0xfb: {  	s28 =	smov.u32 s14;
	s14 =	smov.u32 s12;
	s12 =	rddreg [dreg:$0x1d];
	v56 =	vmax.f32 v15, v16;
	[tilespmem:s31+$0x1C098] =	vst.msk vm0, v6;
	v6 =	vld [tilespmem:s6+$0x0]  }
0xfc: {  	s13 =	sadd.s32 $0x400, s13;
	s11 =	smov.u32 s10;
	[dreg:$0xf] =	wrdreg s14;
	v57 =	vld [tilespmem:s29+$0x40];
	v5 =	vmax.f32 v5, v10;
	v10 =	vperm.xlane v56, v0  }
0xfd: {  	s9 =	sand.u32 $0x3, s4;
	[dreg:$0x7] =	wrdreg s11;
	s14 =	smov.u32 s12;
	v2 =	vmax.f32 v2, v7;
	v7 =	vld [tilespmem:s29+$0xC0];
	[tilespmem:s18+$0x1C0C0] =	vst.msk vm0, v5  }
0xfe: {  	s10 =	sadd.s32 $0xFFFFFF00, s8;
	s12 =	sand.u32 $0xF800, s13;
	[dreg:$0xb] =	wrdreg s14;
	v5 =	vperm.xlane v2, v0;
	v4 =	vmax.f32 v11, v4;
	v11 =	vld [tilespmem:s30+$0x0];
	v10 =	vmax.f32 v56, v10  }
0xff: {  	s1 =	sand.u32 $0x200, s10;
	s0 =	sshll.u32 s9, $0x8;
	s14 =	rddreg [dreg:$0x12];
	v58 =	vperm.xlane v4, v0;
	v59 =	vld [tilespmem:s2+$0x0];
	[tilespmem:s17+$0x1C0E0] =	vst.msk vm0, v10  }
0x100: {  	s11 =	sand.u32 $0x300, s8;
	s1 =	sor.u32 s1, s12;
	s0 =	sadd.s32 s13, s0;
	v5 =	vmax.f32 v2, v5;
	v2 =	vld [tilespmem:s14+$0x0]  }
0x101: {  	s9 =	sor.u32 s11, s12;
	s11 =	sadd.s32 $0x100, s0;
	s2 =	sadd.s32 $0x180, s0;
	v6 =	vmax.f32 v8, v6;
	[tilespmem:v3+s7+$0x0] =	vst.idx.msk vm0, v5;
	v5 =	vld [tilespmem:s1+$0x0];
	v4 =	vmax.f32 v4, v58  }
0x102: {  	s30 =	sor.u32 $0x440, s11;
	s17 =	sor.u32 $0x410, s2;
	v3 =	vmov v9;
	v9 =	vld [tilespmem:s1+$0x80];
	v8 =	vperm.xlane v6, v0;
	[tilespmem:s31+$0x1C020] =	vst.msk vm0, v4;
	v4 =	vmax.f32 v57, v7  }
0x103: {  	s6 =	sor.u32 $0x420, s2;
	[smem:$0x7F7] =	sst s30;
	s30 =	sor.u32 $0x440, s2;
	v10 =	vperm.xlane v4, v0  }
0x104: {  	s14 =	sor.u32 $0x400, s2;
	s7 =	sor.u32 $0x430, s2;
	s2 =	sor.u32 $0x450, s2;
	v7 =	vld [tilespmem:s26+$0x50];
	v6 =	vmax.f32 v6, v8  }
0x105: {  	[dreg:$0x1d] =	wrdreg s2;
	s2 =	sor.u32 $0x420, s20;
	v8 =	vld [tilespmem:s26+$0xD0];
	[tilespmem:s18+$0x1C048] =	vst.msk vm0, v6;
	v4 =	vmax.f32 v4, v10  }
0x106: {  	[tilespmem:s31+$0x1C0A0] =	vst.msk vm0, v4;
	v4 =	vld [tilespmem:s2+$0x0];
	s2 =	smov.u32 s25;
	s25 =	smov.u32 s17;
	s17 =	sld [smem:$0x7F5]  }
0x107: {  	_ = 	snop  }
0x108: {  	s10 =	sor.u32 $0x410, s11;
	[smem:$0x7F8] =	sst s30;
	s30 =	sor.u32 $0x420, s21  }
0x109: {  	v6 =	vmax.f32 v11, v59;
	v10 =	vld [tilespmem:s30+$0x0];
	s30 =	smov.u32 s17;
	s17 =	smov.u32 s10;
	s10 =	rddreg [dreg:$0x9]  }
0x10a: {  	v11 =	vperm.xlane v6, v0;
	[smem:$0x7F5] =	sst s17;
	s17 =	smov.u32 s10  }
0x10b: {  	s5 =	sor.u32 $0x400, s11;
	s12 =	sor.u32 $0x420, s11;
	[dreg:$0x12] =	wrdreg s17  }
0x10c: {  	s0 =	sor.u32 $0x430, s11;
	s11 =	sor.u32 $0x450, s11;
	v5 =	vmax.f32 v5, v9;
	v9 =	vld [tilespmem:s9+$0x0];
	v6 =	vmax.f32 v6, v11;
	s17 =	rddreg [dreg:$0x13]  }
0x10d: {  	v60 =	vld [tilespmem:s9+$0x80];
	v11 =	vperm.xlane v5, v0;
	[tilespmem:s18+$0x1C0C8] =	vst.msk vm0, v6;
	s10 =	smov.u32 s17;
	s17 =	smov.u32 s11  }
0x10e: {  	v6 =	vmax.f32 v7, v8;
	v61 =	vld [tilespmem:s29+$0x50];
	[dreg:$0x13] =	wrdreg s17  }
0x10f: {  	v5 =	vmax.f32 v5, v11;
	v7 =	vperm.xlane v6, v0;
	v11 =	vld [tilespmem:s29+$0xD0];
	s17 =	smov.u32 s18;
	s18 =	smov.u32 s31;
	s31 =	sshra.s32 s13, $0x2  }
0x110: {  	[tilespmem:s31+$0x1C000] =	vst.msk vm0, v5;
	v5 =	vmax.f32 v10, v4;
	v4 =	vld [tilespmem:s23+$0x0]  }
0x111: {  	p1 =	slt.u32 s3, $0x6E;
	v6 =	vmax.f32 v6, v7;
	s23 =	sld [smem:$0x7F6];
	v10 =	vld [tilespmem:s1+$0x10];
	v8 =	vperm.xlane v5, v0  }
0x112: {  	s11 =	smov.u32 s15;
	s15 =	smov.u32 s16;
	s16 =	smov.u32 s22;
	v9 =	vmax.f32 v9, v60;
	v62 =	vld [tilespmem:s1+$0x90];
	[tilespmem:s18+$0x1C028] =	vst.msk vm0, v6  }
.Ltmp2:
0x113: {  	s22 =	smov.u32 s24;
	[dreg:$0x9] =	wrdreg s10;
	v6 =	vperm.xlane v9, v0;
	v7 =	vld [tilespmem:s26+$0x60];
	v5 =	vmax.f32 v5, v8;
	(pc) =	sbr.rel @p1 .LBB2_3-.Ltmp2, $4  }
0x114: {  	v63 =	vmax.f32 v61, v11;
	s24 =	smov.u32 s23;
	s23 =	smov.u32 s12;
	v8 =	vld [tilespmem:s26+$0xE0];
	s12 =	sor.u32 $0x430, s21;
	[tilespmem:s17+$0x1C050] =	vst.msk vm0, v5  }
0x115: {  	v6 =	vmax.f32 v9, v6;
	v9 =	vperm.xlane v63, v0;
	[smem:$0x7F6] =	sst s23;
	s23 =	sor.u32 $0x430, s20;
	v5 =	vld [tilespmem:s12+$0x0]  }
0x116: {  	s10 =	smov.u32 s19;
	s19 =	sld [smem:$0x7F0];
	[tilespmem:s31+$0x1C080] =	vst.msk vm0, v6;
	v6 =	vld [tilespmem:s23+$0x0]  }
0x117: {  	s3 =	sadd.s32 $0x2, s3;
	s23 =	sld [smem:$0x7F1];
	v9 =	vmax.f32 v63, v9;
	v11 =	vmax.f32 v10, v62;
	v10 =	vld [tilespmem:s9+$0x10]  }
0x118: {  	v12 =	vld [tilespmem:s9+$0x90];
	_ =	sdelay $0x2  }
0x119: {  	v13 =	vperm.xlane v11, v0;
	_ =	sdelay $0x1  }
0x11a: {  	v11 =	vmax.f32 v11, v13;
	v10 =	vmax.f32 v10, v12  }
0x11b: {  	[tilespmem:s31+$0x1C008] =	vst.msk vm0, v11;
	v11 =	vperm.xlane v10, v0  }
0x11c: {  	v62 =	vld [tilespmem:s1+$0x20]  }
0x11d: {  	v63 =	vld [tilespmem:s1+$0xA0];
	v10 =	vmax.f32 v10, v11  }
0x11e: {  	[tilespmem:s31+$0x1C088] =	vst.msk vm0, v10  }
0x11f: {  	v10 =	vld [tilespmem:s9+$0x20]  }
0x120: {  	v11 =	vld [tilespmem:s9+$0xA0];
	_ =	sdelay $0x1  }
0x121: {  	v12 =	vmax.f32 v62, v63  }
0x122: {  	v13 =	vperm.xlane v12, v0;
	_ =	sdelay $0x1  }
0x123: {  	v12 =	vmax.f32 v12, v13;
	v10 =	vmax.f32 v10, v11  }
0x124: {  	[tilespmem:s31+$0x1C010] =	vst.msk vm0, v12;
	v11 =	vperm.xlane v10, v0  }
0x125: {  	v12 =	vld [tilespmem:s1+$0x30]  }
0x126: {  	v16 =	vld [tilespmem:s1+$0xB0];
	v10 =	vmax.f32 v10, v11  }
0x127: {  	[tilespmem:s31+$0x1C090] =	vst.msk vm0, v10  }
0x128: {  	v10 =	vld [tilespmem:s9+$0x30]  }
0x129: {  	v11 =	vld [tilespmem:s9+$0xB0];
	_ =	sdelay $0x1  }
0x12a: {  	v12 =	vmax.f32 v12, v16  }
0x12b: {  	v13 =	vperm.xlane v12, v0;
	_ =	sdelay $0x1  }
0x12c: {  	v12 =	vmax.f32 v12, v13;
	v10 =	vmax.f32 v10, v11  }
0x12d: {  	[tilespmem:s31+$0x1C018] =	vst.msk vm0, v12;
	v11 =	vperm.xlane v10, v0  }
0x12e: {  	v12 =	vld [tilespmem:s1+$0x40]  }
0x12f: {  	v17 =	vld [tilespmem:s1+$0xC0];
	v10 =	vmax.f32 v10, v11  }
0x130: {  	[tilespmem:s31+$0x1C098] =	vst.msk vm0, v10  }
0x131: {  	v10 =	vld [tilespmem:s9+$0x40]  }
0x132: {  	v11 =	vld [tilespmem:s9+$0xC0];
	_ =	sdelay $0x1  }
0x133: {  	v12 =	vmax.f32 v12, v17  }
0x134: {  	v13 =	vperm.xlane v12, v0;
	_ =	sdelay $0x1  }
0x135: {  	v12 =	vmax.f32 v12, v13;
	v10 =	vmax.f32 v10, v11  }
0x136: {  	[tilespmem:s31+$0x1C020] =	vst.msk vm0, v12;
	v11 =	vperm.xlane v10, v0  }
0x137: {  	v12 =	vld [tilespmem:s1+$0x50]  }
0x138: {  	v18 =	vld [tilespmem:s1+$0xD0];
	v10 =	vmax.f32 v10, v11  }
0x139: {  	[tilespmem:s31+$0x1C0A0] =	vst.msk vm0, v10  }
0x13a: {  	v10 =	vld [tilespmem:s9+$0x50]  }
0x13b: {  	v11 =	vld [tilespmem:s9+$0xD0];
	_ =	sdelay $0x1  }
0x13c: {  	v12 =	vmax.f32 v12, v18  }
0x13d: {  	[tilespmem:s18+$0x1C0A8] =	vst.msk vm0, v9;
	v13 =	vperm.xlane v12, v0  }
0x13e: {  	v9 =	vld [tilespmem:s29+$0x60]  }
0x13f: {  	v12 =	vmax.f32 v12, v13;
	v10 =	vmax.f32 v10, v11;
	v11 =	vld [tilespmem:s29+$0xE0]  }
0x140: {  	[tilespmem:s31+$0x1C028] =	vst.msk vm0, v12;
	v19 =	vperm.xlane v10, v0  }
0x141: {  	v20 =	vld [tilespmem:s1+$0x60]  }
0x142: {  	v7 =	vmax.f32 v7, v8;
	v14 =	vld [tilespmem:s1+$0xE0];
	v10 =	vmax.f32 v10, v19  }
0x143: {  	v8 =	vperm.xlane v7, v0;
	[tilespmem:s31+$0x1C0A8] =	vst.msk vm0, v10  }
0x144: {  	v10 =	vld [tilespmem:s9+$0x60];
	v9 =	vmax.f32 v9, v11  }
0x145: {  	v7 =	vmax.f32 v7, v8;
	v11 =	vld [tilespmem:s9+$0xE0];
	v8 =	vperm.xlane v9, v0  }
0x146: {  	[tilespmem:s18+$0x1C030] =	vst.msk vm0, v7  }
0x147: {  	v21 =	vld [tilespmem:s26+$0x70];
	v7 =	vmax.f32 v20, v14;
	v8 =	vmax.f32 v9, v8  }
0x148: {  	v22 =	vld [tilespmem:s26+$0xF0];
	v9 =	vperm.xlane v7, v0;
	[tilespmem:s18+$0x1C0B0] =	vst.msk vm0, v8  }
0x149: {  	v8 =	vld [tilespmem:s29+$0x70]  }
0x14a: {  	v7 =	vmax.f32 v7, v9;
	v9 =	vmax.f32 v10, v11;
	v10 =	vld [tilespmem:s29+$0xF0]  }
0x14b: {  	[tilespmem:s31+$0x1C030] =	vst.msk vm0, v7;
	v7 =	vperm.xlane v9, v0;
	_ =	sdelay $0x1  }
0x14c: {  	v11 =	vld [tilespmem:s1+$0x70];
	v7 =	vmax.f32 v9, v7;
	v9 =	vmax.f32 v21, v22  }
0x14d: {  	v23 =	vld [tilespmem:s1+$0xF0];
	[tilespmem:s31+$0x1C0B0] =	vst.msk vm0, v7;
	v7 =	vperm.xlane v9, v0  }
0x14e: {  	p0 =	por !p0, !p0;
	s1 =	simm.s32 $0x1;
	v8 =	vmax.f32 v8, v10  }
0x14f: {  	s1 =	simm.s32 @!p0 $0x0;
	v24 =	vld [tilespmem:s9+$0x70];
	v7 =	vmax.f32 v9, v7;
	v9 =	vperm.xlane v8, v0  }
0x150: {  	s1 =	sshll.u32 s1, $0x9;
	v25 =	vld [tilespmem:s9+$0xF0]  }
0x151: {  	s8 =	simm.s32 $0x1;
	s1 =	sadd.s32 s15, s1;
	[tilespmem:s18+$0x1C038] =	vst.msk vm0, v7;
	v8 =	vmax.f32 v8, v9  }
0x152: {  	p0 =	por !p0, !p0;
	s3 =	sor.u32 $0x400, s1;
	s4 =	sadd.s32 $0x80, s1;
	v7 =	vmax.f32 v11, v23;
	[tilespmem:s18+$0x1C0B8] =	vst.msk vm0, v8  }
0x153: {  	s8 =	simm.s32 @!p0 $0x0;
	s26 =	sor.u32 $0x400, s4;
	v10 =	vld [tilespmem:s3+$0x0];
	v9 =	vperm.xlane v7, v0;
	s12 =	sld [smem:$0x7F4]  }
0x154: {  	s9 =	sshll.u32 s8, $0x9;
	v11 =	vld [tilespmem:s26+$0x0]  }
0x155: {  	s3 =	sadd.s32 s13, s9;
	v7 =	vmax.f32 v7, v9;
	v9 =	vmax.f32 v24, v25;
	v26 =	vld [tilespmem:s28+$0x0]  }
0x156: {  	s15 =	sor.u32 $0x400, s3;
	s8 =	sadd.s32 $0x80, s3;
	[tilespmem:s31+$0x1C038] =	vst.msk vm0, v7;
	v7 =	vperm.xlane v9, v0;
	v8 =	vld [tilespmem:s12+$0x0]  }
0x157: {  	s26 =	sor.u32 $0x400, s8;
	v27 =	vld [tilespmem:s15+$0x0]  }
0x158: {  	v28 =	vld [tilespmem:s26+$0x0];
	v7 =	vmax.f32 v9, v7  }
0x159: {  	v9 =	vmax.f32 v10, v11;
	[tilespmem:s31+$0x1C0B8] =	vst.msk vm0, v7  }
0x15a: {  	v10 =	vperm.xlane v9, v0;
	v7 =	vld [tilespmem:s5+$0x0]  }
0x15b: {  	v11 =	vld [tilespmem:s14+$0x0];
	v8 =	vmax.f32 v8, v26  }
0x15c: {  	v9 =	vmax.f32 v9, v10;
	v10 =	vperm.xlane v8, v0  }
0x15d: {  	[tilespmem:s18+$0x1C040] =	vst.msk vm0, v9;
	v9 =	vmax.f32 v27, v28  }
0x15e: {  	v8 =	vmax.f32 v8, v10;
	v10 =	vperm.xlane v9, v0  }
0x15f: {  	s9 =	sor.u32 $0x410, s1  }
0x160: {  	s12 =	sor.u32 $0x410, s4;
	v29 =	vld [tilespmem:s9+$0x0];
	v7 =	vmax.f32 v7, v11;
	[tilespmem:s18+$0x1C0C0] =	vst.msk vm0, v8;
	v9 =	vmax.f32 v9, v10  }
0x161: {  	v30 =	vld [tilespmem:s12+$0x0];
	[tilespmem:s31+$0x1C040] =	vst.msk vm0, v9;
	v9 =	vperm.xlane v7, v0  }
0x162: {  	v8 =	vld [tilespmem:s30+$0x0]  }
0x163: {  	v5 =	vmax.f32 v5, v6;
	s13 =	sor.u32 $0x410, s3;
	v10 =	vld [tilespmem:s2+$0x0];
	v6 =	vmax.f32 v7, v9  }
0x164: {  	s14 =	sor.u32 $0x410, s8;
	v11 =	vld [tilespmem:s13+$0x0];
	[tilespmem:s31+$0x1C0C0] =	vst.msk vm0, v6  }
0x165: {  	v31 =	vld [tilespmem:s14+$0x0];
	s15 =	sld [smem:$0x7F5]  }
0x166: {  	v7 =	vperm.xlane v5, v0;
	v9 =	vmax.f32 v29, v30  }
0x167: {  	v12 =	vperm.xlane v9, v0;
	v32 =	vld [tilespmem:s25+$0x0]  }
0x168: {  	v5 =	vmax.f32 v5, v7;
	v7 =	vmax.f32 v8, v10;
	v6 =	vld [tilespmem:s15+$0x0]  }
0x169: {  	[tilespmem:s17+$0x1C058] =	vst.msk vm0, v5;
	v5 =	vmax.f32 v9, v12;
	v9 =	vperm.xlane v7, v0  }
0x16a: {  	[tilespmem:s18+$0x1C048] =	vst.msk vm0, v5;
	v5 =	vmax.f32 v11, v31  }
0x16b: {  	v8 =	vld [tilespmem:s23+$0x0];
	s25 =	sor.u32 $0x440, s21;
	v7 =	vmax.f32 v7, v9;
	v9 =	vperm.xlane v5, v0  }
0x16c: {  	s26 =	sor.u32 $0x420, s1;
	v10 =	vld [tilespmem:s25+$0x0]  }
0x16d: {  	s5 =	sor.u32 $0x420, s4;
	v11 =	vld [tilespmem:s26+$0x0];
	[tilespmem:s18+$0x1C0C8] =	vst.msk vm0, v7;
	v5 =	vmax.f32 v5, v9;
	v6 =	vmax.f32 v6, v32  }
0x16e: {  	v33 =	vld [tilespmem:s5+$0x0];
	s9 =	rddreg [dreg:$0x1f];
	[tilespmem:s31+$0x1C048] =	vst.msk vm0, v5;
	v5 =	vperm.xlane v6, v0  }
0x16f: {  	v7 =	vld [tilespmem:s24+$0x0]  }
0x170: {  	s12 =	sor.u32 $0x420, s3;
	v9 =	vld [tilespmem:s9+$0x0];
	v5 =	vmax.f32 v6, v5  }
0x171: {  	s13 =	sor.u32 $0x420, s8;
	v4 =	vmax.f32 v4, v8;
	v34 =	vld [tilespmem:s12+$0x0];
	[tilespmem:s31+$0x1C0C8] =	vst.msk vm0, v5  }
0x172: {  	s14 =	sor.u32 $0x440, s20;
	v35 =	vperm.xlane v4, v0;
	v8 =	vld [tilespmem:s13+$0x0];
	s15 =	sld [smem:$0x7F6]  }
0x173: {  	v11 =	vmax.f32 v11, v33;
	v6 =	vld [tilespmem:s14+$0x0]  }
0x174: {  	v4 =	vmax.f32 v4, v35;
	v12 =	vperm.xlane v11, v0;
	v36 =	vld [tilespmem:s6+$0x0]  }
0x175: {  	[tilespmem:s17+$0x1C0D0] =	vst.msk vm0, v4;
	v4 =	vmax.f32 v7, v9;
	v5 =	vld [tilespmem:s15+$0x0]  }
0x176: {  	v9 =	vmax.f32 v11, v12;
	v7 =	vld [tilespmem:s19+$0x0];
	v11 =	vperm.xlane v4, v0  }
0x177: {  	v8 =	vmax.f32 v34, v8;
	v37 =	vld [tilespmem:s16+$0x0];
	[tilespmem:s18+$0x1C050] =	vst.msk vm0, v9;
	s16 =	sor.u32 $0x430, s1  }
0x178: {  	s19 =	sor.u32 $0x430, s4;
	v9 =	vld [tilespmem:s16+$0x0];
	v4 =	vmax.f32 v4, v11;
	v11 =	vperm.xlane v8, v0  }
0x179: {  	v38 =	vld [tilespmem:s19+$0x0];
	v6 =	vmax.f32 v10, v6;
	[tilespmem:s18+$0x1C0D0] =	vst.msk vm0, v4  }
0x17a: {  	v10 =	vperm.xlane v6, v0;
	v4 =	vld [tilespmem:s22+$0x0];
	v8 =	vmax.f32 v8, v11;
	s23 =	rddreg [dreg:$0x19];
	v5 =	vmax.f32 v5, v36  }
0x17b: {  	s24 =	sor.u32 $0x430, s3;
	v11 =	vld [tilespmem:s23+$0x0];
	[tilespmem:s31+$0x1C050] =	vst.msk vm0, v8;
	v8 =	vperm.xlane v5, v0  }
0x17c: {  	s25 =	sor.u32 $0x430, s8;
	v6 =	vmax.f32 v6, v10;
	v7 =	vmax.f32 v7, v37;
	v39 =	vld [tilespmem:s24+$0x0]  }
0x17d: {  	v10 =	vld [tilespmem:s25+$0x0];
	[tilespmem:s17+$0x1C060] =	vst.msk vm0, v6;
	v6 =	vperm.xlane v7, v0;
	v5 =	vmax.f32 v5, v8  }
0x17e: {  	v9 =	vmax.f32 v9, v38;
	[tilespmem:s31+$0x1C0D0] =	vst.msk vm0, v5  }
0x17f: {  	v5 =	vmax.f32 v7, v6;
	v6 =	vperm.xlane v9, v0;
	v7 =	vld [tilespmem:s0+$0x0]  }
0x180: {  	v4 =	vmax.f32 v4, v11;
	[tilespmem:s17+$0x1C0D8] =	vst.msk vm0, v5;
	v5 =	vld [tilespmem:s7+$0x0]  }
0x181: {  	s5 =	rddreg [dreg:$0xd];
	v6 =	vmax.f32 v9, v6;
	v9 =	vperm.xlane v4, v0  }
0x182: {  	s6 =	rddreg [dreg:$0xf];
	[tilespmem:s18+$0x1C058] =	vst.msk vm0, v6;
	v6 =	vmax.f32 v39, v10  }
0x183: {  	v4 =	vmax.f32 v4, v9;
	v9 =	vperm.xlane v6, v0  }
0x184: {  	v11 =	vld [tilespmem:s5+$0x0];
	[tilespmem:s18+$0x1C0D8] =	vst.msk vm0, v4  }
0x185: {  	s7 =	sor.u32 $0x440, s1;
	v40 =	vld [tilespmem:s6+$0x0];
	s12 =	rddreg [dreg:$0x15];
	v6 =	vmax.f32 v6, v9;
	v5 =	vmax.f32 v7, v5  }
0x186: {  	s9 =	sor.u32 $0x440, s4;
	v10 =	vld [tilespmem:s7+$0x0];
	s13 =	rddreg [dreg:$0x17];
	[tilespmem:s31+$0x1C058] =	vst.msk vm0, v6;
	v6 =	vperm.xlane v5, v0  }
0x187: {  	v41 =	vld [tilespmem:s9+$0x0]  }
0x188: {  	v4 =	vld [tilespmem:s12+$0x0];
	v5 =	vmax.f32 v5, v6  }
0x189: {  	s14 =	sor.u32 $0x440, s3;
	v7 =	vld [tilespmem:s13+$0x0];
	[tilespmem:s31+$0x1C0D8] =	vst.msk vm0, v5  }
0x18a: {  	s15 =	sor.u32 $0x440, s8;
	v9 =	vld [tilespmem:s14+$0x0];
	s19 =	sld [smem:$0x7F7]  }
0x18b: {  	s16 =	sor.u32 $0x450, s20;
	v11 =	vmax.f32 v11, v40;
	v42 =	vld [tilespmem:s15+$0x0];
	s20 =	sld [smem:$0x7F8]  }
0x18c: {  	v43 =	vperm.xlane v11, v0;
	v10 =	vmax.f32 v10, v41  }
0x18d: {  	v5 =	vperm.xlane v10, v0;
	v44 =	vld [tilespmem:s19+$0x0]  }
0x18e: {  	s26 =	sor.u32 $0x450, s21;
	v11 =	vmax.f32 v11, v43;
	v45 =	vld [tilespmem:s20+$0x0]  }
0x18f: {  	v8 =	vld [tilespmem:s26+$0x0];
	s21 =	rddreg [dreg:$0x5];
	[tilespmem:s17+$0x1C0E0] =	vst.msk vm0, v11;
	v5 =	vmax.f32 v10, v5;
	v4 =	vmax.f32 v4, v7  }
0x190: {  	v6 =	vld [tilespmem:s16+$0x0];
	s22 =	rddreg [dreg:$0x12];
	[tilespmem:s18+$0x1C060] =	vst.msk vm0, v5;
	v5 =	vperm.xlane v4, v0;
	v9 =	vmax.f32 v9, v42  }
0x191: {  	v15 =	vld [tilespmem:s21+$0x0];
	v11 =	vperm.xlane v9, v0  }
0x192: {  	s23 =	sor.u32 $0x450, s1;
	v7 =	vld [tilespmem:s22+$0x0];
	v4 =	vmax.f32 v4, v5  }
0x193: {  	s24 =	sor.u32 $0x450, s4;
	s26 =	sshll.u32 s11, $0x7;
	v10 =	vld [tilespmem:s23+$0x0];
	s25 =	rddreg [dreg:$0x7];
	[tilespmem:s18+$0x1C0E0] =	vst.msk vm0, v4;
	v4 =	vmax.f32 v9, v11;
	v9 =	vmax.f32 v44, v45  }
0x194: {  	v47 =	vor.u32 s26, v1;
	v46 =	vld [tilespmem:s24+$0x0];
	s4 =	rddreg [dreg:$0x9];
	[tilespmem:s31+$0x1C060] =	vst.msk vm0, v4;
	v4 =	vperm.xlane v9, v0  }
0x195: {  	v6 =	vmax.f32 v8, v6;
	v5 =	vld [tilespmem:s25+$0x0]  }
0x196: {  	s5 =	sor.u32 $0x450, s3;
	v11 =	vld [tilespmem:s4+$0x0];
	v4 =	vmax.f32 v9, v4;
	v9 =	vperm.xlane v6, v0  }
0x197: {  	s6 =	sor.u32 $0x450, s8;
	v48 =	vld [tilespmem:s5+$0x0];
	s8 =	rddreg [dreg:$0xb];
	[tilespmem:s31+$0x1C0E0] =	vst.msk vm0, v4  }
0x198: {  	s12 =	simm.s32 $0x1C000;
	v2 =	vmax.f32 v2, v15;
	v8 =	vld [tilespmem:s6+$0x0];
	s9 =	rddreg [dreg:$0x13];
	v6 =	vmax.f32 v6, v9  }
0x199: {  	s7 =	sshll.u32 s10, $0x7;
	v49 =	vld [tilespmem:s8+$0x0];
	v4 =	vperm.xlane v2, v0;
	s10 =	rddreg [dreg:$0x1d];
	[tilespmem:v47+s12+$0x0] =	vst.idx.msk vm0, v6  }
0x19a: {  	s0 =	sadd.s32 $0x80, s26;
	v16 =	vor.u32 s7, v1;
	s13 =	rddreg [dreg:$0x4]  }
0x19b: {  	v9 =	vmax.f32 v10, v46;
	v6 =	vor.u32 s0, v1;
	v2 =	vmax.f32 v2, v4;
	s1 =	sshll.u32 s13, $0x7  }
0x19c: {  	s11 =	sadd.s32 $0x80, s7;
	v4 =	vperm.xlane v9, v0;
	[tilespmem:v3+s12+$0x0] =	vst.idx.msk vm0, v2;
	v3 =	vmax.f32 v7, v5;
	v5 =	vor.u32 s1, v1  }
0x19d: {  	v8 =	vmax.f32 v48, v8;
	v17 =	vld [tilespmem:s9+$0x0];
	v2 =	vor.u32 s11, v1;
	v7 =	vperm.xlane v3, v0  }
0x19e: {  	v11 =	vmax.f32 v11, v49;
	v10 =	vld [tilespmem:s10+$0x0];
	v4 =	vmax.f32 v9, v4;
	v9 =	vperm.xlane v8, v0  }
0x19f: {  	[tilespmem:v16+s12+$0x0] =	vst.idx.msk vm0, v4;
	v3 =	vmax.f32 v3, v7;
	v7 =	vperm.xlane v11, v0  }
0x1a0: {  	[tilespmem:v6+s12+$0x0] =	vst.idx.msk vm0, v3;
	v3 =	vmax.f32 v8, v9  }
0x1a1: {  	s14 =	sadd.s32 $0x80, s1;
	[tilespmem:v5+s12+$0x0] =	vst.idx.msk vm0, v3;
	v3 =	vmax.f32 v11, v7  }
0x1a2: {  	v4 =	vor.u32 s14, v1;
	s2 =	sld [smem:$0x7F3];
	[tilespmem:v2+s12+$0x0] =	vst.idx.msk vm0, v3  }
0x1a3: {  	v10 =	vmax.f32 v17, v10;
	s16 =	sld [smem:$0x7F2]  }
0x1a4: {  	v6 =	vperm.xlane v10, v0  }
0x1a5: {  	s15 =	smul.u32 $0x700, s2  }
0x1a6: {  	s17 =	rddreg [dreg:$0x1];
	v2 =	vmax.f32 v10, v6;
	p0 =	seq.s32 s16, $0xB  }
0x1a7: {  	s18 =	simm.s32 $0x0;
	[tilespmem:v4+s12+$0x0] =	vst.idx.msk vm0, v2;
	s0 =	sadd.s32 s17, s15;
	s1 =	smul.u32 @!p0 $0xE000, s2  }
0x1a8: {  	[hbm4b:s0+s18] =	stream.linear.scatter [tilespmem:s12], [sflag:$0x3], $0x3800, $0x38;
	[tilespmem:$0x1F800] =	vst v63  }
0x1a9: {  	s0 =	sshrl.u32 @!p0 s1, $0x3;
	s1 =	rddreg [dreg:$0x0]  }
0x1aa: {  	s0 =	sadd.s32 @!p0 s1, s0  }
0x1ab: {  	s19 =	simm.s32 $0x2;
	s1 =	simm.s32 @!p0 $0x0;
	s0 =	sadd.s32 @!p0 $0x3800, s0  }
0x1ac: {  	[tilespmem:s1], [sflag:$0x1] =	stream.linear.gather @!p0 [hbm4b:s0+s1], $0xE000, $0x38;
	[tilespmem:$0x1F800] =	vst v63  }
0x1ad: {  	_ =	swait.ge [sflag:s19], $0xE000  }
0x1ae: {  	[sflag:s19] =	ssyncset.done $0x0  }
0x1af: {  	s21 =	simm.s32 $0x3;
	s20 =	simm.s32 $0x0;
	[sflag:s19] =	ssyncadd.s32 $0xFFFF2000  }
0x1b0: {  	s22 =	simm.s32 $0x100;
	s23 =	sand.u32 $0xF800, s20;
	_ =	swait.ge [sflag:s21], $0x3800  }
0x1b1: {  	s1 =	sadd.s32 $0xE000, s23;
	s0 =	sand.u32 $0x300, s22;
	[sflag:s21] =	ssyncset.done $0x0  }
0x1b2: {  	s24 =	sor.u32 s0, s1;
	[sflag:s21] =	ssyncadd.s32 $0xFFFFC800  }
0x1b3: {  	v2 =	vld [tilespmem:s24+$0x0]  }
0x1b4: {  	v3 =	vld [tilespmem:s24+$0x80]  }
0x1b5: {  	s25 =	simm.s32 $0x0  }
0x1b6: {  	s0 =	sand.u32 $0x200, s25  }
0x1b7: {  	s26 =	sor.u32 s0, s1  }
0x1b8: {  	v4 =	vld [tilespmem:s26+$0x0]  }
0x1b9: {  	v2 =	vmax.f32 v2, v3;
	v3 =	vld [tilespmem:s26+$0x80]  }
0x1ba: {  	v5 =	vperm.xlane v2, v0;
	_ =	sdelay $0x1  }
0x1bb: {  	s0 =	simm.s32 $0x0;
	v2 =	vmax.f32 v2, v5  }
0x1bc: {  	[tilespmem:s0+$0x1C080] =	vst.msk vm0, v2  }
0x1bd: {  	v2 =	vld [tilespmem:s24+$0x10];
	v3 =	vmax.f32 v4, v3  }
0x1be: {  	v4 =	vld [tilespmem:s24+$0x90];
	v5 =	vperm.xlane v3, v0;
	_ =	sdelay $0x1  }
0x1bf: {  	v3 =	vmax.f32 v3, v5  }
0x1c0: {  	[tilespmem:s0+$0x1C000] =	vst.msk vm0, v3  }
0x1c1: {  	v3 =	vld [tilespmem:s26+$0x10]  }
0x1c2: {  	v2 =	vmax.f32 v2, v4;
	v4 =	vld [tilespmem:s26+$0x90]  }
0x1c3: {  	v5 =	vperm.xlane v2, v0;
	_ =	sdelay $0x1  }
0x1c4: {  	v2 =	vmax.f32 v2, v5  }
0x1c5: {  	[tilespmem:s0+$0x1C088] =	vst.msk vm0, v2  }
0x1c6: {  	v2 =	vld [tilespmem:s24+$0x20];
	v3 =	vmax.f32 v3, v4  }
0x1c7: {  	v4 =	vld [tilespmem:s24+$0xA0];
	v5 =	vperm.xlane v3, v0;
	_ =	sdelay $0x1  }
0x1c8: {  	v3 =	vmax.f32 v3, v5  }
0x1c9: {  	[tilespmem:s0+$0x1C008] =	vst.msk vm0, v3  }
0x1ca: {  	v3 =	vld [tilespmem:s26+$0x20]  }
0x1cb: {  	v5 =	vld [tilespmem:s26+$0xA0];
	v2 =	vmax.f32 v2, v4  }
0x1cc: {  	v4 =	vperm.xlane v2, v0;
	_ =	sdelay $0x1  }
0x1cd: {  	v2 =	vmax.f32 v2, v4  }
0x1ce: {  	[tilespmem:s0+$0x1C090] =	vst.msk vm0, v2  }
0x1cf: {  	v2 =	vmax.f32 v3, v5;
	v3 =	vld [tilespmem:s24+$0x30]  }
0x1d0: {  	v5 =	vld [tilespmem:s24+$0xB0];
	v4 =	vperm.xlane v2, v0;
	_ =	sdelay $0x1  }
0x1d1: {  	v2 =	vmax.f32 v2, v4  }
0x1d2: {  	[tilespmem:s0+$0x1C010] =	vst.msk vm0, v2  }
0x1d3: {  	v2 =	vld [tilespmem:s26+$0x30]  }
0x1d4: {  	v4 =	vld [tilespmem:s26+$0xB0];
	v3 =	vmax.f32 v3, v5  }
0x1d5: {  	v5 =	vperm.xlane v3, v0;
	_ =	sdelay $0x1  }
0x1d6: {  	v3 =	vmax.f32 v3, v5  }
0x1d7: {  	[tilespmem:s0+$0x1C098] =	vst.msk vm0, v3  }
0x1d8: {  	v2 =	vmax.f32 v2, v4;
	v3 =	vld [tilespmem:s24+$0x40]  }
0x1d9: {  	v5 =	vld [tilespmem:s24+$0xC0];
	v4 =	vperm.xlane v2, v0;
	_ =	sdelay $0x1  }
0x1da: {  	v2 =	vmax.f32 v2, v4  }
0x1db: {  	[tilespmem:s0+$0x1C018] =	vst.msk vm0, v2  }
0x1dc: {  	s2 =	simm.s32 $0x400;
	v2 =	vld [tilespmem:s26+$0x40]  }
0x1dd: {  	s6 =	simm.s32 $0x300;
	s1 =	sand.u32 $0xF800, s2;
	v4 =	vld [tilespmem:s26+$0xC0];
	v3 =	vmax.f32 v3, v5  }
0x1de: {  	s8 =	sand.u32 $0x300, s6;
	s7 =	sadd.s32 $0xE000, s1;
	v5 =	vperm.xlane v3, v0  }
0x1df: {  	s1 =	sor.u32 s8, s7  }
0x1e0: {  	v6 =	vld [tilespmem:s1+$0x0];
	v3 =	vmax.f32 v3, v5  }
0x1e1: {  	v5 =	vld [tilespmem:s1+$0x80];
	[tilespmem:s0+$0x1C0A0] =	vst.msk vm0, v3  }
0x1e2: {  	s9 =	simm.s32 $0x200;
	v2 =	vmax.f32 v2, v4;
	v3 =	vld [tilespmem:s24+$0x50]  }
0x1e3: {  	s2 =	sand.u32 $0x200, s9;
	v7 =	vld [tilespmem:s24+$0xD0];
	v4 =	vperm.xlane v2, v0  }
0x1e4: {  	s2 =	sor.u32 s2, s7  }
0x1e5: {  	v2 =	vmax.f32 v2, v4;
	v4 =	vld [tilespmem:s2+$0x0]  }
0x1e6: {  	[tilespmem:s0+$0x1C020] =	vst.msk vm0, v2;
	v2 =	vmax.f32 v6, v5;
	v5 =	vld [tilespmem:s2+$0x80]  }
0x1e7: {  	v6 =	vperm.xlane v2, v0;
	v8 =	vld [tilespmem:s26+$0x50]  }
0x1e8: {  	v3 =	vmax.f32 v3, v7;
	v7 =	vld [tilespmem:s26+$0xD0]  }
0x1e9: {  	s17 =	simm.s32 $0x100;
	v2 =	vmax.f32 v2, v6;
	v6 =	vperm.xlane v3, v0  }
0x1ea: {  	[tilespmem:s17+$0x1C080] =	vst.msk vm0, v2  }
0x1eb: {  	v2 =	vld [tilespmem:s1+$0x10];
	v3 =	vmax.f32 v3, v6;
	v4 =	vmax.f32 v4, v5  }
0x1ec: {  	v5 =	vld [tilespmem:s1+$0x90];
	[tilespmem:s0+$0x1C0A8] =	vst.msk vm0, v3;
	v3 =	vperm.xlane v4, v0  }
0x1ed: {  	v7 =	vmax.f32 v8, v7;
	v6 =	vld [tilespmem:s24+$0x60]  }
0x1ee: {  	v8 =	vld [tilespmem:s24+$0xE0];
	v3 =	vmax.f32 v4, v3;
	v4 =	vperm.xlane v7, v0  }
0x1ef: {  	[tilespmem:s17+$0x1C000] =	vst.msk vm0, v3  }
0x1f0: {  	v3 =	vld [tilespmem:s2+$0x10];
	v4 =	vmax.f32 v7, v4  }
0x1f1: {  	v2 =	vmax.f32 v2, v5;
	v5 =	vld [tilespmem:s2+$0x90];
	[tilespmem:s0+$0x1C028] =	vst.msk vm0, v4  }
0x1f2: {  	v4 =	vperm.xlane v2, v0;
	v7 =	vld [tilespmem:s26+$0x60]  }
0x1f3: {  	v6 =	vmax.f32 v6, v8;
	v8 =	vld [tilespmem:s26+$0xE0]  }
0x1f4: {  	v2 =	vmax.f32 v2, v4;
	v4 =	vperm.xlane v6, v0  }
0x1f5: {  	[tilespmem:s17+$0x1C088] =	vst.msk vm0, v2  }
0x1f6: {  	v2 =	vld [tilespmem:s1+$0x20];
	v4 =	vmax.f32 v6, v4;
	v3 =	vmax.f32 v3, v5  }
0x1f7: {  	v5 =	vld [tilespmem:s1+$0xA0];
	[tilespmem:s0+$0x1C0B0] =	vst.msk vm0, v4;
	v4 =	vperm.xlane v3, v0  }
0x1f8: {  	v6 =	vld [tilespmem:s24+$0x70];
	v7 =	vmax.f32 v7, v8  }
0x1f9: {  	v8 =	vld [tilespmem:s24+$0xF0];
	v3 =	vmax.f32 v3, v4;
	v4 =	vperm.xlane v7, v0  }
0x1fa: {  	[tilespmem:s17+$0x1C008] =	vst.msk vm0, v3  }
0x1fb: {  	v3 =	vld [tilespmem:s2+$0x20];
	v4 =	vmax.f32 v7, v4  }
0x1fc: {  	v7 =	vld [tilespmem:s2+$0xA0];
	v2 =	vmax.f32 v2, v5;
	[tilespmem:s0+$0x1C030] =	vst.msk vm0, v4  }
0x1fd: {  	v4 =	vperm.xlane v2, v0;
	v5 =	vld [tilespmem:s26+$0x70]  }
0x1fe: {  	s3 =	sand.u32 $0x3, s20;
	v9 =	vld [tilespmem:s26+$0xF0];
	v6 =	vmax.f32 v6, v8  }
0x1ff: {  	s3 =	sshll.u32 s3, $0x8;
	v2 =	vmax.f32 v2, v4;
	v4 =	vperm.xlane v6, v0  }
0x200: {  	s3 =	sadd.s32 $0x0, s3;
	[tilespmem:s17+$0x1C090] =	vst.msk vm0, v2  }
0x201: {  	s6 =	sadd.s32 $0x100, s3;
	v2 =	vmax.f32 v3, v7;
	v3 =	vld [tilespmem:s1+$0x30];
	v4 =	vmax.f32 v6, v4  }
0x202: {  	s5 =	sadd.s32 $0x180, s3;
	s10 =	sor.u32 $0x400, s6;
	v7 =	vld [tilespmem:s1+$0xB0];
	v6 =	vperm.xlane v2, v0;
	[tilespmem:s0+$0x1C0B8] =	vst.msk vm0, v4  }
0x203: {  	p1 =	por $0x0, $0x0;
	s3 =	simm.s32 $0x1;
	s11 =	sor.u32 $0x400, s5;
	v4 =	vmax.f32 v5, v9;
	v5 =	vld [tilespmem:s10+$0xE000]  }
0x204: {  	s3 =	simm.s32 @!p1 $0x0;
	v8 =	vld [tilespmem:s11+$0xE000];
	v2 =	vmax.f32 v2, v6;
	v6 =	vperm.xlane v4, v0  }
0x205: {  	s3 =	sshll.u32 s3, $0x9;
	[tilespmem:s17+$0x1C010] =	vst.msk vm0, v2  }
0x206: {  	s3 =	sadd.s32 $0x0, s3;
	v2 =	vmax.f32 v4, v6;
	v4 =	vld [tilespmem:s2+$0x30]  }
0x207: {  	s4 =	sadd.s32 $0x80, s3;
	s13 =	sor.u32 $0x400, s3;
	v3 =	vmax.f32 v3, v7;
	[tilespmem:s0+$0x1C038] =	vst.msk vm0, v2;
	v2 =	vld [tilespmem:s2+$0xB0]  }
0x208: {  	s14 =	sor.u32 $0x400, s4;
	v7 =	vperm.xlane v3, v0;
	v6 =	vld [tilespmem:s13+$0xE000]  }
0x209: {  	v9 =	vld [tilespmem:s14+$0xE000];
	v5 =	vmax.f32 v5, v8  }
0x20a: {  	v3 =	vmax.f32 v3, v7;
	v7 =	vperm.xlane v5, v0  }
0x20b: {  	[tilespmem:s17+$0x1C098] =	vst.msk vm0, v3  }
0x20c: {  	v3 =	vld [tilespmem:s1+$0x40];
	v2 =	vmax.f32 v4, v2;
	v4 =	vmax.f32 v5, v7  }
0x20d: {  	s15 =	sor.u32 $0x410, s6;
	s13 =	simm.s32 $0x800;
	v7 =	vld [tilespmem:s1+$0xC0];
	[tilespmem:s0+$0x1C0C0] =	vst.msk vm0, v4  }
0x20e: {  	s20 =	simm.s32 $0x500;
	s16 =	sor.u32 $0x410, s5;
	s19 =	sand.u32 $0xF800, s13;
	v5 =	vperm.xlane v2, v0;
	v4 =	vmax.f32 v6, v9;
	v6 =	vld [tilespmem:s15+$0xE000]  }
0x20f: {  	s23 =	sand.u32 $0x300, s20;
	s22 =	sadd.s32 $0xE000, s19;
	v8 =	vld [tilespmem:s16+$0xE000]  }
0x210: {  	s23 =	sor.u32 s23, s22;
	v2 =	vmax.f32 v2, v5;
	v5 =	vperm.xlane v4, v0  }
0x211: {  	v10 =	vld [tilespmem:s23+$0x80];
	[tilespmem:s17+$0x1C018] =	vst.msk vm0, v2  }
0x212: {  	v2 =	vld [tilespmem:s2+$0x40];
	v4 =	vmax.f32 v4, v5;
	v3 =	vmax.f32 v3, v7  }
0x213: {  	s18 =	sor.u32 $0x410, s3;
	v5 =	vld [tilespmem:s2+$0xC0];
	[tilespmem:s0+$0x1C040] =	vst.msk vm0, v4;
	v7 =	vperm.xlane v3, v0  }
0x214: {  	s21 =	sor.u32 $0x410, s4;
	v4 =	vld [tilespmem:s18+$0xE000];
	v6 =	vmax.f32 v6, v8  }
0x215: {  	v9 =	vld [tilespmem:s21+$0xE000];
	v3 =	vmax.f32 v3, v7;
	v7 =	vperm.xlane v6, v0  }
0x216: {  	v8 =	vld [tilespmem:s23+$0x0];
	[tilespmem:s17+$0x1C0A0] =	vst.msk vm0, v3  }
0x217: {  	v3 =	vld [tilespmem:s1+$0x50];
	v6 =	vmax.f32 v6, v7  }
0x218: {  	s25 =	sor.u32 $0x420, s6;
	s24 =	simm.s32 $0x400;
	v2 =	vmax.f32 v2, v5;
	v5 =	vld [tilespmem:s1+$0xD0];
	[tilespmem:s0+$0x1C0C8] =	vst.msk vm0, v6  }
0x219: {  	s8 =	sand.u32 $0x200, s24;
	s26 =	sor.u32 $0x420, s5;
	v6 =	vperm.xlane v2, v0;
	v7 =	vld [tilespmem:s25+$0xE000]  }
0x21a: {  	s25 =	sor.u32 s8, s22;
	v4 =	vmax.f32 v4, v9;
	v9 =	vld [tilespmem:s26+$0xE000]  }
0x21b: {  	v8 =	vmax.f32 v8, v10;
	v2 =	vmax.f32 v2, v6;
	v6 =	vperm.xlane v4, v0;
	v11 =	vld [tilespmem:s25+$0x0]  }
0x21c: {  	v10 =	vperm.xlane v8, v0;
	[tilespmem:s17+$0x1C020] =	vst.msk vm0, v2;
	v2 =	vld [tilespmem:s25+$0x80]  }
0x21d: {  	v4 =	vmax.f32 v4, v6;
	v6 =	vld [tilespmem:s2+$0x50];
	v3 =	vmax.f32 v3, v5  }
0x21e: {  	s10 =	sor.u32 $0x420, s3;
	s18 =	simm.s32 $0x200;
	v5 =	vld [tilespmem:s2+$0xD0];
	[tilespmem:s0+$0x1C048] =	vst.msk vm0, v4;
	v4 =	vmax.f32 v8, v10;
	v8 =	vperm.xlane v3, v0  }
0x21f: {  	[tilespmem:s18+$0x1C080] =	vst.msk vm0, v4;
	v4 =	vld [tilespmem:s10+$0xE000];
	v7 =	vmax.f32 v7, v9  }
0x220: {  	v9 =	vld [tilespmem:s23+$0x10];
	v3 =	vmax.f32 v3, v8;
	v8 =	vperm.xlane v7, v0  }
0x221: {  	v10 =	vld [tilespmem:s23+$0x90];
	v2 =	vmax.f32 v11, v2;
	[tilespmem:s17+$0x1C0A8] =	vst.msk vm0, v3  }
0x222: {  	v3 =	vperm.xlane v2, v0;
	v11 =	vld [tilespmem:s1+$0x60];
	v7 =	vmax.f32 v7, v8  }
0x223: {  	s11 =	sor.u32 $0x430, s6;
	v5 =	vmax.f32 v6, v5;
	v6 =	vld [tilespmem:s1+$0xE0];
	[tilespmem:s0+$0x1C0D0] =	vst.msk vm0, v7  }
0x224: {  	s14 =	sor.u32 $0x430, s5;
	v2 =	vmax.f32 v2, v3;
	v3 =	vperm.xlane v5, v0;
	v7 =	vld [tilespmem:s11+$0xE000]  }
0x225: {  	[tilespmem:s18+$0x1C000] =	vst.msk vm0, v2;
	v2 =	vld [tilespmem:s14+$0xE000]  }
0x226: {  	v9 =	vmax.f32 v9, v10;
	v8 =	vld [tilespmem:s25+$0x10];
	v3 =	vmax.f32 v5, v3  }
0x227: {  	v5 =	vld [tilespmem:s25+$0x90];
	v10 =	vperm.xlane v9, v0;
	[tilespmem:s17+$0x1C028] =	vst.msk vm0, v3  }
0x228: {  	v6 =	vmax.f32 v11, v6;
	v3 =	vld [tilespmem:s2+$0x60]  }
0x229: {  	s15 =	sor.u32 $0x420, s4;
	v9 =	vmax.f32 v9, v10;
	v10 =	vld [tilespmem:s2+$0xE0];
	v11 =	vperm.xlane v6, v0  }
0x22a: {  	[tilespmem:s18+$0x1C088] =	vst.msk vm0, v9;
	v9 =	vld [tilespmem:s15+$0xE000];
	v2 =	vmax.f32 v7, v2  }
0x22b: {  	v7 =	vld [tilespmem:s23+$0x20];
	v6 =	vmax.f32 v6, v11;
	v11 =	vperm.xlane v2, v0  }
0x22c: {  	v5 =	vmax.f32 v8, v5;
	v8 =	vld [tilespmem:s23+$0xA0];
	[tilespmem:s17+$0x1C0B0] =	vst.msk vm0, v6  }
0x22d: {  	v6 =	vperm.xlane v5, v0;
	v50 =	vld [tilespmem:s1+$0x70];
	v2 =	vmax.f32 v2, v11  }
0x22e: {  	s16 =	sor.u32 $0x440, s6;
	v3 =	vmax.f32 v3, v10;
	v10 =	vld [tilespmem:s1+$0xF0];
	[tilespmem:s0+$0x1C0D8] =	vst.msk vm0, v2  }
0x22f: {  	s19 =	sor.u32 $0x440, s5;
	v2 =	vmax.f32 v5, v6;
	v5 =	vperm.xlane v3, v0;
	v6 =	vld [tilespmem:s16+$0xE000]  }
0x230: {  	v4 =	vmax.f32 v4, v9;
	[tilespmem:s18+$0x1C008] =	vst.msk vm0, v2;
	v2 =	vld [tilespmem:s19+$0xE000]  }
0x231: {  	v9 =	vperm.xlane v4, v0;
	v11 =	vld [tilespmem:s25+$0x20];
	v3 =	vmax.f32 v3, v5  }
0x232: {  	v5 =	vld [tilespmem:s25+$0xA0];
	[tilespmem:s17+$0x1C030] =	vst.msk vm0, v3  }
0x233: {  	s1 =	simm.s32 $0x2;
	v7 =	vmax.f32 v7, v8;
	v3 =	vmax.f32 v4, v9;
	v8 =	vld [tilespmem:s2+$0x70]  }
0x234: {  	s20 =	sand.u32 $0x3, s1;
	v4 =	vperm.xlane v7, v0;
	v9 =	vmax.f32 v50, v10;
	[tilespmem:s0+$0x1C050] =	vst.msk vm0, v3;
	v3 =	vld [tilespmem:s2+$0xF0]  }
0x235: {  	s21 =	sor.u32 $0x430, s3;
	s22 =	sshll.u32 s20, $0x8;
	v10 =	vperm.xlane v9, v0  }
0x236: {  	s24 =	sor.u32 $0x430, s4;
	s2 =	sadd.s32 $0x400, s22;
	v4 =	vmax.f32 v7, v4;
	v7 =	vld [tilespmem:s21+$0xE000];
	v2 =	vmax.f32 v6, v2  }
0x237: {  	s20 =	sadd.s32 $0x100, s2;
	[tilespmem:s18+$0x1C090] =	vst.msk vm0, v4;
	v4 =	vld [tilespmem:s24+$0xE000];
	v6 =	vmax.f32 v9, v10;
	v9 =	vperm.xlane v2, v0;
	v5 =	vmax.f32 v11, v5  }
0x238: {  	s19 =	sadd.s32 $0x180, s2;
	s26 =	sor.u32 $0x400, s20;
	v10 =	vld [tilespmem:s23+$0x30];
	[tilespmem:s17+$0x1C0B8] =	vst.msk vm0, v6;
	v6 =	vperm.xlane v5, v0  }
0x239: {  	s2 =	sor.u32 $0x400, s19;
	v11 =	vld [tilespmem:s26+$0xE000];
	v2 =	vmax.f32 v2, v9;
	v8 =	vmax.f32 v8, v3  }
0x23a: {  	p1 =	por !p1, !p1;
	s7 =	simm.s32 $0x1;
	v9 =	vld [tilespmem:s2+$0xE000];
	[tilespmem:s0+$0x1C0E0] =	vst.msk vm0, v2;
	v2 =	vmax.f32 v5, v6;
	v5 =	vperm.xlane v8, v0  }
0x23b: {  	s7 =	simm.s32 @!p1 $0x0;
	v51 =	vld [tilespmem:s23+$0xB0];
	[tilespmem:s18+$0x1C010] =	vst.msk vm0, v2  }
0x23c: {  	s8 =	sshll.u32 s7, $0x9;
	v2 =	vmax.f32 v7, v4;
	v4 =	vmax.f32 v8, v5;
	v6 =	vld [tilespmem:s25+$0x30]  }
0x23d: {  	s6 =	sor.u32 $0x450, s6;
	s7 =	sadd.s32 $0x400, s8;
	v5 =	vperm.xlane v2, v0;
	[tilespmem:s17+$0x1C038] =	vst.msk vm0, v4;
	v4 =	vld [tilespmem:s25+$0xB0]  }
0x23e: {  	s2 =	sadd.s32 $0x80, s7;
	v3 =	vld [tilespmem:s6+$0xE000];
	s6 =	sor.u32 $0x400, s7  }
0x23f: {  	s9 =	sor.u32 $0x400, s2;
	v2 =	vmax.f32 v2, v5;
	v5 =	vld [tilespmem:s6+$0xE000];
	v7 =	vmax.f32 v11, v9  }
0x240: {  	s10 =	sor.u32 $0x440, s3;
	[tilespmem:s0+$0x1C058] =	vst.msk vm0, v2;
	v2 =	vld [tilespmem:s9+$0xE000];
	v8 =	vperm.xlane v7, v0  }
0x241: {  	s11 =	sor.u32 $0x440, s4;
	v9 =	vmax.f32 v10, v51;
	v10 =	vld [tilespmem:s10+$0xE000]  }
0x242: {  	s5 =	sor.u32 $0x450, s5;
	v11 =	vperm.xlane v9, v0;
	v52 =	vld [tilespmem:s11+$0xE000];
	v7 =	vmax.f32 v7, v8;
	v4 =	vmax.f32 v6, v4  }
0x243: {  	s14 =	sor.u32 $0x410, s20;
	v8 =	vld [tilespmem:s5+$0xE000];
	[tilespmem:s17+$0x1C0C0] =	vst.msk vm0, v7;
	v7 =	vperm.xlane v4, v0  }
0x244: {  	s15 =	sor.u32 $0x410, s19;
	v6 =	vmax.f32 v9, v11;
	v9 =	vld [tilespmem:s14+$0xE000]  }
0x245: {  	[tilespmem:s18+$0x1C098] =	vst.msk vm0, v6;
	v2 =	vmax.f32 v5, v2;
	v5 =	vld [tilespmem:s15+$0xE000];
	v4 =	vmax.f32 v4, v7  }
0x246: {  	s4 =	sor.u32 $0x450, s4;
	v6 =	vld [tilespmem:s23+$0x40];
	v7 =	vperm.xlane v2, v0;
	[tilespmem:s18+$0x1C018] =	vst.msk vm0, v4  }
0x247: {  	p1 =	por !p1, !p1;
	v11 =	vld [tilespmem:s23+$0xC0];
	v4 =	vmax.f32 v10, v52;
	[dreg:$0x3] =	wrdreg s4  }
0x248: {  	s3 =	sor.u32 $0x450, s3;
	s16 =	sor.u32 $0x410, s7;
	s21 =	sor.u32 $0x410, s2;
	v2 =	vmax.f32 v2, v7;
	v7 =	vperm.xlane v4, v0;
	v10 =	vld [tilespmem:s25+$0x40]  }
0x249: {  	s22 =	sor.u32 $0x420, s2;
	s11 =	sor.u32 $0x430, s2;
	s15 =	simm.s32 $0xC00;
	v53 =	vld [tilespmem:s25+$0xC0];
	[tilespmem:s17+$0x1C040] =	vst.msk vm0, v2  }
0x24a: {  	s10 =	sor.u32 $0x440, s7;
	s5 =	simm.s32 $0x700;
	s24 =	sand.u32 $0xF800, s15;
	v54 =	vld [tilespmem:s16+$0xE000];
	v2 =	vmax.f32 v4, v7;
	v4 =	vmax.f32 v9, v5  }
0x24b: {  	s26 =	sand.u32 $0x300, s5;
	s14 =	sor.u32 $0x440, s2;
	s8 =	sadd.s32 $0xE000, s24;
	v5 =	vld [tilespmem:s21+$0xE000];
	[tilespmem:s0+$0x1C060] =	vst.msk vm0, v2;
	v7 =	vperm.xlane v4, v0  }
0x24c: {  	s2 =	sor.u32 $0x450, s2;
	s6 =	sor.u32 s26, s8;
	v2 =	vld [tilespmem:s3+$0xE000];
	[dreg:$0xc] =	wrdreg s10  }
0x24d: {  	s4 =	sor.u32 $0x420, s7;
	v6 =	vmax.f32 v6, v11;
	s0 =	simm.s32 $0x1;
	v11 =	vld [tilespmem:s6+$0x0];
	v4 =	vmax.f32 v4, v7;
	[dreg:$0xe] =	wrdreg s14  }
0x24e: {  	s21 =	sor.u32 $0x430, s7;
	s7 =	sor.u32 $0x450, s7;
	v9 =	vperm.xlane v6, v0;
	s0 =	simm.s32 @!p1 $0x0;
	[tilespmem:s17+$0x1C0C8] =	vst.msk vm0, v4  }
0x24f: {  	s16 =	sor.u32 $0x420, s20;
	s0 =	sshll.u32 s0, $0x9;
	v7 =	vld [tilespmem:s6+$0x80];
	[dreg:$0x11] =	wrdreg s7  }
0x250: {  	s26 =	simm.s32 $0x600;
	v4 =	vmax.f32 v6, v9;
	s0 =	sadd.s32 $0x800, s0;
	v6 =	vld [tilespmem:s16+$0xE000];
	[dreg:$0x6] =	wrdreg s2  }
0x251: {  	s24 =	sor.u32 $0x420, s19;
	s7 =	sor.u32 $0x400, s0;
	s2 =	sand.u32 $0x200, s26;
	[tilespmem:s18+$0x1C0A0] =	vst.msk vm0, v4  }
0x252: {  	v4 =	vld [tilespmem:s24+$0xE000];
	s3 =	sor.u32 s2, s8;
	s8 =	sor.u32 $0x420, s0;
	[smem:$0x7EB] =	sst s7  }
0x253: {  	v9 =	vmax.f32 v10, v53;
	v55 =	vld [tilespmem:s23+$0x50];
	[dreg:$0x1a] =	wrdreg s8  }
0x254: {  	s9 =	sadd.s32 $0x80, s0;
	v10 =	vperm.xlane v9, v0;
	s29 =	sor.u32 $0x430, s0;
	s10 =	sor.u32 $0x440, s0;
	v56 =	vld [tilespmem:s23+$0xD0]  }
0x255: {  	v5 =	vmax.f32 v54, v5;
	s7 =	sor.u32 $0x410, s0;
	s0 =	sor.u32 $0x450, s0;
	v57 =	vld [tilespmem:s3+$0x0];
	[dreg:$0x14] =	wrdreg s10  }
0x256: {  	v9 =	vmax.f32 v9, v10;
	v10 =	vperm.xlane v5, v0;
	[dreg:$0x8] =	wrdreg s0  }
0x257: {  	s16 =	sor.u32 $0x400, s9;
	v7 =	vmax.f32 v11, v7;
	[tilespmem:s18+$0x1C020] =	vst.msk vm0, v9;
	v9 =	vld [tilespmem:s3+$0x80]  }
0x258: {  	v5 =	vmax.f32 v5, v10;
	v11 =	vperm.xlane v7, v0;
	v10 =	vld [tilespmem:s25+$0x50];
	[smem:$0x7EC] =	sst s16  }
0x259: {  	p1 =	por !p1, !p1;
	s2 =	simm.s32 $0x1;
	s24 =	sor.u32 $0x420, s9;
	[tilespmem:s17+$0x1C048] =	vst.msk vm0, v5  }
0x25a: {  	s26 =	sor.u32 $0x430, s9;
	s2 =	simm.s32 @!p1 $0x0;
	v5 =	vmax.f32 v7, v11;
	v7 =	vld [tilespmem:s25+$0xD0];
	[dreg:$0x1c] =	wrdreg s24  }
0x25b: {  	s14 =	sshll.u32 s2, $0x9;
	s2 =	sor.u32 $0x440, s9;
	v6 =	vmax.f32 v6, v4;
	[dreg:$0x18] =	wrdreg s26  }
0x25c: {  	s8 =	sor.u32 $0x450, s9;
	v11 =	vperm.xlane v6, v0;
	v4 =	vld [tilespmem:s4+$0xE000];
	[dreg:$0x16] =	wrdreg s2  }
0x25d: {  	s28 =	simm.s32 $0x300;
	[dreg:$0xa] =	wrdreg s8  }
0x25e: {  	s0 =	sadd.s32 $0xC00, s14;
	[tilespmem:s28+$0x1C080] =	vst.msk vm0, v5;
	v5 =	vmax.f32 v6, v11  }
0x25f: {  	s31 =	sor.u32 $0x400, s0;
	s10 =	sor.u32 $0x410, s0;
	s14 =	sor.u32 $0x420, s0;
	v58 =	vld [tilespmem:s6+$0x10];
	[tilespmem:s17+$0x1C0D0] =	vst.msk vm0, v5  }
0x260: {  	s16 =	sadd.s32 $0x80, s0;
	s24 =	sor.u32 $0x430, s20;
	v12 =	vmax.f32 v55, v56;
	v59 =	vld [tilespmem:s6+$0x90];
	[smem:$0x7ED] =	sst s10  }
0x261: {  	s26 =	sor.u32 $0x440, s0;
	s2 =	sor.u32 $0x430, s19;
	v14 =	vperm.xlane v12, v0;
	[dreg:$0x1e] =	wrdreg s14  }
0x262: {  	s14 =	sor.u32 $0x430, s0;
	s0 =	sor.u32 $0x450, s0;
	v5 =	vld [tilespmem:s24+$0xE000];
	[smem:$0x7EE] =	sst s26  }
0x263: {  	v3 =	vmax.f32 v3, v8;
	s30 =	sor.u32 $0x410, s9;
	s9 =	simm.s32 $0x80;
	v8 =	vmax.f32 v12, v14;
	v6 =	vld [tilespmem:s2+$0xE000];
	[dreg:$0x10] =	wrdreg s0  }
0x264: {  	s4 =	sor.u32 $0x440, s16;
	v11 =	vor.u32 s9, v1;
	v9 =	vmax.f32 v57, v9;
	[tilespmem:s18+$0x1C0A8] =	vst.msk vm0, v8  }
0x265: {  	v60 =	vperm.xlane v9, v0;
	v62 =	vmax.f32 v10, v7;
	s24 =	sor.u32 $0x450, s16;
	v7 =	vld [tilespmem:s23+$0x60];
	[smem:$0x7EF] =	sst s4  }
0x266: {  	v61 =	vperm.xlane v3, v0;
	[dreg:$0x1b] =	wrdreg s24  }
0x267: {  	s8 =	sor.u32 $0x430, s16;
	s9 =	sor.u32 $0x400, s16;
	s10 =	sor.u32 $0x420, s16;
	v9 =	vmax.f32 v9, v60;
	v63 =	vperm.xlane v62, v0;
	v8 =	vld [tilespmem:s23+$0xE0]  }
0x268: {  	v10 =	vmax.f32 v3, v61;
	s26 =	simm.s32 $0x0;
	s0 =	sor.u32 $0x410, s16;
	s16 =	simm.s32 $0x6;
	[tilespmem:s28+$0x1C000] =	vst.msk vm0, v9  }
0x269: {  	v3 =	vor.u32 s26, v1;
	s26 =	simm.s32 $0x2;
	s24 =	simm.s32 $0x4;
	s4 =	simm.s32 $0x8;
	[tilespmem:v11+s12+$0x0] =	vst.idx.msk vm0, v10;
	v11 =	vmax.f32 v58, v59;
	v9 =	vmax.f32 v62, v63;
	v10 =	vld [tilespmem:s3+$0x10]  }
.LBB2_5:
0x26a: {  	_ = 	snop  }
0x26b: {  	v12 =	vld [tilespmem:s3+$0x90];
	v13 =	vperm.xlane v11, v0;
	[tilespmem:s18+$0x1C028] =	vst.msk vm0, v9  }
0x26c: {  	v9 =	vld [tilespmem:s25+$0x60];
	v7 =	vmax.f32 v7, v8  }
0x26d: {  	v8 =	vmax.f32 v11, v13;
	v11 =	vld [tilespmem:s25+$0xE0];
	v47 =	vperm.xlane v7, v0  }
0x26e: {  	[tilespmem:s28+$0x1C088] =	vst.msk vm0, v8;
	v8 =	vld [tilespmem:s22+$0xE000];
	v5 =	vmax.f32 v5, v6  }
0x26f: {  	v6 =	vld [tilespmem:s6+$0x20];
	v7 =	vmax.f32 v7, v47;
	v48 =	vperm.xlane v5, v0  }
0x270: {  	s2 =	rddreg [dreg:$0x1c];
	v49 =	vld [tilespmem:s6+$0xA0];
	v10 =	vmax.f32 v10, v12;
	[tilespmem:s18+$0x1C0B0] =	vst.msk vm0, v7  }
0x271: {  	s12 =	smov.u32 s2;
	v7 =	vperm.xlane v10, v0;
	v14 =	vld [tilespmem:s23+$0x70];
	v5 =	vmax.f32 v5, v48  }
0x272: {  	[smem:$0x7EA] =	sst s12;
	s12 =	sor.u32 $0x440, s20;
	s22 =	smov.u32 s10;
	v9 =	vmax.f32 v9, v11;
	v11 =	vld [tilespmem:s23+$0xF0];
	[tilespmem:s17+$0x1C0D8] =	vst.msk vm0, v5  }
0x273: {  	[dreg:$0x1c] =	wrdreg s22;
	s22 =	sor.u32 $0x440, s19;
	v5 =	vmax.f32 v10, v7;
	v7 =	vperm.xlane v9, v0;
	v4 =	vmax.f32 v4, v8;
	v8 =	vld [tilespmem:s12+$0xE000]  }
0x274: {  	s1 =	sadd.s32 $0x2, s1;
	[tilespmem:s28+$0x1C008] =	vst.msk vm0, v5;
	v5 =	vperm.xlane v4, v0;
	v10 =	vld [tilespmem:s22+$0xE000]  }
0x275: {  	s2 =	sand.u32 $0x3, s1;
	v50 =	vld [tilespmem:s3+$0x20];
	v7 =	vmax.f32 v9, v7  }
0x276: {  	s10 =	sshll.u32 s2, $0x8;
	v6 =	vmax.f32 v6, v49;
	v9 =	vld [tilespmem:s3+$0xA0];
	[tilespmem:s18+$0x1C030] =	vst.msk vm0, v7;
	v4 =	vmax.f32 v4, v5  }
0x277: {  	s2 =	smov.u32 s14;
	s23 =	smov.u32 s6;
	s6 =	rddreg [dreg:$0x3];
	v5 =	vperm.xlane v6, v0;
	v7 =	vld [tilespmem:s25+$0x70];
	[tilespmem:s17+$0x1C050] =	vst.msk vm0, v4  }
0x278: {  	s14 =	smov.u32 s8;
	s8 =	smov.u32 s31;
	s12 =	rddreg [dreg:$0x18];
	v11 =	vmax.f32 v14, v11;
	v4 =	vld [tilespmem:s25+$0xF0]  }
0x279: {  	[dreg:$0x18] =	wrdreg s14;
	s14 =	sshll.u32 s26, $0x7;
	s26 =	smov.u32 s16;
	v5 =	vmax.f32 v6, v5;
	v6 =	vperm.xlane v11, v0;
	v51 =	vld [tilespmem:s21+$0xE000];
	v8 =	vmax.f32 v8, v10  }
0x27a: {  	s16 =	sld [smem:$0x7EB];
	s25 =	smov.u32 s3;
	s3 =	sadd.s32 s13, s10;
	[tilespmem:s28+$0x1C090] =	vst.msk vm0, v5;
	v5 =	vld [tilespmem:s11+$0xE000];
	v10 =	vperm.xlane v8, v0  }
0x27b: {  	[smem:$0x7EB] =	sst s8;
	s13 =	sadd.s32 $0x100, s3;
	v9 =	vmax.f32 v50, v9;
	v52 =	vld [tilespmem:s23+$0x30];
	v6 =	vmax.f32 v11, v6  }
0x27c: {  	s8 =	sld [smem:$0x7EE];
	v53 =	vld [tilespmem:s23+$0xB0];
	s10 =	sor.u32 $0x400, s13;
	v11 =	vperm.xlane v9, v0;
	[tilespmem:s18+$0x1C0B8] =	vst.msk vm0, v6;
	v6 =	vmax.f32 v8, v10  }
0x27d: {  	s11 =	smov.u32 s12;
	s12 =	sor.u32 $0x450, s20;
	s20 =	smov.u32 s13;
	v4 =	vmax.f32 v7, v4;
	v7 =	vld [tilespmem:s10+$0xE000];
	[tilespmem:s17+$0x1C0E0] =	vst.msk vm0, v6  }
0x27e: {  	s13 =	sor.u32 $0x450, s19;
	s19 =	sadd.s32 $0x180, s3;
	v6 =	vmax.f32 v9, v11;
	s10 =	sld [smem:$0x7EC];
	v8 =	vperm.xlane v4, v0;
	v9 =	vld [tilespmem:s12+$0xE000]  }
0x27f: {  	s3 =	sor.u32 $0x400, s19;
	[tilespmem:s28+$0x1C010] =	vst.msk vm0, v6;
	v5 =	vmax.f32 v51, v5;
	v6 =	vld [tilespmem:s13+$0xE000];
	s13 =	rddreg [dreg:$0xc]  }
0x280: {  	s12 =	smov.u32 s9;
	s9 =	smov.u32 s8;
	s8 =	rddreg [dreg:$0x6];
	v10 =	vperm.xlane v5, v0;
	v4 =	vmax.f32 v4, v8;
	v8 =	vld [tilespmem:s3+$0xE000]  }
0x281: {  	v11 =	vld [tilespmem:s25+$0x30];
	[smem:$0x7EC] =	sst s12;
	[tilespmem:s18+$0x1C038] =	vst.msk vm0, v4  }
0x282: {  	v54 =	vmax.f32 v52, v53;
	s12 =	rddreg [dreg:$0x16];
	s3 =	sadd.s32 $0x80, s14;
	v5 =	vmax.f32 v5, v10;
	v4 =	vld [tilespmem:s25+$0xB0]  }
0x283: {  	v14 =	vperm.xlane v54, v0;
	v10 =	vor.u32 s14, v1;
	s14 =	rddreg [dreg:$0x14];
	v55 =	vld [tilespmem:s16+$0xE000];
	[tilespmem:s17+$0x1C058] =	vst.msk vm0, v5;
	v5 =	vor.u32 s3, v1  }
0x284: {  	v15 =	vld [tilespmem:s10+$0xE000];
	v6 =	vmax.f32 v9, v6;
	s10 =	rddreg [dreg:$0xe]  }
0x285: {  	s16 =	smov.u32 s14;
	v12 =	vmax.f32 v54, v14;
	s14 =	sld [smem:$0x7EF];
	v9 =	vperm.xlane v6, v0;
	v16 =	vld [tilespmem:s10+$0xE000];
	v7 =	vmax.f32 v7, v8  }
0x286: {  	[dreg:$0x14] =	wrdreg s9;
	s9 =	smov.u32 s8;
	[tilespmem:s28+$0x1C098] =	vst.msk vm0, v12;
	v8 =	vld [tilespmem:s13+$0xE000];
	v56 =	vperm.xlane v7, v0  }
0x287: {  	p1 =	por !p1, !p1;
	[dreg:$0x3] =	wrdreg s9;
	s9 =	simm.s32 $0x1C000;
	v12 =	vld [tilespmem:s23+$0x40];
	v6 =	vmax.f32 v6, v9;
	v4 =	vmax.f32 v11, v4  }
0x288: {  	s21 =	smov.u32 s15;
	[dreg:$0xc] =	wrdreg s16;
	s16 =	smov.u32 s14;
	v9 =	vld [tilespmem:s6+$0xE000];
	[tilespmem:v5+s9+$0x0] =	vst.idx.msk vm0, v6;
	v11 =	vperm.xlane v4, v0;
	v7 =	vmax.f32 v7, v56  }
0x289: {  	s15 =	sadd.s32 $0x400, s15;
	[dreg:$0x16] =	wrdreg s16;
	s16 =	sor.u32 $0x410, s20;
	v5 =	vld [tilespmem:s23+$0xC0];
	v6 =	vmax.f32 v55, v15;
	[tilespmem:s18+$0x1C0C0] =	vst.msk vm0, v7  }
0x28a: {  	s10 =	rddreg [dreg:$0xa];
	s13 =	smov.u32 s12;
	s6 =	sor.u32 $0x410, s19;
	v7 =	vperm.xlane v6, v0;
	v4 =	vmax.f32 v4, v11;
	v11 =	vld [tilespmem:s16+$0xE000]  }
0x28b: {  	s5 =	sadd.s32 $0x200, s5;
	s8 =	sand.u32 $0xF800, s15;
	[dreg:$0xe] =	wrdreg s13;
	v8 =	vmax.f32 v8, v16;
	[tilespmem:s28+$0x1C018] =	vst.msk vm0, v4;
	v4 =	vld [tilespmem:s6+$0xE000]  }
0x28c: {  	s3 =	simm.s32 $0x1;
	s12 =	smov.u32 s10;
	s13 =	rddreg [dreg:$0x1b];
	v6 =	vmax.f32 v6, v7;
	v7 =	vperm.xlane v8, v0;
	v57 =	vld [tilespmem:s25+$0x40]  }
0x28d: {  	s3 =	simm.s32 @!p1 $0x0;
	[dreg:$0x6] =	wrdreg s12;
	s14 =	smov.u32 s13;
	v2 =	vmax.f32 v2, v9;
	v9 =	vld [tilespmem:s25+$0xC0];
	[tilespmem:s18+$0x1C040] =	vst.msk vm0, v6  }
0x28e: {  	s3 =	sshll.u32 s3, $0x9;
	s12 =	sand.u32 $0x300, s5;
	[dreg:$0xa] =	wrdreg s14;
	v6 =	vperm.xlane v2, v0;
	v5 =	vmax.f32 v12, v5;
	v58 =	vld [tilespmem:s7+$0xE000];
	v7 =	vmax.f32 v8, v7  }
0x28f: {  	s14 =	rddreg [dreg:$0x11];
	s16 =	sadd.s32 s15, s3;
	s3 =	sadd.s32 $0xE000, s8;
	v59 =	vld [tilespmem:s30+$0xE000];
	v8 =	vperm.xlane v5, v0;
	[tilespmem:s17+$0x1C060] =	vst.msk vm0, v7  }
0x290: {  	s10 =	sadd.s32 $0xFFFFFF00, s5;
	s6 =	sor.u32 s12, s3;
	s7 =	sor.u32 $0x440, s16;
	v6 =	vmax.f32 v2, v6;
	v2 =	vld [tilespmem:s14+$0xE000];
	v4 =	vmax.f32 v11, v4  }
0x291: {  	s13 =	sand.u32 $0x200, s10;
	s17 =	sadd.s32 $0x80, s16;
	[smem:$0x7EE] =	sst s7;
	[tilespmem:v3+s9+$0x0] =	vst.idx.msk vm0, v6;
	v6 =	vld [tilespmem:s6+$0x0];
	v5 =	vmax.f32 v5, v8;
	v7 =	vperm.xlane v4, v0  }
0x292: {  	s9 =	sor.u32 $0x400, s17;
	s12 =	sor.u32 $0x410, s17;
	s10 =	sor.u32 $0x420, s17;
	v8 =	vld [tilespmem:s6+$0x80];
	[tilespmem:s28+$0x1C0A0] =	vst.msk vm0, v5  }
0x293: {  	v3 =	vmov v10;
	s8 =	sor.u32 $0x430, s17;
	s7 =	sor.u32 $0x440, s17;
	s17 =	sor.u32 $0x450, s17;
	v10 =	vld [tilespmem:s23+$0x50];
	v4 =	vmax.f32 v4, v7  }
0x294: {  	[dreg:$0x1b] =	wrdreg s17;
	s17 =	sor.u32 $0x420, s19;
	v7 =	vld [tilespmem:s23+$0xD0];
	[tilespmem:s18+$0x1C0C8] =	vst.msk vm0, v4  }
0x295: {  	v9 =	vmax.f32 v57, v9;
	v60 =	vld [tilespmem:s17+$0xE000];
	s17 =	sld [smem:$0x7ED]  }
0x296: {  	v5 =	vperm.xlane v9, v0  }
0x297: {  	s30 =	sor.u32 $0x410, s16;
	[smem:$0x7EF] =	sst s7;
	s7 =	sor.u32 $0x420, s20  }
0x298: {  	v4 =	vmax.f32 v9, v5;
	v9 =	vld [tilespmem:s7+$0xE000];
	s7 =	smov.u32 s17;
	s17 =	smov.u32 s30  }
0x299: {  	s30 =	smov.u32 s0;
	s0 =	smov.u32 s12;
	s12 =	rddreg [dreg:$0x8]  }
0x29a: {  	v11 =	vmax.f32 v58, v59;
	[smem:$0x7ED] =	sst s17;
	s17 =	smov.u32 s12  }
0x29b: {  	s3 =	sor.u32 s13, s3;
	v5 =	vperm.xlane v11, v0;
	[tilespmem:s28+$0x1C020] =	vst.msk vm0, v4;
	[dreg:$0x11] =	wrdreg s17  }
0x29c: {  	s31 =	sor.u32 $0x400, s16;
	s13 =	sor.u32 $0x420, s16;
	v61 =	vld [tilespmem:s3+$0x0];
	s17 =	rddreg [dreg:$0x10]  }
0x29d: {  	s14 =	sor.u32 $0x430, s16;
	s16 =	sor.u32 $0x450, s16;
	v4 =	vmax.f32 v6, v8;
	v5 =	vmax.f32 v11, v5;
	v6 =	vld [tilespmem:s3+$0x80];
	s12 =	smov.u32 s17  }
0x29e: {  	v8 =	vperm.xlane v4, v0;
	[tilespmem:s18+$0x1C048] =	vst.msk vm0, v5;
	s17 =	smov.u32 s16;
	[dreg:$0x8] =	wrdreg s12  }
0x29f: {  	v5 =	vld [tilespmem:s25+$0x50];
	v7 =	vmax.f32 v10, v7;
	[dreg:$0x10] =	wrdreg s17;
	s17 =	smov.u32 s18  }
0x2a0: {  	v4 =	vmax.f32 v4, v8;
	v8 =	vld [tilespmem:s25+$0xD0];
	v10 =	vperm.xlane v7, v0;
	s18 =	smov.u32 s28;
	s28 =	sshra.s32 s15, $0x2;
	s12 =	rddreg [dreg:$0x1a]  }
0x2a1: {  	s22 =	smov.u32 s29;
	s29 =	smov.u32 s24;
	s24 =	smov.u32 s4;
	v9 =	vmax.f32 v9, v60;
	[tilespmem:s28+$0x1C080] =	vst.msk vm0, v4;
	v4 =	vld [tilespmem:s12+$0xE000]  }
0x2a2: {  	p2 =	slt.u32 s4, $0x6E;
	s16 =	smov.u32 s24;
	v7 =	vmax.f32 v7, v10;
	v10 =	vperm.xlane v9, v0;
	v6 =	vmax.f32 v61, v6;
	v11 =	vld [tilespmem:s6+$0x10]  }
0x2a3: {  	s24 =	smov.u32 s26;
	s26 =	smov.u32 s29;
	v13 =	vperm.xlane v6, v0;
	s12 =	rddreg [dreg:$0x1e];
	v62 =	vld [tilespmem:s6+$0x90];
	[tilespmem:s18+$0x1C0A8] =	vst.msk vm0, v7  }
.Ltmp3:
0x2a4: {  	s29 =	smov.u32 s2;
	v9 =	vmax.f32 v9, v10;
	s2 =	smov.u32 s12;
	v7 =	vld [tilespmem:s23+$0x60];
	(pc) =	sbr.rel @p2 .LBB2_5-.Ltmp3, $4  }
0x2a5: {  	v63 =	vmax.f32 v5, v8;
	v6 =	vmax.f32 v6, v13;
	[dreg:$0x1a] =	wrdreg s2;
	v8 =	vld [tilespmem:s23+$0xE0];
	[tilespmem:s17+$0x1C0D0] =	vst.msk vm0, v9;
	s2 =	sor.u32 $0x430, s20  }
0x2a6: {  	s12 =	smov.u32 s13;
	s13 =	smov.u32 s21;
	v9 =	vperm.xlane v63, v0;
	[tilespmem:s28+$0x1C000] =	vst.msk vm0, v6;
	v5 =	vld [tilespmem:s2+$0xE000]  }
0x2a7: {  	s21 =	smov.u32 s22;
	s22 =	sld [smem:$0x7EA];
	s2 =	sor.u32 $0x430, s19;
	v10 =	vld [tilespmem:s3+$0x10]  }
0x2a8: {  	s4 =	sadd.s32 $0x2, s4;
	[dreg:$0x1e] =	wrdreg s12;
	v6 =	vld [tilespmem:s2+$0xE000];
	v9 =	vmax.f32 v63, v9;
	v11 =	vmax.f32 v11, v62  }
0x2a9: {  	v12 =	vld [tilespmem:s3+$0x90];
	_ =	sdelay $0x3  }
0x2aa: {  	v13 =	vperm.xlane v11, v0  }
0x2ab: {  	v10 =	vmax.f32 v10, v12  }
0x2ac: {  	v11 =	vmax.f32 v11, v13;
	v38 =	vperm.xlane v10, v0  }
0x2ad: {  	[tilespmem:s28+$0x1C088] =	vst.msk vm0, v11  }
0x2ae: {  	v39 =	vld [tilespmem:s6+$0x20];
	v10 =	vmax.f32 v10, v38  }
0x2af: {  	v40 =	vld [tilespmem:s6+$0xA0];
	[tilespmem:s28+$0x1C008] =	vst.msk vm0, v10  }
0x2b0: {  	v10 =	vld [tilespmem:s3+$0x20]  }
0x2b1: {  	v41 =	vld [tilespmem:s3+$0xA0];
	_ =	sdelay $0x2  }
0x2b2: {  	v12 =	vmax.f32 v39, v40  }
0x2b3: {  	v13 =	vperm.xlane v12, v0  }
0x2b4: {  	v10 =	vmax.f32 v10, v41  }
0x2b5: {  	v12 =	vmax.f32 v12, v13;
	v11 =	vperm.xlane v10, v0  }
0x2b6: {  	[tilespmem:s28+$0x1C090] =	vst.msk vm0, v12  }
0x2b7: {  	v12 =	vld [tilespmem:s6+$0x30];
	v10 =	vmax.f32 v10, v11  }
0x2b8: {  	v42 =	vld [tilespmem:s6+$0xB0];
	[tilespmem:s28+$0x1C010] =	vst.msk vm0, v10  }
0x2b9: {  	v10 =	vld [tilespmem:s3+$0x30]  }
0x2ba: {  	v43 =	vld [tilespmem:s3+$0xB0];
	_ =	sdelay $0x2  }
0x2bb: {  	v12 =	vmax.f32 v12, v42  }
0x2bc: {  	v13 =	vperm.xlane v12, v0  }
0x2bd: {  	v10 =	vmax.f32 v10, v43  }
0x2be: {  	v12 =	vmax.f32 v12, v13;
	v11 =	vperm.xlane v10, v0  }
0x2bf: {  	[tilespmem:s28+$0x1C098] =	vst.msk vm0, v12  }
0x2c0: {  	v12 =	vld [tilespmem:s6+$0x40];
	v10 =	vmax.f32 v10, v11  }
0x2c1: {  	v44 =	vld [tilespmem:s6+$0xC0];
	[tilespmem:s28+$0x1C018] =	vst.msk vm0, v10  }
0x2c2: {  	v10 =	vld [tilespmem:s3+$0x40]  }
0x2c3: {  	v45 =	vld [tilespmem:s3+$0xC0];
	_ =	sdelay $0x2  }
0x2c4: {  	v12 =	vmax.f32 v12, v44  }
0x2c5: {  	v13 =	vperm.xlane v12, v0  }
0x2c6: {  	v10 =	vmax.f32 v10, v45  }
0x2c7: {  	v12 =	vmax.f32 v12, v13;
	v11 =	vperm.xlane v10, v0  }
0x2c8: {  	[tilespmem:s28+$0x1C0A0] =	vst.msk vm0, v12  }
0x2c9: {  	v12 =	vld [tilespmem:s6+$0x50];
	v10 =	vmax.f32 v10, v11  }
0x2ca: {  	v46 =	vld [tilespmem:s6+$0xD0];
	[tilespmem:s28+$0x1C020] =	vst.msk vm0, v10  }
0x2cb: {  	v10 =	vld [tilespmem:s3+$0x50]  }
0x2cc: {  	v47 =	vld [tilespmem:s3+$0xD0]  }
0x2cd: {  	[tilespmem:s18+$0x1C028] =	vst.msk vm0, v9  }
0x2ce: {  	v9 =	vld [tilespmem:s25+$0x60]  }
0x2cf: {  	v48 =	vld [tilespmem:s25+$0xE0];
	v12 =	vmax.f32 v12, v46  }
0x2d0: {  	v13 =	vperm.xlane v12, v0  }
0x2d1: {  	v10 =	vmax.f32 v10, v47  }
0x2d2: {  	v12 =	vmax.f32 v12, v13;
	v49 =	vperm.xlane v10, v0  }
0x2d3: {  	v7 =	vmax.f32 v7, v8;
	[tilespmem:s28+$0x1C0A8] =	vst.msk vm0, v12  }
0x2d4: {  	v8 =	vperm.xlane v7, v0;
	v9 =	vmax.f32 v9, v48;
	v50 =	vld [tilespmem:s6+$0x60];
	v10 =	vmax.f32 v10, v49  }
0x2d5: {  	v52 =	vperm.xlane v9, v0;
	v14 =	vld [tilespmem:s6+$0xE0];
	[tilespmem:s28+$0x1C028] =	vst.msk vm0, v10  }
0x2d6: {  	v7 =	vmax.f32 v7, v8;
	v10 =	vld [tilespmem:s3+$0x60]  }
0x2d7: {  	[tilespmem:s18+$0x1C0B0] =	vst.msk vm0, v7;
	v8 =	vmax.f32 v9, v52;
	v51 =	vld [tilespmem:s3+$0xE0]  }
0x2d8: {  	v54 =	vld [tilespmem:s23+$0x70];
	[tilespmem:s18+$0x1C030] =	vst.msk vm0, v8  }
0x2d9: {  	v8 =	vld [tilespmem:s25+$0x70]  }
0x2da: {  	v58 =	vld [tilespmem:s25+$0xF0];
	v53 =	vmax.f32 v50, v14  }
0x2db: {  	v56 =	vld [tilespmem:s23+$0xF0];
	v55 =	vperm.xlane v53, v0  }
0x2dc: {  	v57 =	vmax.f32 v10, v51  }
0x2dd: {  	v7 =	vmax.f32 v53, v55;
	v59 =	vperm.xlane v57, v0  }
0x2de: {  	[tilespmem:s28+$0x1C0B0] =	vst.msk vm0, v7  }
0x2df: {  	s1 =	sadd.s32 $0x2, s1;
	v8 =	vmax.f32 v8, v58;
	v60 =	vld [tilespmem:s6+$0x70];
	v7 =	vmax.f32 v57, v59  }
0x2e0: {  	s4 =	sand.u32 $0x3, s1;
	v62 =	vmax.f32 v54, v56;
	v18 =	vperm.xlane v8, v0;
	v61 =	vld [tilespmem:s6+$0xF0];
	[tilespmem:s28+$0x1C030] =	vst.msk vm0, v7  }
0x2e1: {  	s4 =	sshll.u32 s4, $0x8;
	v63 =	vperm.xlane v62, v0;
	v16 =	vld [tilespmem:s3+$0x70]  }
0x2e2: {  	s4 =	sadd.s32 s13, s4;
	v8 =	vmax.f32 v8, v18;
	v17 =	vld [tilespmem:s3+$0xF0]  }
0x2e3: {  	s5 =	sadd.s32 $0x2, s1;
	s1 =	sadd.s32 $0x180, s4;
	[tilespmem:s18+$0x1C038] =	vst.msk vm0, v8;
	v7 =	vmax.f32 v62, v63  }
0x2e4: {  	s2 =	sand.u32 $0x3, s5;
	s12 =	sor.u32 $0x400, s1;
	[tilespmem:s18+$0x1C0B8] =	vst.msk vm0, v7  }
0x2e5: {  	v19 =	vmax.f32 v60, v61;
	s3 =	sadd.s32 $0x100, s4;
	s4 =	sshll.u32 s2, $0x8;
	s2 =	sld [smem:$0x7EB]  }
0x2e6: {  	v21 =	vperm.xlane v19, v0;
	s6 =	sor.u32 $0x400, s3;
	v22 =	vld [tilespmem:s12+$0xE000];
	s13 =	sadd.s32 s15, s4;
	s15 =	sld [smem:$0x7EC]  }
0x2e7: {  	v20 =	vld [tilespmem:s6+$0xE000];
	v23 =	vmax.f32 v16, v17  }
0x2e8: {  	v7 =	vmax.f32 v19, v21;
	s4 =	sadd.s32 $0x100, s13;
	v8 =	vld [tilespmem:s2+$0xE000];
	v25 =	vperm.xlane v23, v0  }
0x2e9: {  	[tilespmem:s28+$0x1C0B8] =	vst.msk vm0, v7;
	s23 =	sor.u32 $0x400, s4;
	v24 =	vld [tilespmem:s15+$0xE000];
	s2 =	sadd.s32 $0x180, s13  }
0x2ea: {  	v26 =	vld [tilespmem:s23+$0xE000];
	s25 =	sor.u32 $0x400, s2;
	v7 =	vmax.f32 v23, v25  }
0x2eb: {  	v27 =	vld [tilespmem:s25+$0xE000];
	[tilespmem:s28+$0x1C038] =	vst.msk vm0, v7  }
0x2ec: {  	v7 =	vld [tilespmem:s31+$0xE000]  }
0x2ed: {  	v28 =	vmax.f32 v20, v22;
	v29 =	vld [tilespmem:s9+$0xE000]  }
0x2ee: {  	v10 =	vperm.xlane v28, v0  }
0x2ef: {  	v8 =	vmax.f32 v8, v24  }
0x2f0: {  	v9 =	vmax.f32 v28, v10;
	v30 =	vperm.xlane v8, v0  }
0x2f1: {  	s6 =	sor.u32 $0x410, s3;
	[tilespmem:s18+$0x1C0C0] =	vst.msk vm0, v9;
	v31 =	vmax.f32 v26, v27  }
0x2f2: {  	s9 =	sor.u32 $0x410, s1;
	v32 =	vld [tilespmem:s6+$0xE000];
	v8 =	vmax.f32 v8, v30;
	v33 =	vperm.xlane v31, v0;
	v7 =	vmax.f32 v7, v29  }
0x2f3: {  	v34 =	vld [tilespmem:s9+$0xE000];
	[tilespmem:s18+$0x1C040] =	vst.msk vm0, v8;
	v36 =	vperm.xlane v7, v0  }
0x2f4: {  	v8 =	vld [tilespmem:s7+$0xE000];
	v9 =	vmax.f32 v31, v33  }
0x2f5: {  	v35 =	vld [tilespmem:s30+$0xE000];
	[tilespmem:s28+$0x1C0C0] =	vst.msk vm0, v9;
	v39 =	vmax.f32 v7, v36  }
0x2f6: {  	s12 =	sor.u32 $0x410, s4;
	[tilespmem:s28+$0x1C040] =	vst.msk vm0, v39  }
0x2f7: {  	s13 =	sor.u32 $0x410, s2;
	v37 =	vld [tilespmem:s12+$0xE000];
	s15 =	sld [smem:$0x7ED]  }
0x2f8: {  	v5 =	vmax.f32 v5, v6;
	v38 =	vld [tilespmem:s13+$0xE000]  }
0x2f9: {  	v40 =	vperm.xlane v5, v0;
	v41 =	vmax.f32 v32, v34;
	v42 =	vld [tilespmem:s0+$0xE000]  }
0x2fa: {  	v12 =	vperm.xlane v41, v0;
	v43 =	vmax.f32 v8, v35;
	v6 =	vld [tilespmem:s15+$0xE000]  }
0x2fb: {  	v5 =	vmax.f32 v5, v40;
	v46 =	vperm.xlane v43, v0  }
0x2fc: {  	v44 =	vld [tilespmem:s22+$0xE000];
	s22 =	sor.u32 $0x440, s20;
	[tilespmem:s17+$0x1C0D8] =	vst.msk vm0, v5;
	v45 =	vmax.f32 v41, v12  }
0x2fd: {  	s23 =	sor.u32 $0x420, s3;
	v47 =	vld [tilespmem:s22+$0xE000];
	[tilespmem:s18+$0x1C0C8] =	vst.msk vm0, v45;
	v48 =	vmax.f32 v37, v38;
	v7 =	vmax.f32 v43, v46  }
0x2fe: {  	s25 =	sor.u32 $0x420, s1;
	v49 =	vld [tilespmem:s23+$0xE000];
	v50 =	vperm.xlane v48, v0;
	[tilespmem:s18+$0x1C048] =	vst.msk vm0, v7  }
0x2ff: {  	v51 =	vld [tilespmem:s25+$0xE000];
	s30 =	rddreg [dreg:$0x1a];
	v6 =	vmax.f32 v6, v42  }
0x300: {  	v5 =	vmax.f32 v48, v50;
	s31 =	rddreg [dreg:$0x1c];
	v7 =	vld [tilespmem:s30+$0xE000];
	v53 =	vperm.xlane v6, v0  }
0x301: {  	s5 =	sor.u32 $0x420, s4;
	v52 =	vld [tilespmem:s31+$0xE000];
	[tilespmem:s28+$0x1C0C8] =	vst.msk vm0, v5  }
0x302: {  	v4 =	vmax.f32 v4, v44;
	s6 =	sor.u32 $0x420, s2;
	v54 =	vld [tilespmem:s5+$0xE000];
	v5 =	vmax.f32 v6, v53  }
0x303: {  	v56 =	vperm.xlane v4, v0;
	v55 =	vld [tilespmem:s6+$0xE000];
	[tilespmem:s28+$0x1C048] =	vst.msk vm0, v5  }
0x304: {  	v11 =	vmax.f32 v49, v51;
	s9 =	rddreg [dreg:$0x1e];
	v58 =	vld [tilespmem:s10+$0xE000]  }
0x305: {  	v4 =	vmax.f32 v4, v56;
	s7 =	sor.u32 $0x440, s19;
	v12 =	vperm.xlane v11, v0;
	v5 =	vld [tilespmem:s9+$0xE000]  }
0x306: {  	v57 =	vld [tilespmem:s7+$0xE000];
	v59 =	vmax.f32 v7, v52;
	[tilespmem:s17+$0x1C050] =	vst.msk vm0, v4  }
0x307: {  	v61 =	vmax.f32 v11, v12;
	v62 =	vperm.xlane v59, v0;
	v60 =	vld [tilespmem:s21+$0xE000]  }
0x308: {  	v8 =	vmax.f32 v54, v55;
	[tilespmem:s18+$0x1C0D0] =	vst.msk vm0, v61;
	s10 =	sor.u32 $0x430, s3;
	v63 =	vld [tilespmem:s11+$0xE000]  }
0x309: {  	v16 =	vperm.xlane v8, v0;
	v4 =	vmax.f32 v59, v62;
	v9 =	vld [tilespmem:s10+$0xE000];
	s11 =	sor.u32 $0x430, s1  }
0x30a: {  	[tilespmem:s18+$0x1C050] =	vst.msk vm0, v4;
	v17 =	vld [tilespmem:s11+$0xE000];
	v5 =	vmax.f32 v5, v58  }
0x30b: {  	v8 =	vmax.f32 v8, v16;
	v4 =	vld [tilespmem:s29+$0xE000];
	s12 =	rddreg [dreg:$0x18];
	v19 =	vperm.xlane v5, v0  }
0x30c: {  	s13 =	sor.u32 $0x430, s4;
	[tilespmem:s28+$0x1C0D0] =	vst.msk vm0, v8;
	v18 =	vld [tilespmem:s12+$0xE000]  }
0x30d: {  	s15 =	sor.u32 $0x430, s2;
	v6 =	vmax.f32 v47, v57;
	v20 =	vld [tilespmem:s13+$0xE000];
	v5 =	vmax.f32 v5, v19  }
0x30e: {  	v10 =	vperm.xlane v6, v0;
	v21 =	vld [tilespmem:s15+$0xE000];
	v7 =	vmax.f32 v60, v63;
	[tilespmem:s28+$0x1C050] =	vst.msk vm0, v5  }
0x30f: {  	v22 =	vperm.xlane v7, v0;
	v5 =	vld [tilespmem:s14+$0xE000]  }
0x310: {  	v6 =	vmax.f32 v6, v10;
	v25 =	vld [tilespmem:s8+$0xE000]  }
0x311: {  	[tilespmem:s17+$0x1C0E0] =	vst.msk vm0, v6;
	v9 =	vmax.f32 v9, v17;
	v6 =	vmax.f32 v7, v22  }
0x312: {  	v24 =	vperm.xlane v9, v0;
	v4 =	vmax.f32 v4, v18;
	[tilespmem:s17+$0x1C058] =	vst.msk vm0, v6  }
0x313: {  	v26 =	vperm.xlane v4, v0;
	s22 =	rddreg [dreg:$0xc]  }
0x314: {  	v28 =	vmax.f32 v20, v21;
	v7 =	vmax.f32 v9, v24;
	s23 =	rddreg [dreg:$0xe];
	v6 =	vld [tilespmem:s22+$0xE000]  }
0x315: {  	s25 =	sor.u32 $0x440, s3;
	v30 =	vperm.xlane v28, v0;
	[tilespmem:s18+$0x1C0D8] =	vst.msk vm0, v7;
	v4 =	vmax.f32 v4, v26;
	v27 =	vld [tilespmem:s23+$0xE000];
	v5 =	vmax.f32 v5, v25  }
0x316: {  	s29 =	sor.u32 $0x440, s1;
	v29 =	vld [tilespmem:s25+$0xE000];
	[tilespmem:s18+$0x1C058] =	vst.msk vm0, v4;
	v33 =	vperm.xlane v5, v0  }
0x317: {  	s21 =	sor.u32 $0x450, s20;
	v7 =	vmax.f32 v28, v30;
	v31 =	vld [tilespmem:s29+$0xE000];
	s30 =	rddreg [dreg:$0x14]  }
0x318: {  	v23 =	vld [tilespmem:s21+$0xE000];
	s31 =	rddreg [dreg:$0x16];
	[tilespmem:s28+$0x1C0D8] =	vst.msk vm0, v7;
	v5 =	vmax.f32 v5, v33  }
0x319: {  	v4 =	vld [tilespmem:s30+$0xE000];
	[tilespmem:s28+$0x1C058] =	vst.msk vm0, v5  }
0x31a: {  	s5 =	sor.u32 $0x440, s4;
	v32 =	vld [tilespmem:s31+$0xE000];
	s8 =	sld [smem:$0x7EE]  }
0x31b: {  	s6 =	sor.u32 $0x440, s2;
	v34 =	vld [tilespmem:s5+$0xE000];
	v6 =	vmax.f32 v6, v27;
	s9 =	sld [smem:$0x7EF]  }
0x31c: {  	v35 =	vld [tilespmem:s6+$0xE000];
	v10 =	vmax.f32 v29, v31;
	v11 =	vperm.xlane v6, v0  }
0x31d: {  	v13 =	vperm.xlane v10, v0;
	v5 =	vld [tilespmem:s8+$0xE000]  }
0x31e: {  	s7 =	sor.u32 $0x450, s19;
	v6 =	vmax.f32 v6, v11;
	v15 =	vld [tilespmem:s9+$0xE000]  }
0x31f: {  	v36 =	vld [tilespmem:s7+$0xE000];
	v4 =	vmax.f32 v4, v32;
	v38 =	vmax.f32 v10, v13;
	s10 =	rddreg [dreg:$0x3];
	[tilespmem:s17+$0x1C060] =	vst.msk vm0, v6  }
0x320: {  	s12 =	sor.u32 $0x450, s3;
	v40 =	vperm.xlane v4, v0;
	v37 =	vld [tilespmem:s10+$0xE000];
	s11 =	rddreg [dreg:$0x11];
	[tilespmem:s18+$0x1C0E0] =	vst.msk vm0, v38  }
0x321: {  	s13 =	sor.u32 $0x450, s1;
	v41 =	vmax.f32 v34, v35;
	v42 =	vld [tilespmem:s12+$0xE000]  }
0x322: {  	s15 =	sshll.u32 s26, $0x7;
	v43 =	vperm.xlane v41, v0;
	v4 =	vmax.f32 v4, v40;
	v44 =	vld [tilespmem:s13+$0xE000]  }
0x323: {  	s21 =	sshll.u32 s24, $0x7;
	v39 =	vld [tilespmem:s11+$0xE000];
	s14 =	rddreg [dreg:$0x6];
	[tilespmem:s18+$0x1C060] =	vst.msk vm0, v4;
	s18 =	sadd.s32 $0x80, s15;
	v5 =	vmax.f32 v5, v15  }
0x324: {  	s23 =	sadd.s32 $0x80, s21;
	v46 =	vmax.f32 v41, v43;
	v45 =	vld [tilespmem:s14+$0xE000];
	s17 =	rddreg [dreg:$0x8];
	v49 =	vor.u32 s18, v1;
	v48 =	vperm.xlane v5, v0  }
0x325: {  	s19 =	sor.u32 $0x450, s4;
	v7 =	vmax.f32 v23, v36;
	v52 =	vor.u32 s23, v1;
	[tilespmem:s28+$0x1C0E0] =	vst.msk vm0, v46;
	v47 =	vld [tilespmem:s17+$0xE000]  }
0x326: {  	s20 =	sor.u32 $0x450, s2;
	v8 =	vperm.xlane v7, v0;
	v50 =	vld [tilespmem:s19+$0xE000];
	v2 =	vmax.f32 v2, v37;
	v4 =	vmax.f32 v5, v48  }
0x327: {  	v16 =	vld [tilespmem:s20+$0xE000];
	s22 =	rddreg [dreg:$0xa];
	v17 =	vperm.xlane v2, v0;
	v54 =	vmax.f32 v42, v44;
	[tilespmem:s28+$0x1C060] =	vst.msk vm0, v4  }
0x328: {  	v7 =	vmax.f32 v7, v8;
	v51 =	vld [tilespmem:s22+$0xE000];
	v56 =	vperm.xlane v54, v0;
	s28 =	simm.s32 $0x1C000;
	s24 =	rddreg [dreg:$0x10]  }
0x329: {  	v2 =	vmax.f32 v2, v17;
	s25 =	rddreg [dreg:$0x1b];
	[tilespmem:v49+s28+$0x0] =	vst.idx.msk vm0, v7;
	v53 =	vld [tilespmem:s24+$0xE000]  }
0x32a: {  	s26 =	sshll.u32 s16, $0x7;
	[tilespmem:v3+s28+$0x0] =	vst.idx.msk vm0, v2;
	v3 =	vmax.f32 v54, v56;
	v18 =	vld [tilespmem:s25+$0xE000]  }
0x32b: {  	v55 =	vor.u32 s15, v1;
	s29 =	sadd.s32 $0x80, s26;
	[tilespmem:v52+s28+$0x0] =	vst.idx.msk vm0, v3  }
0x32c: {  	v58 =	vor.u32 s29, v1;
	v2 =	vmax.f32 v39, v45;
	s2 =	sld [smem:$0x7F3]  }
0x32d: {  	v57 =	vor.u32 s21, v1;
	v59 =	vmax.f32 v50, v16;
	v6 =	vperm.xlane v2, v0  }
0x32e: {  	v60 =	vperm.xlane v59, v0;
	v5 =	vmax.f32 v47, v51;
	v3 =	vor.u32 s26, v1  }
0x32f: {  	v61 =	vperm.xlane v5, v0;
	v2 =	vmax.f32 v2, v6;
	s30 =	smul.u32 $0x3800, s2;
	v62 =	vmax.f32 v53, v18  }
.Ltmp4:
0x330: {  	[tilespmem:v55+s28+$0x0] =	vst.idx.msk vm0, v2;
	v2 =	vmax.f32 v59, v60;
	v63 =	vperm.xlane v62, v0;
	(pc) =	sbr.rel @p0 .LBB2_8-.Ltmp4, $4  }
0x331: {  	s31 =	rddreg [dreg:$0x1];
	[tilespmem:v58+s28+$0x0] =	vst.idx.msk vm0, v2;
	v2 =	vmax.f32 v5, v61;
	s0 =	sshrl.u32 s30, $0x3  }
0x332: {  	[tilespmem:v57+s28+$0x0] =	vst.idx.msk vm0, v2;
	s0 =	sadd.s32 s31, s0;
	v2 =	vmax.f32 v62, v63  }
0x333: {  	s5 =	simm.s32 $0x0;
	s12 =	simm.s32 $0x1C000;
	s0 =	sadd.s32 $0x700, s0;
	[tilespmem:v3+s28+$0x0] =	vst.idx.msk vm0, v2  }
0x334: {  	[hbm4b:s0+s5] =	stream.linear.scatter [tilespmem:s28], [sflag:$0x3], $0x3800, $0x38;
	[tilespmem:$0x1F800] =	vst v63  }
0x335: {  	s0 =	smul.u32 $0xE000, s2  }
.Ltmp5:
0x336: {  	s10 =	sld [smem:$0x7F2];
	(pc) =	sbr.rel .LBB2_2-.Ltmp5, $4  }
0x337: {  	s1 =	rddreg [dreg:$0x0];
	s0 =	sshrl.u32 s0, $0x3  }
0x338: {  	s0 =	sadd.s32 s1, s0  }
0x339: {  	s31 =	simm.s32 $0xE000;
	s10 =	sadd.s32 $0x1, s10;
	s0 =	sadd.s32 $0x5400, s0  }
0x33a: {  	[tilespmem:s31], [sflag:$0x2] =	stream.linear.gather [hbm4b:s0+s5], $0xE000, $0x38;
	[tilespmem:$0x1F800] =	vst v63  }
.LBB2_9:
0x33b: {  	_ =	sfence.sel $0x180000  }
0x33c: {  	[bflag:$0x0] =	sbarrier.arrive $0xFFFF  }
0x33d: {  	_ =	strace $0x90000047  }
0x33e: {  	s0 =	stileid.u32;
	[bflag:$0x2] =	sbarrier.arrive $0xFFFF  }
0x33f: {  	p0 =	sne.s32 s0, $0x0;
	s0 =	rddreg [dreg:$0x2]  }
0x340: {  	s0 =	sadd.s32 @!p0 $0x100000, s0  }
0x341: {  	[sflag:s0] =	ssyncadd.tile.s32 @!p0 $0x1;
	_ =	shalt  }
.Lfunc_end2:
_tile_overlayer_lowered:
.L_overlay_start_2:
0x342: {  	(tag) =	ssettag $0x2  }
0x343: {  	s0 =	rddreg [dreg:$0x0];
	s2 =	stileid.u32  }
0x344: {  	s1 =	rddreg [dreg:$0x1];
	p0 =	sne.s32 s2, $0x0  }
0x345: {  	s3 =	rddreg [dreg:$0x2];
	[bflag:$0x3] =	sbarrier.arrive $0xFFFF;
	s2 =	simm.s32 @!p0 $0x1C04  }
0x346: {  	[timem:s3], [sflag:s2] =	dma.local @!p0 [hbm:s0], s1  }
0x347: {  	s0 =	simm.s32 @!p0 $0x4  }
0x348: {  	_ =	swait.ge @!p0 [sflag:s0], s1  }
0x349: {  	s1 =	ssub.s32 @!p0 $0x0, s1;
	[sflag:s0] =	ssyncset.done @!p0 $0x0  }
0x34a: {  	[sflag:s0] =	ssyncadd.s32 @!p0 s1  }
0x34b: {  	[bflag:$0x3] =	sbarrier.arrive $0xFFFF  }
0x34c: {  	_ =	shalt  }

</sc_bundles>
